<compile_context>
chip_gen: v7x
topology: tpu7x:2x2x1
jax: 0.10.2.dev20260603
libtpu: 0.0.44.dev20260713+nightly
codegen_flags: <defaults>
</compile_context>

<pallas_src>
import functools

import jax
import jax.numpy as jnp
from jax import lax
from jax.experimental import pallas as pl
from jax.experimental.pallas import tpu as pltpu
from jax.experimental.pallas import tpu_sc as plsc

N_NODES = 10000
N_EDGES = 320000
D = 128
N_GRAPHS = 64
EPS = 1e-7
MIN_NORM = 1e-15

NC, NS = 2, 16
NW = NC * NS
EPW = N_EDGES // NW
CH = 80
NCHUNK = EPW // CH
RPAD = 10240
ZR = RPAD // NS
ORT = N_NODES // NS
NBLK = 5
BLK = N_NODES // NBLK

_f32 = jnp.float32



GRP = 25
NGRP = NCHUNK // GRP

_sc_mesh = plsc.VectorSubcoreMesh(core_axis_name="c", subcore_axis_name="s")


def _edge_agg_body(m_hbm, ei, agg_out, src_v, dst_v, rows0, rows1,
                   rows2, acc, sem0, sem1, sem2):
    c = lax.axis_index("c")
    s = lax.axis_index("s")
    wid = c * NS + s
    rows = (rows0, rows1, rows2)
    sems = (sem0, sem1, sem2)
    dummy = m_hbm.at[pl.ds(0, CH)]

    def _wait(b):
        pltpu.make_async_copy(dummy, rows[b], sems[b]).wait()

    def _gather(jj, b):
        pltpu.async_copy(m_hbm.at[src_v.at[jj]], rows[b], sems[b])

    def _scatter(jj, b):
        pltpu.sync_copy(rows[b], acc.at[dst_v.at[jj]], add=True)

    def _zrow(i, carry):
        for j in range(D // 16):
            rows0[i, pl.ds(j * 16, 16)] = jnp.zeros((16,), _f32)
        return carry
    lax.fori_loop(0, CH, _zrow, 0)
    for k in range(ZR // CH):
        pltpu.sync_copy(rows0, acc.at[pl.ds(s * ZR + k * CH, CH)])
    plsc.subcore_barrier()

    def group(g, carry):
        pltpu.sync_copy(ei.at[0].at[wid * NGRP + g], src_v)
        pltpu.sync_copy(ei.at[1].at[wid * NGRP + g], dst_v)
        _gather(0, 0)
        _gather(1, 1)

        def triple(t, carry2):
            for k in range(3):
                _wait(k)
                _gather(3 * t + k + 2, (k + 2) % 3)
                _scatter(3 * t + k, k)
            return carry2
        lax.fori_loop(0, (GRP - 4) // 3, triple, 0)
        _wait(0); _gather(GRP - 2, 2); _scatter(GRP - 4, 0)
        _wait(1); _gather(GRP - 1, 0); _scatter(GRP - 3, 1)
        _wait(2); _scatter(GRP - 2, 2)
        _wait(0); _scatter(GRP - 1, 0)
        return carry
    lax.fori_loop(0, NGRP, group, 0)

    plsc.subcore_barrier()
    pltpu.sync_copy(acc.at[pl.ds(s * ZR, ZR)],
                    agg_out.at[c].at[pl.ds(s * ZR, ZR)])


_edge_agg = pl.kernel(
    _edge_agg_body,
    out_type=jax.ShapeDtypeStruct((NC, RPAD, D), _f32),
    mesh=_sc_mesh,
    scratch_types=[
        pltpu.VMEM((GRP, CH), jnp.int32),
        pltpu.VMEM((GRP, CH), jnp.int32),
        pltpu.VMEM((CH, D), _f32),
        pltpu.VMEM((CH, D), _f32),
        pltpu.VMEM((CH, D), _f32),
        pltpu.VMEM_SHARED((RPAD, D), _f32),
        pltpu.SemaphoreType.DMA,
        pltpu.SemaphoreType.DMA,
        pltpu.SemaphoreType.DMA,
    ])



def _pre_body(x_ref, w_ref, o_ref):
    x = x_ref[...]
    x0 = x[:, 0:1]
    sq = jnp.maximum(jnp.sum(x * x, axis=1, keepdims=True) - x0 * x0, 0.0)
    ynorm = jnp.maximum(jnp.sqrt(sq), MIN_NORM)
    th = jnp.maximum(x0, 1.0 + EPS)
    arc = jnp.log(th + jnp.sqrt(jnp.maximum(th * th - 1.0, MIN_NORM)))
    u = x * (arc / ynorm)
    lane = lax.broadcasted_iota(jnp.int32, (BLK, D), 1)
    u = jnp.where(lane == 0, 0.0, u)
    m = lax.dot_general(u, w_ref[...], (((1,), (1,)), ((), ())),
                        precision=lax.Precision.DEFAULT)
    o_ref[...] = jnp.where(lane == 0, 1.0, m)


_pre = pl.pallas_call(
    _pre_body,
    grid=(NBLK,),
    in_specs=[pl.BlockSpec((BLK, D), lambda i: (i, 0)),
              pl.BlockSpec((D, D), lambda i: (0, 0))],
    out_specs=pl.BlockSpec((BLK, D), lambda i: (i, 0)),
    out_shape=jax.ShapeDtypeStruct((N_NODES, D), _f32),
)


def _mid_body(p0_ref, p1_ref, w_ref, o_ref):
    a = p0_ref[0] + p1_ref[0]
    cnt = jnp.maximum(a[:, 0:1], 1.0)
    lane = lax.broadcasted_iota(jnp.int32, (BLK, D), 1)
    r = jnp.where(lane == 0, 0.0, jnp.maximum(a / cnt, 0.0))
    m = lax.dot_general(r, w_ref[...], (((1,), (1,)), ((), ())),
                        precision=lax.Precision.DEFAULT)
    o_ref[...] = jnp.where(lane == 0, 1.0, m)


_mid = pl.pallas_call(
    _mid_body,
    grid=(NBLK,),
    in_specs=[pl.BlockSpec((1, BLK, D), lambda i: (0, i, 0)),
              pl.BlockSpec((1, BLK, D), lambda i: (1, i, 0)),
              pl.BlockSpec((D, D), lambda i: (0, 0))],
    out_specs=pl.BlockSpec((BLK, D), lambda i: (i, 0)),
    out_shape=jax.ShapeDtypeStruct((N_NODES, D), _f32),
)


def _pool_body(p0_ref, p1_ref, b_ref, w_ref, bias_ref, o_ref, acc, bacc):
    i = pl.program_id(0)

    @pl.when(i == 0)
    def _init():
        acc[...] = jnp.zeros((N_GRAPHS, D), _f32)
        bacc[...] = jnp.zeros((N_GRAPHS, 1), _f32)

    a = p0_ref[0] + p1_ref[0]
    cnt = jnp.maximum(a[:, 0:1], 1.0)
    lane = lax.broadcasted_iota(jnp.int32, (BLK, D), 1)
    r = jnp.where(lane == 0, 0.0, jnp.maximum(a / cnt, 0.0))
    b = b_ref[0, 0, :]
    g = lax.broadcasted_iota(jnp.int32, (N_GRAPHS, BLK), 0)
    oh = (g == b[None, :]).astype(_f32)
    acc[...] = acc[...] + lax.dot_general(oh, r, (((1,), (0,)), ((), ())),
                                          precision=lax.Precision.DEFAULT)
    bacc[...] = bacc[...] + jnp.sum(oh, axis=1, keepdims=True)

    @pl.when(i == NBLK - 1)
    def _fin():
        pooled = acc[...] / jnp.maximum(bacc[...], 1.0)
        o_ref[...] = lax.dot_general(pooled, w_ref[...], (((1,), (1,)), ((), ())),
                                     precision=lax.Precision.HIGHEST) + bias_ref[...]


_pool = pl.pallas_call(
    _pool_body,
    grid=(NBLK,),
    in_specs=[pl.BlockSpec((1, BLK, D), lambda i: (0, i, 0)),
              pl.BlockSpec((1, BLK, D), lambda i: (1, i, 0)),
              pl.BlockSpec((1, 1, BLK), lambda i: (i, 0, 0)),
              pl.BlockSpec((D, D), lambda i: (0, 0)),
              pl.BlockSpec((1, D), lambda i: (0, 0))],
    out_specs=pl.BlockSpec((N_GRAPHS, D), lambda i: (0, 0)),
    out_shape=jax.ShapeDtypeStruct((N_GRAPHS, D), _f32),
    scratch_shapes=[pltpu.VMEM((N_GRAPHS, D), _f32),
                    pltpu.VMEM((N_GRAPHS, 1), _f32)],
)


def kernel(x, edge_index, batch, W1, W2, W4, b4):
    ei = edge_index.reshape(2, NW * NGRP, GRP, CH)
    batch3 = batch.reshape(NBLK, 1, BLK)
    b42 = b4.reshape(1, D)

    m1 = _pre(x, W1)
    agg1 = _edge_agg(m1, ei)
    m2 = _mid(agg1, agg1, W2)
    agg2 = _edge_agg(m2, ei)
    return _pool(agg2, agg2, batch3, W4, b42)

# --- scband reference (transcript-rebuilt; emitter-appended) ---
"""Pipeline reference for scband-hgcn-pyg-31353261261179 (READ-ONLY COPY).

The authoritative reference and input builder live on the scoring server;
editing this copy changes nothing except your own understanding.
"""

import jax, jax.numpy as jnp
import numpy as np

EPS = 1e-7
MIN_NORM = 1e-15
C = 1.0
N_NODES = 10000
N_EDGES = 320000
D_IN = 128
D_HID = 128
D_OUT = 128
N_GRAPHS = 64


def arcosh(x):
    return jnp.log(x + jnp.sqrt(jnp.clip(x * x - 1.0, 1e-15, None)))


def hyp_proj(x, c):
    K = 1.0 / c
    y = x[:, 1:]
    y_sqnorm = jnp.sum(y * y, axis=1, keepdims=True)
    t = jnp.sqrt(jnp.clip(K + y_sqnorm, EPS, None))
    return jnp.concatenate([t, y], axis=1)


def proj_tan0(u, c):
    return jnp.concatenate([jnp.zeros_like(u[:, :1]), u[:, 1:]], axis=1)


def expmap0(u, c):
    sqrtK = (1.0 / c) ** 0.5
    xs = u[:, 1:]
    x_norm = jnp.clip(jnp.linalg.norm(xs, axis=1, keepdims=True), MIN_NORM, None)
    theta = x_norm / sqrtK
    t = sqrtK * jnp.cosh(theta)
    s = sqrtK * jnp.sinh(theta) * xs / x_norm
    return hyp_proj(jnp.concatenate([t, s], axis=1), c)


def logmap0(x, c):
    sqrtK = (1.0 / c) ** 0.5
    y = x[:, 1:]
    y_norm = jnp.clip(jnp.linalg.norm(y, axis=1, keepdims=True), MIN_NORM, None)
    theta = jnp.clip(x[:, :1] / sqrtK, 1.0 + EPS, None)
    res = sqrtK * arcosh(theta) * y / y_norm
    return jnp.concatenate([jnp.zeros_like(x[:, :1]), res], axis=1)


def mobius_matvec(m, x, c):
    u = logmap0(x, c)
    mu = u @ m.T
    return expmap0(mu, c)


def hgcn_conv(x, edge_index, W, c):
    # HypLinear (no bias): mobius matvec + projection onto hyperboloid
    h = hyp_proj(mobius_matvec(W, x, c), c)
    # HypAgg: mean aggregation in the tangent space at the origin
    xt = logmap0(h, c)
    src = edge_index[0]
    dst = edge_index[1]
    msg = jnp.take(xt, src, axis=0)
    agg = jax.ops.segment_sum(msg, dst, num_segments=N_NODES)
    cnt = jax.ops.segment_sum(jnp.ones((msg.shape[0], 1), xt.dtype), dst, num_segments=N_NODES)
    agg = agg / jnp.clip(cnt, 1.0, None)
    return hyp_proj(expmap0(proj_tan0(agg, c), c), c)


def hyp_act(x, c):
    xt = jax.nn.relu(logmap0(x, c))
    xt = proj_tan0(xt, c)
    return hyp_proj(expmap0(xt, c), c)


def setup_inputs(seed: int = 0):
    key = jax.random.key(seed)
    k1, k2, k3, k4, k5, k6, k7 = jax.random.split(key, 7)
    x = jax.random.normal(k1, (N_NODES, D_IN), dtype=jnp.float32)
    edge_index = jax.random.randint(k2, (2, N_EDGES), 0, N_NODES, dtype=jnp.int32)
    batch = jnp.sort(jax.random.randint(k3, (N_NODES,), 0, N_GRAPHS, dtype=jnp.int32))
    W1 = jax.random.normal(k4, (D_HID, D_IN), dtype=jnp.float32) * 0.1
    W2 = jax.random.normal(k5, (D_HID, D_HID), dtype=jnp.float32) * 0.1
    W4 = jax.random.normal(k6, (D_OUT, D_HID), dtype=jnp.float32) * 0.1
    b4 = jax.random.normal(k7, (D_OUT,), dtype=jnp.float32) * 0.01
    return {"x": x, "edge_index": edge_index, "batch": batch, "W1": W1, "W2": W2, "W4": W4, "b4": b4}


def reference(x, edge_index, batch, W1, W2, W4, b4):
    c = C
    h = hgcn_conv(x, edge_index, W1, c)
    h = hyp_act(h, c)
    h = hgcn_conv(h, edge_index, W2, c)
    h = hyp_act(h, c)
    t = logmap0(h, c)
    t = proj_tan0(t, c)
    pooled = jax.ops.segment_sum(t, batch, num_segments=N_GRAPHS)
    cnt = jax.ops.segment_sum(jnp.ones((t.shape[0], 1), t.dtype), batch, num_segments=N_GRAPHS)
    pooled = pooled / jnp.clip(cnt, 1.0, None)
    # dropout is identity in eval mode
    return pooled @ W4.T + b4

if __name__ == "__main__":
    import jax
    _d = setup_inputs()
    print(jax.jit(kernel)(*tuple(_d.values())))

</pallas_src>

<mosaic_0001>
#map = affine_map<(d0, d1) -> (0, 0)>
#map1 = affine_map<(d0, d1) -> (0, 0, 0, 0)>
#map2 = affine_map<(d0, d1) -> (0, 0, 0)>
module attributes {stable_mosaic.version = 14 : i64} {
  func.func @_edge_agg_body(%arg0: i32, %arg1: i32, %arg2: memref<10000x128xf32, #tpu.memory_space<hbm>>, %arg3: memref<2x160x25x80xi32, #tpu.memory_space<hbm>>, %arg4: memref<2x10240x128xf32, #tpu.memory_space<hbm>>, %arg5: memref<25x80xi32, #tpu.memory_space<vmem>>, %arg6: memref<25x80xi32, #tpu.memory_space<vmem>>, %arg7: memref<80x128xf32, #tpu.memory_space<vmem>>, %arg8: memref<80x128xf32, #tpu.memory_space<vmem>>, %arg9: memref<80x128xf32, #tpu.memory_space<vmem>>, %arg10: memref<10240x128xf32, #tpu.memory_space<vmem_shared>>, %arg11: memref<!tpu.dma_semaphore, #tpu.memory_space<semaphore_mem>>, %arg12: memref<!tpu.dma_semaphore, #tpu.memory_space<semaphore_mem>>, %arg13: memref<!tpu.dma_semaphore, #tpu.memory_space<semaphore_mem>>) attributes {dimension_semantics = [#tpu.dimension_semantics<core_parallel>, #tpu.dimension_semantics<subcore_parallel>], iteration_bounds = array<i64: 2, 16>, scalar_prefetch = 0 : i64, scratch_operands = 9 : i64, tpu.core_type = #tpu.core_type<sc_vector_subcore>, window_params = [{transform_indices = #map}, {transform_indices = #map1}, {transform_indices = #map2}]} {
    %mul3A = arith.constant 16 : i32
    %mul3A_0 = arith.muli %arg0, %mul3A : i32
    %add3A = arith.addi %mul3A_0, %arg1 : i32
    %scan3A = arith.constant 0 : i32
    %scan3A_1 = arith.constant 0 : i32
    %scan3A_2 = arith.constant 80 : i32
    %scan3A_3 = arith.addi %scan3A_1, %scan3A_2 : i32
    %scan3A_4 = arith.constant 1 : i32
    scf.for %scan3A_49 = %scan3A_1 to %scan3A_3 step %scan3A_4  : i32 {
      %broadcast_in_dim3A = arith.constant 0.000000e+00 : f32
      %broadcast_in_dim3A_50 = vector.broadcast %broadcast_in_dim3A : f32 to vector<16xf32>
      %swap3A = arith.index_cast %scan3A_49 : i32 to index
      %swap3A_51 = arith.constant 0 : index
      %swap3A_52 = tpu.vector_load %arg7[%swap3A, %swap3A_51] {strides = array<i32>} : memref<80x128xf32, #tpu.memory_space<vmem>>, vector<1x16xf32>,
      %swap3A_53 = vector.shape_cast %swap3A_52 : vector<1x16xf32> to vector<16xf32>
      %swap3A_54 = vector.shape_cast %broadcast_in_dim3A_50 : vector<16xf32> to vector<1x16xf32>
      tpu.vector_store %arg7[%swap3A, %swap3A_51], %swap3A_54 {strides = array<i32>} : memref<80x128xf32, #tpu.memory_space<vmem>>, vector<1x16xf32>,
      %broadcast_in_dim3A_55 = arith.constant 0.000000e+00 : f32
      %broadcast_in_dim3A_56 = vector.broadcast %broadcast_in_dim3A_55 : f32 to vector<16xf32>
      %swap3A_57 = arith.index_cast %scan3A_49 : i32 to index
      %swap3A_58 = arith.constant 16 : index
      %swap3A_59 = tpu.vector_load %arg7[%swap3A_57, %swap3A_58] {strides = array<i32>} : memref<80x128xf32, #tpu.memory_space<vmem>>, vector<1x16xf32>,
      %swap3A_60 = vector.shape_cast %swap3A_59 : vector<1x16xf32> to vector<16xf32>
      %swap3A_61 = vector.shape_cast %broadcast_in_dim3A_56 : vector<16xf32> to vector<1x16xf32>
      tpu.vector_store %arg7[%swap3A_57, %swap3A_58], %swap3A_61 {strides = array<i32>} : memref<80x128xf32, #tpu.memory_space<vmem>>, vector<1x16xf32>,
      %broadcast_in_dim3A_62 = arith.constant 0.000000e+00 : f32
      %broadcast_in_dim3A_63 = vector.broadcast %broadcast_in_dim3A_62 : f32 to vector<16xf32>
      %swap3A_64 = arith.index_cast %scan3A_49 : i32 to index
      %swap3A_65 = arith.constant 32 : index
      %swap3A_66 = tpu.vector_load %arg7[%swap3A_64, %swap3A_65] {strides = array<i32>} : memref<80x128xf32, #tpu.memory_space<vmem>>, vector<1x16xf32>,
      %swap3A_67 = vector.shape_cast %swap3A_66 : vector<1x16xf32> to vector<16xf32>
      %swap3A_68 = vector.shape_cast %broadcast_in_dim3A_63 : vector<16xf32> to vector<1x16xf32>
      tpu.vector_store %arg7[%swap3A_64, %swap3A_65], %swap3A_68 {strides = array<i32>} : memref<80x128xf32, #tpu.memory_space<vmem>>, vector<1x16xf32>,
      %broadcast_in_dim3A_69 = arith.constant 0.000000e+00 : f32
      %broadcast_in_dim3A_70 = vector.broadcast %broadcast_in_dim3A_69 : f32 to vector<16xf32>
      %swap3A_71 = arith.index_cast %scan3A_49 : i32 to index
      %swap3A_72 = arith.constant 48 : index
      %swap3A_73 = tpu.vector_load %arg7[%swap3A_71, %swap3A_72] {strides = array<i32>} : memref<80x128xf32, #tpu.memory_space<vmem>>, vector<1x16xf32>,
      %swap3A_74 = vector.shape_cast %swap3A_73 : vector<1x16xf32> to vector<16xf32>
      %swap3A_75 = vector.shape_cast %broadcast_in_dim3A_70 : vector<16xf32> to vector<1x16xf32>
      tpu.vector_store %arg7[%swap3A_71, %swap3A_72], %swap3A_75 {strides = array<i32>} : memref<80x128xf32, #tpu.memory_space<vmem>>, vector<1x16xf32>,
      %broadcast_in_dim3A_76 = arith.constant 0.000000e+00 : f32
      %broadcast_in_dim3A_77 = vector.broadcast %broadcast_in_dim3A_76 : f32 to vector<16xf32>
      %swap3A_78 = arith.index_cast %scan3A_49 : i32 to index
      %swap3A_79 = arith.constant 64 : index
      %swap3A_80 = tpu.vector_load %arg7[%swap3A_78, %swap3A_79] {strides = array<i32>} : memref<80x128xf32, #tpu.memory_space<vmem>>, vector<1x16xf32>,
      %swap3A_81 = vector.shape_cast %swap3A_80 : vector<1x16xf32> to vector<16xf32>
      %swap3A_82 = vector.shape_cast %broadcast_in_dim3A_77 : vector<16xf32> to vector<1x16xf32>
      tpu.vector_store %arg7[%swap3A_78, %swap3A_79], %swap3A_82 {strides = array<i32>} : memref<80x128xf32, #tpu.memory_space<vmem>>, vector<1x16xf32>,
      %broadcast_in_dim3A_83 = arith.constant 0.000000e+00 : f32
      %broadcast_in_dim3A_84 = vector.broadcast %broadcast_in_dim3A_83 : f32 to vector<16xf32>
      %swap3A_85 = arith.index_cast %scan3A_49 : i32 to index
      %swap3A_86 = arith.constant 80 : index
      %swap3A_87 = tpu.vector_load %arg7[%swap3A_85, %swap3A_86] {strides = array<i32>} : memref<80x128xf32, #tpu.memory_space<vmem>>, vector<1x16xf32>,
      %swap3A_88 = vector.shape_cast %swap3A_87 : vector<1x16xf32> to vector<16xf32>
      %swap3A_89 = vector.shape_cast %broadcast_in_dim3A_84 : vector<16xf32> to vector<1x16xf32>
      tpu.vector_store %arg7[%swap3A_85, %swap3A_86], %swap3A_89 {strides = array<i32>} : memref<80x128xf32, #tpu.memory_space<vmem>>, vector<1x16xf32>,
      %broadcast_in_dim3A_90 = arith.constant 0.000000e+00 : f32
      %broadcast_in_dim3A_91 = vector.broadcast %broadcast_in_dim3A_90 : f32 to vector<16xf32>
      %swap3A_92 = arith.index_cast %scan3A_49 : i32 to index
      %swap3A_93 = arith.constant 96 : index
      %swap3A_94 = tpu.vector_load %arg7[%swap3A_92, %swap3A_93] {strides = array<i32>} : memref<80x128xf32, #tpu.memory_space<vmem>>, vector<1x16xf32>,
      %swap3A_95 = vector.shape_cast %swap3A_94 : vector<1x16xf32> to vector<16xf32>
      %swap3A_96 = vector.shape_cast %broadcast_in_dim3A_91 : vector<16xf32> to vector<1x16xf32>
      tpu.vector_store %arg7[%swap3A_92, %swap3A_93], %swap3A_96 {strides = array<i32>} : memref<80x128xf32, #tpu.memory_space<vmem>>, vector<1x16xf32>,
      %broadcast_in_dim3A_97 = arith.constant 0.000000e+00 : f32
      %broadcast_in_dim3A_98 = vector.broadcast %broadcast_in_dim3A_97 : f32 to vector<16xf32>
      %swap3A_99 = arith.index_cast %scan3A_49 : i32 to index
      %swap3A_100 = arith.constant 112 : index
      %swap3A_101 = tpu.vector_load %arg7[%swap3A_99, %swap3A_100] {strides = array<i32>} : memref<80x128xf32, #tpu.memory_space<vmem>>, vector<1x16xf32>,
      %swap3A_102 = vector.shape_cast %swap3A_101 : vector<1x16xf32> to vector<16xf32>
      %swap3A_103 = vector.shape_cast %broadcast_in_dim3A_98 : vector<16xf32> to vector<1x16xf32>
      tpu.vector_store %arg7[%swap3A_99, %swap3A_100], %swap3A_103 {strides = array<i32>} : memref<80x128xf32, #tpu.memory_space<vmem>>, vector<1x16xf32>,
    }
    %scan3A_5 = arith.constant 80 : i32
    %mul3A_6 = arith.constant 640 : i32
    %mul3A_7 = arith.muli %arg1, %mul3A_6 : i32
    %add3A_8 = arith.constant 0 : i32
    %add3A_9 = arith.addi %mul3A_7, %add3A_8 : i32
    "tpu.region"() ({
      %run_scoped3A = tpu.sem_alloc : memref<!tpu.dma_semaphore, #tpu.memory_space<semaphore_mem>>
      %dma_start3A = arith.constant 0 : i32
      %dma_start3A_49 = tpu.memref_slice %arg10[%add3A_9, %dma_start3A] : memref<10240x128xf32, #tpu.memory_space<vmem_shared>> -> memref<80x128xf32, #tpu.memory_space<vmem_shared>>
      %dma_start3A_50 = arith.constant 0 : i32
      %dma_start3A_51 = tpu.memref_slice %arg10[%add3A_9, %dma_start3A_50] : memref<10240x128xf32, #tpu.memory_space<vmem_shared>> -> memref<80x128xf32, #tpu.memory_space<vmem_shared>>
      tpu.enqueue_dma source(%arg7 : memref<80x128xf32, #tpu.memory_space<vmem>>) target(%dma_start3A_51 : memref<80x128xf32, #tpu.memory_space<vmem_shared>>) target_semaphore(%run_scoped3A : memref<!tpu.dma_semaphore, #tpu.memory_space<semaphore_mem>>)
      %dma_wait3A = arith.constant 0 : i32
      %dma_wait3A_52 = tpu.memref_slice %arg10[%add3A_9, %dma_wait3A] : memref<10240x128xf32, #tpu.memory_space<vmem_shared>> -> memref<80x128xf32, #tpu.memory_space<vmem_shared>>
      %dma_wait3A_53 = arith.constant 0 : i32
      %dma_wait3A_54 = tpu.memref_slice %arg10[%add3A_9, %dma_wait3A_53] : memref<10240x128xf32, #tpu.memory_space<vmem_shared>> -> memref<80x128xf32, #tpu.memory_space<vmem_shared>>
      tpu.wait_dma2 semaphore(%run_scoped3A : memref<!tpu.dma_semaphore, #tpu.memory_space<semaphore_mem>>) src(%arg7 : memref<80x128xf32, #tpu.memory_space<vmem>>) dst(%dma_wait3A_54 : memref<80x128xf32, #tpu.memory_space<vmem_shared>>)
      tpu.yield
    }) : () -> ()
    %mul3A_10 = arith.constant 640 : i32
    %mul3A_11 = arith.muli %arg1, %mul3A_10 : i32
    %add3A_12 = arith.constant 80 : i32
    %add3A_13 = arith.addi %mul3A_11, %add3A_12 : i32
    "tpu.region"() ({
      %run_scoped3A = tpu.sem_alloc : memref<!tpu.dma_semaphore, #tpu.memory_space<semaphore_mem>>
      %dma_start3A = arith.constant 0 : i32
      %dma_start3A_49 = tpu.memref_slice %arg10[%add3A_13, %dma_start3A] : memref<10240x128xf32, #tpu.memory_space<vmem_shared>> -> memref<80x128xf32, #tpu.memory_space<vmem_shared>>
      %dma_start3A_50 = arith.constant 0 : i32
      %dma_start3A_51 = tpu.memref_slice %arg10[%add3A_13, %dma_start3A_50] : memref<10240x128xf32, #tpu.memory_space<vmem_shared>> -> memref<80x128xf32, #tpu.memory_space<vmem_shared>>
      tpu.enqueue_dma source(%arg7 : memref<80x128xf32, #tpu.memory_space<vmem>>) target(%dma_start3A_51 : memref<80x128xf32, #tpu.memory_space<vmem_shared>>) target_semaphore(%run_scoped3A : memref<!tpu.dma_semaphore, #tpu.memory_space<semaphore_mem>>)
      %dma_wait3A = arith.constant 0 : i32
      %dma_wait3A_52 = tpu.memref_slice %arg10[%add3A_13, %dma_wait3A] : memref<10240x128xf32, #tpu.memory_space<vmem_shared>> -> memref<80x128xf32, #tpu.memory_space<vmem_shared>>
      %dma_wait3A_53 = arith.constant 0 : i32
      %dma_wait3A_54 = tpu.memref_slice %arg10[%add3A_13, %dma_wait3A_53] : memref<10240x128xf32, #tpu.memory_space<vmem_shared>> -> memref<80x128xf32, #tpu.memory_space<vmem_shared>>
      tpu.wait_dma2 semaphore(%run_scoped3A : memref<!tpu.dma_semaphore, #tpu.memory_space<semaphore_mem>>) src(%arg7 : memref<80x128xf32, #tpu.memory_space<vmem>>) dst(%dma_wait3A_54 : memref<80x128xf32, #tpu.memory_space<vmem_shared>>)
      tpu.yield
    }) : () -> ()
    %mul3A_14 = arith.constant 640 : i32
    %mul3A_15 = arith.muli %arg1, %mul3A_14 : i32
    %add3A_16 = arith.constant 160 : i32
    %add3A_17 = arith.addi %mul3A_15, %add3A_16 : i32
    "tpu.region"() ({
      %run_scoped3A = tpu.sem_alloc : memref<!tpu.dma_semaphore, #tpu.memory_space<semaphore_mem>>
      %dma_start3A = arith.constant 0 : i32
      %dma_start3A_49 = tpu.memref_slice %arg10[%add3A_17, %dma_start3A] : memref<10240x128xf32, #tpu.memory_space<vmem_shared>> -> memref<80x128xf32, #tpu.memory_space<vmem_shared>>
      %dma_start3A_50 = arith.constant 0 : i32
      %dma_start3A_51 = tpu.memref_slice %arg10[%add3A_17, %dma_start3A_50] : memref<10240x128xf32, #tpu.memory_space<vmem_shared>> -> memref<80x128xf32, #tpu.memory_space<vmem_shared>>
      tpu.enqueue_dma source(%arg7 : memref<80x128xf32, #tpu.memory_space<vmem>>) target(%dma_start3A_51 : memref<80x128xf32, #tpu.memory_space<vmem_shared>>) target_semaphore(%run_scoped3A : memref<!tpu.dma_semaphore, #tpu.memory_space<semaphore_mem>>)
      %dma_wait3A = arith.constant 0 : i32
      %dma_wait3A_52 = tpu.memref_slice %arg10[%add3A_17, %dma_wait3A] : memref<10240x128xf32, #tpu.memory_space<vmem_shared>> -> memref<80x128xf32, #tpu.memory_space<vmem_shared>>
      %dma_wait3A_53 = arith.constant 0 : i32
      %dma_wait3A_54 = tpu.memref_slice %arg10[%add3A_17, %dma_wait3A_53] : memref<10240x128xf32, #tpu.memory_space<vmem_shared>> -> memref<80x128xf32, #tpu.memory_space<vmem_shared>>
      tpu.wait_dma2 semaphore(%run_scoped3A : memref<!tpu.dma_semaphore, #tpu.memory_space<semaphore_mem>>) src(%arg7 : memref<80x128xf32, #tpu.memory_space<vmem>>) dst(%dma_wait3A_54 : memref<80x128xf32, #tpu.memory_space<vmem_shared>>)
      tpu.yield
    }) : () -> ()
    %mul3A_18 = arith.constant 640 : i32
    %mul3A_19 = arith.muli %arg1, %mul3A_18 : i32
    %add3A_20 = arith.constant 240 : i32
    %add3A_21 = arith.addi %mul3A_19, %add3A_20 : i32
    "tpu.region"() ({
      %run_scoped3A = tpu.sem_alloc : memref<!tpu.dma_semaphore, #tpu.memory_space<semaphore_mem>>
      %dma_start3A = arith.constant 0 : i32
      %dma_start3A_49 = tpu.memref_slice %arg10[%add3A_21, %dma_start3A] : memref<10240x128xf32, #tpu.memory_space<vmem_shared>> -> memref<80x128xf32, #tpu.memory_space<vmem_shared>>
      %dma_start3A_50 = arith.constant 0 : i32
      %dma_start3A_51 = tpu.memref_slice %arg10[%add3A_21, %dma_start3A_50] : memref<10240x128xf32, #tpu.memory_space<vmem_shared>> -> memref<80x128xf32, #tpu.memory_space<vmem_shared>>
      tpu.enqueue_dma source(%arg7 : memref<80x128xf32, #tpu.memory_space<vmem>>) target(%dma_start3A_51 : memref<80x128xf32, #tpu.memory_space<vmem_shared>>) target_semaphore(%run_scoped3A : memref<!tpu.dma_semaphore, #tpu.memory_space<semaphore_mem>>)
      %dma_wait3A = arith.constant 0 : i32
      %dma_wait3A_52 = tpu.memref_slice %arg10[%add3A_21, %dma_wait3A] : memref<10240x128xf32, #tpu.memory_space<vmem_shared>> -> memref<80x128xf32, #tpu.memory_space<vmem_shared>>
      %dma_wait3A_53 = arith.constant 0 : i32
      %dma_wait3A_54 = tpu.memref_slice %arg10[%add3A_21, %dma_wait3A_53] : memref<10240x128xf32, #tpu.memory_space<vmem_shared>> -> memref<80x128xf32, #tpu.memory_space<vmem_shared>>
      tpu.wait_dma2 semaphore(%run_scoped3A : memref<!tpu.dma_semaphore, #tpu.memory_space<semaphore_mem>>) src(%arg7 : memref<80x128xf32, #tpu.memory_space<vmem>>) dst(%dma_wait3A_54 : memref<80x128xf32, #tpu.memory_space<vmem_shared>>)
      tpu.yield
    }) : () -> ()
    %mul3A_22 = arith.constant 640 : i32
    %mul3A_23 = arith.muli %arg1, %mul3A_22 : i32
    %add3A_24 = arith.constant 320 : i32
    %add3A_25 = arith.addi %mul3A_23, %add3A_24 : i32
    "tpu.region"() ({
      %run_scoped3A = tpu.sem_alloc : memref<!tpu.dma_semaphore, #tpu.memory_space<semaphore_mem>>
      %dma_start3A = arith.constant 0 : i32
      %dma_start3A_49 = tpu.memref_slice %arg10[%add3A_25, %dma_start3A] : memref<10240x128xf32, #tpu.memory_space<vmem_shared>> -> memref<80x128xf32, #tpu.memory_space<vmem_shared>>
      %dma_start3A_50 = arith.constant 0 : i32
      %dma_start3A_51 = tpu.memref_slice %arg10[%add3A_25, %dma_start3A_50] : memref<10240x128xf32, #tpu.memory_space<vmem_shared>> -> memref<80x128xf32, #tpu.memory_space<vmem_shared>>
      tpu.enqueue_dma source(%arg7 : memref<80x128xf32, #tpu.memory_space<vmem>>) target(%dma_start3A_51 : memref<80x128xf32, #tpu.memory_space<vmem_shared>>) target_semaphore(%run_scoped3A : memref<!tpu.dma_semaphore, #tpu.memory_space<semaphore_mem>>)
      %dma_wait3A = arith.constant 0 : i32
      %dma_wait3A_52 = tpu.memref_slice %arg10[%add3A_25, %dma_wait3A] : memref<10240x128xf32, #tpu.memory_space<vmem_shared>> -> memref<80x128xf32, #tpu.memory_space<vmem_shared>>
      %dma_wait3A_53 = arith.constant 0 : i32
      %dma_wait3A_54 = tpu.memref_slice %arg10[%add3A_25, %dma_wait3A_53] : memref<10240x128xf32, #tpu.memory_space<vmem_shared>> -> memref<80x128xf32, #tpu.memory_space<vmem_shared>>
      tpu.wait_dma2 semaphore(%run_scoped3A : memref<!tpu.dma_semaphore, #tpu.memory_space<semaphore_mem>>) src(%arg7 : memref<80x128xf32, #tpu.memory_space<vmem>>) dst(%dma_wait3A_54 : memref<80x128xf32, #tpu.memory_space<vmem_shared>>)
      tpu.yield
    }) : () -> ()
    %mul3A_26 = arith.constant 640 : i32
    %mul3A_27 = arith.muli %arg1, %mul3A_26 : i32
    %add3A_28 = arith.constant 400 : i32
    %add3A_29 = arith.addi %mul3A_27, %add3A_28 : i32
    "tpu.region"() ({
      %run_scoped3A = tpu.sem_alloc : memref<!tpu.dma_semaphore, #tpu.memory_space<semaphore_mem>>
      %dma_start3A = arith.constant 0 : i32
      %dma_start3A_49 = tpu.memref_slice %arg10[%add3A_29, %dma_start3A] : memref<10240x128xf32, #tpu.memory_space<vmem_shared>> -> memref<80x128xf32, #tpu.memory_space<vmem_shared>>
      %dma_start3A_50 = arith.constant 0 : i32
      %dma_start3A_51 = tpu.memref_slice %arg10[%add3A_29, %dma_start3A_50] : memref<10240x128xf32, #tpu.memory_space<vmem_shared>> -> memref<80x128xf32, #tpu.memory_space<vmem_shared>>
      tpu.enqueue_dma source(%arg7 : memref<80x128xf32, #tpu.memory_space<vmem>>) target(%dma_start3A_51 : memref<80x128xf32, #tpu.memory_space<vmem_shared>>) target_semaphore(%run_scoped3A : memref<!tpu.dma_semaphore, #tpu.memory_space<semaphore_mem>>)
      %dma_wait3A = arith.constant 0 : i32
      %dma_wait3A_52 = tpu.memref_slice %arg10[%add3A_29, %dma_wait3A] : memref<10240x128xf32, #tpu.memory_space<vmem_shared>> -> memref<80x128xf32, #tpu.memory_space<vmem_shared>>
      %dma_wait3A_53 = arith.constant 0 : i32
      %dma_wait3A_54 = tpu.memref_slice %arg10[%add3A_29, %dma_wait3A_53] : memref<10240x128xf32, #tpu.memory_space<vmem_shared>> -> memref<80x128xf32, #tpu.memory_space<vmem_shared>>
      tpu.wait_dma2 semaphore(%run_scoped3A : memref<!tpu.dma_semaphore, #tpu.memory_space<semaphore_mem>>) src(%arg7 : memref<80x128xf32, #tpu.memory_space<vmem>>) dst(%dma_wait3A_54 : memref<80x128xf32, #tpu.memory_space<vmem_shared>>)
      tpu.yield
    }) : () -> ()
    %mul3A_30 = arith.constant 640 : i32
    %mul3A_31 = arith.muli %arg1, %mul3A_30 : i32
    %add3A_32 = arith.constant 480 : i32
    %add3A_33 = arith.addi %mul3A_31, %add3A_32 : i32
    "tpu.region"() ({
      %run_scoped3A = tpu.sem_alloc : memref<!tpu.dma_semaphore, #tpu.memory_space<semaphore_mem>>
      %dma_start3A = arith.constant 0 : i32
      %dma_start3A_49 = tpu.memref_slice %arg10[%add3A_33, %dma_start3A] : memref<10240x128xf32, #tpu.memory_space<vmem_shared>> -> memref<80x128xf32, #tpu.memory_space<vmem_shared>>
      %dma_start3A_50 = arith.constant 0 : i32
      %dma_start3A_51 = tpu.memref_slice %arg10[%add3A_33, %dma_start3A_50] : memref<10240x128xf32, #tpu.memory_space<vmem_shared>> -> memref<80x128xf32, #tpu.memory_space<vmem_shared>>
      tpu.enqueue_dma source(%arg7 : memref<80x128xf32, #tpu.memory_space<vmem>>) target(%dma_start3A_51 : memref<80x128xf32, #tpu.memory_space<vmem_shared>>) target_semaphore(%run_scoped3A : memref<!tpu.dma_semaphore, #tpu.memory_space<semaphore_mem>>)
      %dma_wait3A = arith.constant 0 : i32
      %dma_wait3A_52 = tpu.memref_slice %arg10[%add3A_33, %dma_wait3A] : memref<10240x128xf32, #tpu.memory_space<vmem_shared>> -> memref<80x128xf32, #tpu.memory_space<vmem_shared>>
      %dma_wait3A_53 = arith.constant 0 : i32
      %dma_wait3A_54 = tpu.memref_slice %arg10[%add3A_33, %dma_wait3A_53] : memref<10240x128xf32, #tpu.memory_space<vmem_shared>> -> memref<80x128xf32, #tpu.memory_space<vmem_shared>>
      tpu.wait_dma2 semaphore(%run_scoped3A : memref<!tpu.dma_semaphore, #tpu.memory_space<semaphore_mem>>) src(%arg7 : memref<80x128xf32, #tpu.memory_space<vmem>>) dst(%dma_wait3A_54 : memref<80x128xf32, #tpu.memory_space<vmem_shared>>)
      tpu.yield
    }) : () -> ()
    %mul3A_34 = arith.constant 640 : i32
    %mul3A_35 = arith.muli %arg1, %mul3A_34 : i32
    %add3A_36 = arith.constant 560 : i32
    %add3A_37 = arith.addi %mul3A_35, %add3A_36 : i32
    "tpu.region"() ({
      %run_scoped3A = tpu.sem_alloc : memref<!tpu.dma_semaphore, #tpu.memory_space<semaphore_mem>>
      %dma_start3A = arith.constant 0 : i32
      %dma_start3A_49 = tpu.memref_slice %arg10[%add3A_37, %dma_start3A] : memref<10240x128xf32, #tpu.memory_space<vmem_shared>> -> memref<80x128xf32, #tpu.memory_space<vmem_shared>>
      %dma_start3A_50 = arith.constant 0 : i32
      %dma_start3A_51 = tpu.memref_slice %arg10[%add3A_37, %dma_start3A_50] : memref<10240x128xf32, #tpu.memory_space<vmem_shared>> -> memref<80x128xf32, #tpu.memory_space<vmem_shared>>
      tpu.enqueue_dma source(%arg7 : memref<80x128xf32, #tpu.memory_space<vmem>>) target(%dma_start3A_51 : memref<80x128xf32, #tpu.memory_space<vmem_shared>>) target_semaphore(%run_scoped3A : memref<!tpu.dma_semaphore, #tpu.memory_space<semaphore_mem>>)
      %dma_wait3A = arith.constant 0 : i32
      %dma_wait3A_52 = tpu.memref_slice %arg10[%add3A_37, %dma_wait3A] : memref<10240x128xf32, #tpu.memory_space<vmem_shared>> -> memref<80x128xf32, #tpu.memory_space<vmem_shared>>
      %dma_wait3A_53 = arith.constant 0 : i32
      %dma_wait3A_54 = tpu.memref_slice %arg10[%add3A_37, %dma_wait3A_53] : memref<10240x128xf32, #tpu.memory_space<vmem_shared>> -> memref<80x128xf32, #tpu.memory_space<vmem_shared>>
      tpu.wait_dma2 semaphore(%run_scoped3A : memref<!tpu.dma_semaphore, #tpu.memory_space<semaphore_mem>>) src(%arg7 : memref<80x128xf32, #tpu.memory_space<vmem>>) dst(%dma_wait3A_54 : memref<80x128xf32, #tpu.memory_space<vmem_shared>>)
      tpu.yield
    }) : () -> ()
    %barrier3A = arith.constant 0 : index
    tpu.barrier barrier_id(%barrier3A)
    %scan3A_38 = arith.constant 0 : i32
    %scan3A_39 = arith.constant 0 : i32
    %scan3A_40 = arith.constant 5 : i32
    %scan3A_41 = arith.addi %scan3A_39, %scan3A_40 : i32
    %scan3A_42 = arith.constant 1 : i32
    scf.for %scan3A_49 = %scan3A_39 to %scan3A_41 step %scan3A_42  : i32 {
      %mul3A_50 = arith.constant 5 : i32
      %mul3A_51 = arith.muli %add3A, %mul3A_50 : i32
      %add3A_52 = arith.addi %mul3A_51, %scan3A_49 : i32
      %run_scoped3A = arith.constant 0 : i32
      "tpu.region"() ({
        %run_scoped3A_117 = tpu.sem_alloc : memref<!tpu.dma_semaphore, #tpu.memory_space<semaphore_mem>>
        %dma_start3A_118 = arith.constant 0 : i32
        %dma_start3A_119 = arith.constant 0 : i32
        %dma_start3A_120 = arith.constant 0 : i32
        %dma_start3A_121 = tpu.memref_slice %arg3[%run_scoped3A, %dma_start3A_118, %dma_start3A_119, %dma_start3A_120] : memref<2x160x25x80xi32, #tpu.memory_space<hbm>> -> memref<1x160x25x80xi32, #tpu.memory_space<hbm>>
        %dma_start3A_122 = tpu.memref_squeeze %dma_start3A_121 : memref<1x160x25x80xi32, #tpu.memory_space<hbm>> -> memref<160x25x80xi32, #tpu.memory_space<hbm>>
        %dma_start3A_123 = arith.constant 0 : i32
        %dma_start3A_124 = arith.constant 0 : i32
        %dma_start3A_125 = tpu.memref_slice %dma_start3A_122[%add3A_52, %dma_start3A_123, %dma_start3A_124] : memref<160x25x80xi32, #tpu.memory_space<hbm>> -> memref<1x25x80xi32, #tpu.memory_space<hbm>>
        %dma_start3A_126 = tpu.memref_squeeze %dma_start3A_125 : memref<1x25x80xi32, #tpu.memory_space<hbm>> -> memref<25x80xi32, #tpu.memory_space<hbm>>
        %dma_start3A_127 = arith.constant 0 : i32
        %dma_start3A_128 = arith.constant 0 : i32
        %dma_start3A_129 = arith.constant 0 : i32
        %dma_start3A_130 = tpu.memref_slice %arg3[%run_scoped3A, %dma_start3A_127, %dma_start3A_128, %dma_start3A_129] : memref<2x160x25x80xi32, #tpu.memory_space<hbm>> -> memref<1x160x25x80xi32, #tpu.memory_space<hbm>>
        %dma_start3A_131 = tpu.memref_squeeze %dma_start3A_130 : memref<1x160x25x80xi32, #tpu.memory_space<hbm>> -> memref<160x25x80xi32, #tpu.memory_space<hbm>>
        %dma_start3A_132 = arith.constant 0 : i32
        %dma_start3A_133 = arith.constant 0 : i32
        %dma_start3A_134 = tpu.memref_slice %dma_start3A_131[%add3A_52, %dma_start3A_132, %dma_start3A_133] : memref<160x25x80xi32, #tpu.memory_space<hbm>> -> memref<1x25x80xi32, #tpu.memory_space<hbm>>
        %dma_start3A_135 = tpu.memref_squeeze %dma_start3A_134 : memref<1x25x80xi32, #tpu.memory_space<hbm>> -> memref<25x80xi32, #tpu.memory_space<hbm>>
        tpu.enqueue_dma source(%dma_start3A_135 : memref<25x80xi32, #tpu.memory_space<hbm>>) target(%arg5 : memref<25x80xi32, #tpu.memory_space<vmem>>) target_semaphore(%run_scoped3A_117 : memref<!tpu.dma_semaphore, #tpu.memory_space<semaphore_mem>>)
        %dma_wait3A_136 = arith.constant 0 : i32
        %dma_wait3A_137 = arith.constant 0 : i32
        %dma_wait3A_138 = arith.constant 0 : i32
        %dma_wait3A_139 = tpu.memref_slice %arg3[%run_scoped3A, %dma_wait3A_136, %dma_wait3A_137, %dma_wait3A_138] : memref<2x160x25x80xi32, #tpu.memory_space<hbm>> -> memref<1x160x25x80xi32, #tpu.memory_space<hbm>>
        %dma_wait3A_140 = tpu.memref_squeeze %dma_wait3A_139 : memref<1x160x25x80xi32, #tpu.memory_space<hbm>> -> memref<160x25x80xi32, #tpu.memory_space<hbm>>
        %dma_wait3A_141 = arith.constant 0 : i32
        %dma_wait3A_142 = arith.constant 0 : i32
        %dma_wait3A_143 = tpu.memref_slice %dma_wait3A_140[%add3A_52, %dma_wait3A_141, %dma_wait3A_142] : memref<160x25x80xi32, #tpu.memory_space<hbm>> -> memref<1x25x80xi32, #tpu.memory_space<hbm>>
        %dma_wait3A_144 = tpu.memref_squeeze %dma_wait3A_143 : memref<1x25x80xi32, #tpu.memory_space<hbm>> -> memref<25x80xi32, #tpu.memory_space<hbm>>
        %dma_wait3A_145 = arith.constant 0 : i32
        %dma_wait3A_146 = arith.constant 0 : i32
        %dma_wait3A_147 = arith.constant 0 : i32
        %dma_wait3A_148 = tpu.memref_slice %arg3[%run_scoped3A, %dma_wait3A_145, %dma_wait3A_146, %dma_wait3A_147] : memref<2x160x25x80xi32, #tpu.memory_space<hbm>> -> memref<1x160x25x80xi32, #tpu.memory_space<hbm>>
        %dma_wait3A_149 = tpu.memref_squeeze %dma_wait3A_148 : memref<1x160x25x80xi32, #tpu.memory_space<hbm>> -> memref<160x25x80xi32, #tpu.memory_space<hbm>>
        %dma_wait3A_150 = arith.constant 0 : i32
        %dma_wait3A_151 = arith.constant 0 : i32
        %dma_wait3A_152 = tpu.memref_slice %dma_wait3A_149[%add3A_52, %dma_wait3A_150, %dma_wait3A_151] : memref<160x25x80xi32, #tpu.memory_space<hbm>> -> memref<1x25x80xi32, #tpu.memory_space<hbm>>
        %dma_wait3A_153 = tpu.memref_squeeze %dma_wait3A_152 : memref<1x25x80xi32, #tpu.memory_space<hbm>> -> memref<25x80xi32, #tpu.memory_space<hbm>>
        tpu.wait_dma2 semaphore(%run_scoped3A_117 : memref<!tpu.dma_semaphore, #tpu.memory_space<semaphore_mem>>) src(%dma_wait3A_153 : memref<25x80xi32, #tpu.memory_space<hbm>>) dst(%arg5 : memref<25x80xi32, #tpu.memory_space<vmem>>)
        tpu.yield
      }) : () -> ()
      %mul3A_53 = arith.constant 5 : i32
      %mul3A_54 = arith.muli %add3A, %mul3A_53 : i32
      %add3A_55 = arith.addi %mul3A_54, %scan3A_49 : i32
      %run_scoped3A_56 = arith.constant 1 : i32
      "tpu.region"() ({
        %run_scoped3A_117 = tpu.sem_alloc : memref<!tpu.dma_semaphore, #tpu.memory_space<semaphore_mem>>
        %dma_start3A_118 = arith.constant 0 : i32
        %dma_start3A_119 = arith.constant 0 : i32
        %dma_start3A_120 = arith.constant 0 : i32
        %dma_start3A_121 = tpu.memref_slice %arg3[%run_scoped3A_56, %dma_start3A_118, %dma_start3A_119, %dma_start3A_120] : memref<2x160x25x80xi32, #tpu.memory_space<hbm>> -> memref<1x160x25x80xi32, #tpu.memory_space<hbm>>
        %dma_start3A_122 = tpu.memref_squeeze %dma_start3A_121 : memref<1x160x25x80xi32, #tpu.memory_space<hbm>> -> memref<160x25x80xi32, #tpu.memory_space<hbm>>
        %dma_start3A_123 = arith.constant 0 : i32
        %dma_start3A_124 = arith.constant 0 : i32
        %dma_start3A_125 = tpu.memref_slice %dma_start3A_122[%add3A_55, %dma_start3A_123, %dma_start3A_124] : memref<160x25x80xi32, #tpu.memory_space<hbm>> -> memref<1x25x80xi32, #tpu.memory_space<hbm>>
        %dma_start3A_126 = tpu.memref_squeeze %dma_start3A_125 : memref<1x25x80xi32, #tpu.memory_space<hbm>> -> memref<25x80xi32, #tpu.memory_space<hbm>>
        %dma_start3A_127 = arith.constant 0 : i32
        %dma_start3A_128 = arith.constant 0 : i32
        %dma_start3A_129 = arith.constant 0 : i32
        %dma_start3A_130 = tpu.memref_slice %arg3[%run_scoped3A_56, %dma_start3A_127, %dma_start3A_128, %dma_start3A_129] : memref<2x160x25x80xi32, #tpu.memory_space<hbm>> -> memref<1x160x25x80xi32, #tpu.memory_space<hbm>>
        %dma_start3A_131 = tpu.memref_squeeze %dma_start3A_130 : memref<1x160x25x80xi32, #tpu.memory_space<hbm>> -> memref<160x25x80xi32, #tpu.memory_space<hbm>>
        %dma_start3A_132 = arith.constant 0 : i32
        %dma_start3A_133 = arith.constant 0 : i32
        %dma_start3A_134 = tpu.memref_slice %dma_start3A_131[%add3A_55, %dma_start3A_132, %dma_start3A_133] : memref<160x25x80xi32, #tpu.memory_space<hbm>> -> memref<1x25x80xi32, #tpu.memory_space<hbm>>
        %dma_start3A_135 = tpu.memref_squeeze %dma_start3A_134 : memref<1x25x80xi32, #tpu.memory_space<hbm>> -> memref<25x80xi32, #tpu.memory_space<hbm>>
        tpu.enqueue_dma source(%dma_start3A_135 : memref<25x80xi32, #tpu.memory_space<hbm>>) target(%arg6 : memref<25x80xi32, #tpu.memory_space<vmem>>) target_semaphore(%run_scoped3A_117 : memref<!tpu.dma_semaphore, #tpu.memory_space<semaphore_mem>>)
        %dma_wait3A_136 = arith.constant 0 : i32
        %dma_wait3A_137 = arith.constant 0 : i32
        %dma_wait3A_138 = arith.constant 0 : i32
        %dma_wait3A_139 = tpu.memref_slice %arg3[%run_scoped3A_56, %dma_wait3A_136, %dma_wait3A_137, %dma_wait3A_138] : memref<2x160x25x80xi32, #tpu.memory_space<hbm>> -> memref<1x160x25x80xi32, #tpu.memory_space<hbm>>
        %dma_wait3A_140 = tpu.memref_squeeze %dma_wait3A_139 : memref<1x160x25x80xi32, #tpu.memory_space<hbm>> -> memref<160x25x80xi32, #tpu.memory_space<hbm>>
        %dma_wait3A_141 = arith.constant 0 : i32
        %dma_wait3A_142 = arith.constant 0 : i32
        %dma_wait3A_143 = tpu.memref_slice %dma_wait3A_140[%add3A_55, %dma_wait3A_141, %dma_wait3A_142] : memref<160x25x80xi32, #tpu.memory_space<hbm>> -> memref<1x25x80xi32, #tpu.memory_space<hbm>>
        %dma_wait3A_144 = tpu.memref_squeeze %dma_wait3A_143 : memref<1x25x80xi32, #tpu.memory_space<hbm>> -> memref<25x80xi32, #tpu.memory_space<hbm>>
        %dma_wait3A_145 = arith.constant 0 : i32
        %dma_wait3A_146 = arith.constant 0 : i32
        %dma_wait3A_147 = arith.constant 0 : i32
        %dma_wait3A_148 = tpu.memref_slice %arg3[%run_scoped3A_56, %dma_wait3A_145, %dma_wait3A_146, %dma_wait3A_147] : memref<2x160x25x80xi32, #tpu.memory_space<hbm>> -> memref<1x160x25x80xi32, #tpu.memory_space<hbm>>
        %dma_wait3A_149 = tpu.memref_squeeze %dma_wait3A_148 : memref<1x160x25x80xi32, #tpu.memory_space<hbm>> -> memref<160x25x80xi32, #tpu.memory_space<hbm>>
        %dma_wait3A_150 = arith.constant 0 : i32
        %dma_wait3A_151 = arith.constant 0 : i32
        %dma_wait3A_152 = tpu.memref_slice %dma_wait3A_149[%add3A_55, %dma_wait3A_150, %dma_wait3A_151] : memref<160x25x80xi32, #tpu.memory_space<hbm>> -> memref<1x25x80xi32, #tpu.memory_space<hbm>>
        %dma_wait3A_153 = tpu.memref_squeeze %dma_wait3A_152 : memref<1x25x80xi32, #tpu.memory_space<hbm>> -> memref<25x80xi32, #tpu.memory_space<hbm>>
        tpu.wait_dma2 semaphore(%run_scoped3A_117 : memref<!tpu.dma_semaphore, #tpu.memory_space<semaphore_mem>>) src(%dma_wait3A_153 : memref<25x80xi32, #tpu.memory_space<hbm>>) dst(%arg6 : memref<25x80xi32, #tpu.memory_space<vmem>>)
        tpu.yield
      }) : () -> ()
      %dma_start3A = arith.constant 0 : i32
      %dma_start3A_57 = arith.constant 0 : i32
      %dma_start3A_58 = tpu.memref_slice %arg5[%dma_start3A, %dma_start3A_57] : memref<25x80xi32, #tpu.memory_space<vmem>> -> memref<1x80xi32, #tpu.memory_space<vmem>>
      %dma_start3A_59 = tpu.memref_squeeze %dma_start3A_58 : memref<1x80xi32, #tpu.memory_space<vmem>> -> memref<80xi32, #tpu.memory_space<vmem>>
      %dma_start3A_60 = arith.constant 0 : i32
      %dma_start3A_61 = arith.constant 0 : i32
      %dma_start3A_62 = tpu.memref_slice %arg2[%dma_start3A_60, %dma_start3A_61] : memref<10000x128xf32, #tpu.memory_space<hbm>> -> memref<10000x128xf32, #tpu.memory_space<hbm>>
      tpu.enqueue_indirect_dma source(%dma_start3A_62 : memref<10000x128xf32, #tpu.memory_space<hbm>>) target(%arg7 : memref<80x128xf32, #tpu.memory_space<vmem>>) offsets(%dma_start3A_59 : memref<80xi32, #tpu.memory_space<vmem>>) semaphore(%arg11 : memref<!tpu.dma_semaphore, #tpu.memory_space<semaphore_mem>>)
      %dma_start3A_63 = arith.constant 1 : i32
      %dma_start3A_64 = arith.constant 0 : i32
      %dma_start3A_65 = tpu.memref_slice %arg5[%dma_start3A_63, %dma_start3A_64] : memref<25x80xi32, #tpu.memory_space<vmem>> -> memref<1x80xi32, #tpu.memory_space<vmem>>
      %dma_start3A_66 = tpu.memref_squeeze %dma_start3A_65 : memref<1x80xi32, #tpu.memory_space<vmem>> -> memref<80xi32, #tpu.memory_space<vmem>>
      %dma_start3A_67 = arith.constant 0 : i32
      %dma_start3A_68 = arith.constant 0 : i32
      %dma_start3A_69 = tpu.memref_slice %arg2[%dma_start3A_67, %dma_start3A_68] : memref<10000x128xf32, #tpu.memory_space<hbm>> -> memref<10000x128xf32, #tpu.memory_space<hbm>>
      tpu.enqueue_indirect_dma source(%dma_start3A_69 : memref<10000x128xf32, #tpu.memory_space<hbm>>) target(%arg8 : memref<80x128xf32, #tpu.memory_space<vmem>>) offsets(%dma_start3A_66 : memref<80xi32, #tpu.memory_space<vmem>>) semaphore(%arg12 : memref<!tpu.dma_semaphore, #tpu.memory_space<semaphore_mem>>)
      %scan3A_70 = arith.constant 0 : i32
      %scan3A_71 = arith.constant 0 : i32
      %scan3A_72 = arith.constant 7 : i32
      %scan3A_73 = arith.addi %scan3A_71, %scan3A_72 : i32
      %scan3A_74 = arith.constant 1 : i32
      scf.for %scan3A_117 = %scan3A_71 to %scan3A_73 step %scan3A_74  : i32 {
        %dma_wait3A_118 = arith.constant 0 : i32
        %dma_wait3A_119 = arith.constant 0 : i32
        %dma_wait3A_120 = tpu.memref_slice %arg2[%dma_wait3A_118, %dma_wait3A_119] : memref<10000x128xf32, #tpu.memory_space<hbm>> -> memref<80x128xf32, #tpu.memory_space<hbm>>
        %dma_wait3A_121 = arith.constant 0 : i32
        %dma_wait3A_122 = arith.constant 0 : i32
        %dma_wait3A_123 = tpu.memref_slice %arg2[%dma_wait3A_121, %dma_wait3A_122] : memref<10000x128xf32, #tpu.memory_space<hbm>> -> memref<80x128xf32, #tpu.memory_space<hbm>>
        tpu.wait_dma2 semaphore(%arg11 : memref<!tpu.dma_semaphore, #tpu.memory_space<semaphore_mem>>) src(%dma_wait3A_123 : memref<80x128xf32, #tpu.memory_space<hbm>>) dst(%arg7 : memref<80x128xf32, #tpu.memory_space<vmem>>)
        %mul3A_124 = arith.constant 3 : i32
        %mul3A_125 = arith.muli %mul3A_124, %scan3A_117 : i32
        %add3A_126 = arith.constant 0 : i32
        %add3A_127 = arith.addi %mul3A_125, %add3A_126 : i32
        %add3A_128 = arith.constant 2 : i32
        %add3A_129 = arith.addi %add3A_127, %add3A_128 : i32
        %dma_start3A_130 = arith.constant 0 : i32
        %dma_start3A_131 = tpu.memref_slice %arg5[%add3A_129, %dma_start3A_130] : memref<25x80xi32, #tpu.memory_space<vmem>> -> memref<1x80xi32, #tpu.memory_space<vmem>>
        %dma_start3A_132 = tpu.memref_squeeze %dma_start3A_131 : memref<1x80xi32, #tpu.memory_space<vmem>> -> memref<80xi32, #tpu.memory_space<vmem>>
        %dma_start3A_133 = arith.constant 0 : i32
        %dma_start3A_134 = arith.constant 0 : i32
        %dma_start3A_135 = tpu.memref_slice %arg2[%dma_start3A_133, %dma_start3A_134] : memref<10000x128xf32, #tpu.memory_space<hbm>> -> memref<10000x128xf32, #tpu.memory_space<hbm>>
        tpu.enqueue_indirect_dma source(%dma_start3A_135 : memref<10000x128xf32, #tpu.memory_space<hbm>>) target(%arg9 : memref<80x128xf32, #tpu.memory_space<vmem>>) offsets(%dma_start3A_132 : memref<80xi32, #tpu.memory_space<vmem>>) semaphore(%arg13 : memref<!tpu.dma_semaphore, #tpu.memory_space<semaphore_mem>>)
        %mul3A_136 = arith.constant 3 : i32
        %mul3A_137 = arith.muli %mul3A_136, %scan3A_117 : i32
        %add3A_138 = arith.constant 0 : i32
        %add3A_139 = arith.addi %mul3A_137, %add3A_138 : i32
        "tpu.region"() ({
          %run_scoped3A_184 = tpu.sem_alloc : memref<!tpu.dma_semaphore, #tpu.memory_space<semaphore_mem>>
          %dma_start3A_185 = arith.constant 0 : i32
          %dma_start3A_186 = tpu.memref_slice %arg6[%add3A_139, %dma_start3A_185] : memref<25x80xi32, #tpu.memory_space<vmem>> -> memref<1x80xi32, #tpu.memory_space<vmem>>
          %dma_start3A_187 = tpu.memref_squeeze %dma_start3A_186 : memref<1x80xi32, #tpu.memory_space<vmem>> -> memref<80xi32, #tpu.memory_space<vmem>>
          %dma_start3A_188 = arith.constant 0 : i32
          %dma_start3A_189 = arith.constant 0 : i32
          %dma_start3A_190 = tpu.memref_slice %arg10[%dma_start3A_188, %dma_start3A_189] : memref<10240x128xf32, #tpu.memory_space<vmem_shared>> -> memref<10240x128xf32, #tpu.memory_space<vmem_shared>>
          tpu.enqueue_indirect_dma source(%arg7 : memref<80x128xf32, #tpu.memory_space<vmem>>) target(%dma_start3A_190 : memref<10240x128xf32, #tpu.memory_space<vmem_shared>>) offsets(%dma_start3A_187 : memref<80xi32, #tpu.memory_space<vmem>>) semaphore(%run_scoped3A_184 : memref<!tpu.dma_semaphore, #tpu.memory_space<semaphore_mem>>) {add = true}
          %dma_wait3A_191 = arith.constant 0 : i32
          %dma_wait3A_192 = tpu.memref_slice %arg6[%add3A_139, %dma_wait3A_191] : memref<25x80xi32, #tpu.memory_space<vmem>> -> memref<1x80xi32, #tpu.memory_space<vmem>>
          %dma_wait3A_193 = tpu.memref_squeeze %dma_wait3A_192 : memref<1x80xi32, #tpu.memory_space<vmem>> -> memref<80xi32, #tpu.memory_space<vmem>>
          %dma_wait3A_194 = arith.constant 0 : i32
          %dma_wait3A_195 = arith.constant 0 : i32
          %dma_wait3A_196 = tpu.memref_slice %arg10[%dma_wait3A_194, %dma_wait3A_195] : memref<10240x128xf32, #tpu.memory_space<vmem_shared>> -> memref<10240x128xf32, #tpu.memory_space<vmem_shared>>
          tpu.wait_indirect_dma semaphore(%run_scoped3A_184 : memref<!tpu.dma_semaphore, #tpu.memory_space<semaphore_mem>>) src(%arg7 : memref<80x128xf32, #tpu.memory_space<vmem>>) dst(%dma_wait3A_196 : memref<10240x128xf32, #tpu.memory_space<vmem_shared>>)
          tpu.yield
        }) : () -> ()
        %dma_wait3A_140 = arith.constant 0 : i32
        %dma_wait3A_141 = arith.constant 0 : i32
        %dma_wait3A_142 = tpu.memref_slice %arg2[%dma_wait3A_140, %dma_wait3A_141] : memref<10000x128xf32, #tpu.memory_space<hbm>> -> memref<80x128xf32, #tpu.memory_space<hbm>>
        %dma_wait3A_143 = arith.constant 0 : i32
        %dma_wait3A_144 = arith.constant 0 : i32
        %dma_wait3A_145 = tpu.memref_slice %arg2[%dma_wait3A_143, %dma_wait3A_144] : memref<10000x128xf32, #tpu.memory_space<hbm>> -> memref<80x128xf32, #tpu.memory_space<hbm>>
        tpu.wait_dma2 semaphore(%arg12 : memref<!tpu.dma_semaphore, #tpu.memory_space<semaphore_mem>>) src(%dma_wait3A_145 : memref<80x128xf32, #tpu.memory_space<hbm>>) dst(%arg8 : memref<80x128xf32, #tpu.memory_space<vmem>>)
        %mul3A_146 = arith.constant 3 : i32
        %mul3A_147 = arith.muli %mul3A_146, %scan3A_117 : i32
        %add3A_148 = arith.constant 1 : i32
        %add3A_149 = arith.addi %mul3A_147, %add3A_148 : i32
        %add3A_150 = arith.constant 2 : i32
        %add3A_151 = arith.addi %add3A_149, %add3A_150 : i32
        %dma_start3A_152 = arith.constant 0 : i32
        %dma_start3A_153 = tpu.memref_slice %arg5[%add3A_151, %dma_start3A_152] : memref<25x80xi32, #tpu.memory_space<vmem>> -> memref<1x80xi32, #tpu.memory_space<vmem>>
        %dma_start3A_154 = tpu.memref_squeeze %dma_start3A_153 : memref<1x80xi32, #tpu.memory_space<vmem>> -> memref<80xi32, #tpu.memory_space<vmem>>
        %dma_start3A_155 = arith.constant 0 : i32
        %dma_start3A_156 = arith.constant 0 : i32
        %dma_start3A_157 = tpu.memref_slice %arg2[%dma_start3A_155, %dma_start3A_156] : memref<10000x128xf32, #tpu.memory_space<hbm>> -> memref<10000x128xf32, #tpu.memory_space<hbm>>
        tpu.enqueue_indirect_dma source(%dma_start3A_157 : memref<10000x128xf32, #tpu.memory_space<hbm>>) target(%arg7 : memref<80x128xf32, #tpu.memory_space<vmem>>) offsets(%dma_start3A_154 : memref<80xi32, #tpu.memory_space<vmem>>) semaphore(%arg11 : memref<!tpu.dma_semaphore, #tpu.memory_space<semaphore_mem>>)
        %mul3A_158 = arith.constant 3 : i32
        %mul3A_159 = arith.muli %mul3A_158, %scan3A_117 : i32
        %add3A_160 = arith.constant 1 : i32
        %add3A_161 = arith.addi %mul3A_159, %add3A_160 : i32
        "tpu.region"() ({
          %run_scoped3A_184 = tpu.sem_alloc : memref<!tpu.dma_semaphore, #tpu.memory_space<semaphore_mem>>
          %dma_start3A_185 = arith.constant 0 : i32
          %dma_start3A_186 = tpu.memref_slice %arg6[%add3A_161, %dma_start3A_185] : memref<25x80xi32, #tpu.memory_space<vmem>> -> memref<1x80xi32, #tpu.memory_space<vmem>>
          %dma_start3A_187 = tpu.memref_squeeze %dma_start3A_186 : memref<1x80xi32, #tpu.memory_space<vmem>> -> memref<80xi32, #tpu.memory_space<vmem>>
          %dma_start3A_188 = arith.constant 0 : i32
          %dma_start3A_189 = arith.constant 0 : i32
          %dma_start3A_190 = tpu.memref_slice %arg10[%dma_start3A_188, %dma_start3A_189] : memref<10240x128xf32, #tpu.memory_space<vmem_shared>> -> memref<10240x128xf32, #tpu.memory_space<vmem_shared>>
          tpu.enqueue_indirect_dma source(%arg8 : memref<80x128xf32, #tpu.memory_space<vmem>>) target(%dma_start3A_190 : memref<10240x128xf32, #tpu.memory_space<vmem_shared>>) offsets(%dma_start3A_187 : memref<80xi32, #tpu.memory_space<vmem>>) semaphore(%run_scoped3A_184 : memref<!tpu.dma_semaphore, #tpu.memory_space<semaphore_mem>>) {add = true}
          %dma_wait3A_191 = arith.constant 0 : i32
          %dma_wait3A_192 = tpu.memref_slice %arg6[%add3A_161, %dma_wait3A_191] : memref<25x80xi32, #tpu.memory_space<vmem>> -> memref<1x80xi32, #tpu.memory_space<vmem>>
          %dma_wait3A_193 = tpu.memref_squeeze %dma_wait3A_192 : memref<1x80xi32, #tpu.memory_space<vmem>> -> memref<80xi32, #tpu.memory_space<vmem>>
          %dma_wait3A_194 = arith.constant 0 : i32
          %dma_wait3A_195 = arith.constant 0 : i32
          %dma_wait3A_196 = tpu.memref_slice %arg10[%dma_wait3A_194, %dma_wait3A_195] : memref<10240x128xf32, #tpu.memory_space<vmem_shared>> -> memref<10240x128xf32, #tpu.memory_space<vmem_shared>>
          tpu.wait_indirect_dma semaphore(%run_scoped3A_184 : memref<!tpu.dma_semaphore, #tpu.memory_space<semaphore_mem>>) src(%arg8 : memref<80x128xf32, #tpu.memory_space<vmem>>) dst(%dma_wait3A_196 : memref<10240x128xf32, #tpu.memory_space<vmem_shared>>)
          tpu.yield
        }) : () -> ()
        %dma_wait3A_162 = arith.constant 0 : i32
        %dma_wait3A_163 = arith.constant 0 : i32
        %dma_wait3A_164 = tpu.memref_slice %arg2[%dma_wait3A_162, %dma_wait3A_163] : memref<10000x128xf32, #tpu.memory_space<hbm>> -> memref<80x128xf32, #tpu.memory_space<hbm>>
        %dma_wait3A_165 = arith.constant 0 : i32
        %dma_wait3A_166 = arith.constant 0 : i32
        %dma_wait3A_167 = tpu.memref_slice %arg2[%dma_wait3A_165, %dma_wait3A_166] : memref<10000x128xf32, #tpu.memory_space<hbm>> -> memref<80x128xf32, #tpu.memory_space<hbm>>
        tpu.wait_dma2 semaphore(%arg13 : memref<!tpu.dma_semaphore, #tpu.memory_space<semaphore_mem>>) src(%dma_wait3A_167 : memref<80x128xf32, #tpu.memory_space<hbm>>) dst(%arg9 : memref<80x128xf32, #tpu.memory_space<vmem>>)
        %mul3A_168 = arith.constant 3 : i32
        %mul3A_169 = arith.muli %mul3A_168, %scan3A_117 : i32
        %add3A_170 = arith.constant 2 : i32
        %add3A_171 = arith.addi %mul3A_169, %add3A_170 : i32
        %add3A_172 = arith.constant 2 : i32
        %add3A_173 = arith.addi %add3A_171, %add3A_172 : i32
        %dma_start3A_174 = arith.constant 0 : i32
        %dma_start3A_175 = tpu.memref_slice %arg5[%add3A_173, %dma_start3A_174] : memref<25x80xi32, #tpu.memory_space<vmem>> -> memref<1x80xi32, #tpu.memory_space<vmem>>
        %dma_start3A_176 = tpu.memref_squeeze %dma_start3A_175 : memref<1x80xi32, #tpu.memory_space<vmem>> -> memref<80xi32, #tpu.memory_space<vmem>>
        %dma_start3A_177 = arith.constant 0 : i32
        %dma_start3A_178 = arith.constant 0 : i32
        %dma_start3A_179 = tpu.memref_slice %arg2[%dma_start3A_177, %dma_start3A_178] : memref<10000x128xf32, #tpu.memory_space<hbm>> -> memref<10000x128xf32, #tpu.memory_space<hbm>>
        tpu.enqueue_indirect_dma source(%dma_start3A_179 : memref<10000x128xf32, #tpu.memory_space<hbm>>) target(%arg8 : memref<80x128xf32, #tpu.memory_space<vmem>>) offsets(%dma_start3A_176 : memref<80xi32, #tpu.memory_space<vmem>>) semaphore(%arg12 : memref<!tpu.dma_semaphore, #tpu.memory_space<semaphore_mem>>)
        %mul3A_180 = arith.constant 3 : i32
        %mul3A_181 = arith.muli %mul3A_180, %scan3A_117 : i32
        %add3A_182 = arith.constant 2 : i32
        %add3A_183 = arith.addi %mul3A_181, %add3A_182 : i32
        "tpu.region"() ({
          %run_scoped3A_184 = tpu.sem_alloc : memref<!tpu.dma_semaphore, #tpu.memory_space<semaphore_mem>>
          %dma_start3A_185 = arith.constant 0 : i32
          %dma_start3A_186 = tpu.memref_slice %arg6[%add3A_183, %dma_start3A_185] : memref<25x80xi32, #tpu.memory_space<vmem>> -> memref<1x80xi32, #tpu.memory_space<vmem>>
          %dma_start3A_187 = tpu.memref_squeeze %dma_start3A_186 : memref<1x80xi32, #tpu.memory_space<vmem>> -> memref<80xi32, #tpu.memory_space<vmem>>
          %dma_start3A_188 = arith.constant 0 : i32
          %dma_start3A_189 = arith.constant 0 : i32
          %dma_start3A_190 = tpu.memref_slice %arg10[%dma_start3A_188, %dma_start3A_189] : memref<10240x128xf32, #tpu.memory_space<vmem_shared>> -> memref<10240x128xf32, #tpu.memory_space<vmem_shared>>
          tpu.enqueue_indirect_dma source(%arg9 : memref<80x128xf32, #tpu.memory_space<vmem>>) target(%dma_start3A_190 : memref<10240x128xf32, #tpu.memory_space<vmem_shared>>) offsets(%dma_start3A_187 : memref<80xi32, #tpu.memory_space<vmem>>) semaphore(%run_scoped3A_184 : memref<!tpu.dma_semaphore, #tpu.memory_space<semaphore_mem>>) {add = true}
          %dma_wait3A_191 = arith.constant 0 : i32
          %dma_wait3A_192 = tpu.memref_slice %arg6[%add3A_183, %dma_wait3A_191] : memref<25x80xi32, #tpu.memory_space<vmem>> -> memref<1x80xi32, #tpu.memory_space<vmem>>
          %dma_wait3A_193 = tpu.memref_squeeze %dma_wait3A_192 : memref<1x80xi32, #tpu.memory_space<vmem>> -> memref<80xi32, #tpu.memory_space<vmem>>
          %dma_wait3A_194 = arith.constant 0 : i32
          %dma_wait3A_195 = arith.constant 0 : i32
          %dma_wait3A_196 = tpu.memref_slice %arg10[%dma_wait3A_194, %dma_wait3A_195] : memref<10240x128xf32, #tpu.memory_space<vmem_shared>> -> memref<10240x128xf32, #tpu.memory_space<vmem_shared>>
          tpu.wait_indirect_dma semaphore(%run_scoped3A_184 : memref<!tpu.dma_semaphore, #tpu.memory_space<semaphore_mem>>) src(%arg9 : memref<80x128xf32, #tpu.memory_space<vmem>>) dst(%dma_wait3A_196 : memref<10240x128xf32, #tpu.memory_space<vmem_shared>>)
          tpu.yield
        }) : () -> ()
      }
      %scan3A_75 = arith.constant 7 : i32
      %dma_wait3A = arith.constant 0 : i32
      %dma_wait3A_76 = arith.constant 0 : i32
      %dma_wait3A_77 = tpu.memref_slice %arg2[%dma_wait3A, %dma_wait3A_76] : memref<10000x128xf32, #tpu.memory_space<hbm>> -> memref<80x128xf32, #tpu.memory_space<hbm>>
      %dma_wait3A_78 = arith.constant 0 : i32
      %dma_wait3A_79 = arith.constant 0 : i32
      %dma_wait3A_80 = tpu.memref_slice %arg2[%dma_wait3A_78, %dma_wait3A_79] : memref<10000x128xf32, #tpu.memory_space<hbm>> -> memref<80x128xf32, #tpu.memory_space<hbm>>
      tpu.wait_dma2 semaphore(%arg11 : memref<!tpu.dma_semaphore, #tpu.memory_space<semaphore_mem>>) src(%dma_wait3A_80 : memref<80x128xf32, #tpu.memory_space<hbm>>) dst(%arg7 : memref<80x128xf32, #tpu.memory_space<vmem>>)
      %dma_start3A_81 = arith.constant 23 : i32
      %dma_start3A_82 = arith.constant 0 : i32
      %dma_start3A_83 = tpu.memref_slice %arg5[%dma_start3A_81, %dma_start3A_82] : memref<25x80xi32, #tpu.memory_space<vmem>> -> memref<1x80xi32, #tpu.memory_space<vmem>>
      %dma_start3A_84 = tpu.memref_squeeze %dma_start3A_83 : memref<1x80xi32, #tpu.memory_space<vmem>> -> memref<80xi32, #tpu.memory_space<vmem>>
      %dma_start3A_85 = arith.constant 0 : i32
      %dma_start3A_86 = arith.constant 0 : i32
      %dma_start3A_87 = tpu.memref_slice %arg2[%dma_start3A_85, %dma_start3A_86] : memref<10000x128xf32, #tpu.memory_space<hbm>> -> memref<10000x128xf32, #tpu.memory_space<hbm>>
      tpu.enqueue_indirect_dma source(%dma_start3A_87 : memref<10000x128xf32, #tpu.memory_space<hbm>>) target(%arg9 : memref<80x128xf32, #tpu.memory_space<vmem>>) offsets(%dma_start3A_84 : memref<80xi32, #tpu.memory_space<vmem>>) semaphore(%arg13 : memref<!tpu.dma_semaphore, #tpu.memory_space<semaphore_mem>>)
      %run_scoped3A_88 = arith.constant 21 : i32
      "tpu.region"() ({
        %run_scoped3A_117 = tpu.sem_alloc : memref<!tpu.dma_semaphore, #tpu.memory_space<semaphore_mem>>
        %dma_start3A_118 = arith.constant 0 : i32
        %dma_start3A_119 = tpu.memref_slice %arg6[%run_scoped3A_88, %dma_start3A_118] : memref<25x80xi32, #tpu.memory_space<vmem>> -> memref<1x80xi32, #tpu.memory_space<vmem>>
        %dma_start3A_120 = tpu.memref_squeeze %dma_start3A_119 : memref<1x80xi32, #tpu.memory_space<vmem>> -> memref<80xi32, #tpu.memory_space<vmem>>
        %dma_start3A_121 = arith.constant 0 : i32
        %dma_start3A_122 = arith.constant 0 : i32
        %dma_start3A_123 = tpu.memref_slice %arg10[%dma_start3A_121, %dma_start3A_122] : memref<10240x128xf32, #tpu.memory_space<vmem_shared>> -> memref<10240x128xf32, #tpu.memory_space<vmem_shared>>
        tpu.enqueue_indirect_dma source(%arg7 : memref<80x128xf32, #tpu.memory_space<vmem>>) target(%dma_start3A_123 : memref<10240x128xf32, #tpu.memory_space<vmem_shared>>) offsets(%dma_start3A_120 : memref<80xi32, #tpu.memory_space<vmem>>) semaphore(%run_scoped3A_117 : memref<!tpu.dma_semaphore, #tpu.memory_space<semaphore_mem>>) {add = true}
        %dma_wait3A_124 = arith.constant 0 : i32
        %dma_wait3A_125 = tpu.memref_slice %arg6[%run_scoped3A_88, %dma_wait3A_124] : memref<25x80xi32, #tpu.memory_space<vmem>> -> memref<1x80xi32, #tpu.memory_space<vmem>>
        %dma_wait3A_126 = tpu.memref_squeeze %dma_wait3A_125 : memref<1x80xi32, #tpu.memory_space<vmem>> -> memref<80xi32, #tpu.memory_space<vmem>>
        %dma_wait3A_127 = arith.constant 0 : i32
        %dma_wait3A_128 = arith.constant 0 : i32
        %dma_wait3A_129 = tpu.memref_slice %arg10[%dma_wait3A_127, %dma_wait3A_128] : memref<10240x128xf32, #tpu.memory_space<vmem_shared>> -> memref<10240x128xf32, #tpu.memory_space<vmem_shared>>
        tpu.wait_indirect_dma semaphore(%run_scoped3A_117 : memref<!tpu.dma_semaphore, #tpu.memory_space<semaphore_mem>>) src(%arg7 : memref<80x128xf32, #tpu.memory_space<vmem>>) dst(%dma_wait3A_129 : memref<10240x128xf32, #tpu.memory_space<vmem_shared>>)
        tpu.yield
      }) : () -> ()
      %dma_wait3A_89 = arith.constant 0 : i32
      %dma_wait3A_90 = arith.constant 0 : i32
      %dma_wait3A_91 = tpu.memref_slice %arg2[%dma_wait3A_89, %dma_wait3A_90] : memref<10000x128xf32, #tpu.memory_space<hbm>> -> memref<80x128xf32, #tpu.memory_space<hbm>>
      %dma_wait3A_92 = arith.constant 0 : i32
      %dma_wait3A_93 = arith.constant 0 : i32
      %dma_wait3A_94 = tpu.memref_slice %arg2[%dma_wait3A_92, %dma_wait3A_93] : memref<10000x128xf32, #tpu.memory_space<hbm>> -> memref<80x128xf32, #tpu.memory_space<hbm>>
      tpu.wait_dma2 semaphore(%arg12 : memref<!tpu.dma_semaphore, #tpu.memory_space<semaphore_mem>>) src(%dma_wait3A_94 : memref<80x128xf32, #tpu.memory_space<hbm>>) dst(%arg8 : memref<80x128xf32, #tpu.memory_space<vmem>>)
      %dma_start3A_95 = arith.constant 24 : i32
      %dma_start3A_96 = arith.constant 0 : i32
      %dma_start3A_97 = tpu.memref_slice %arg5[%dma_start3A_95, %dma_start3A_96] : memref<25x80xi32, #tpu.memory_space<vmem>> -> memref<1x80xi32, #tpu.memory_space<vmem>>
      %dma_start3A_98 = tpu.memref_squeeze %dma_start3A_97 : memref<1x80xi32, #tpu.memory_space<vmem>> -> memref<80xi32, #tpu.memory_space<vmem>>
      %dma_start3A_99 = arith.constant 0 : i32
      %dma_start3A_100 = arith.constant 0 : i32
      %dma_start3A_101 = tpu.memref_slice %arg2[%dma_start3A_99, %dma_start3A_100] : memref<10000x128xf32, #tpu.memory_space<hbm>> -> memref<10000x128xf32, #tpu.memory_space<hbm>>
      tpu.enqueue_indirect_dma source(%dma_start3A_101 : memref<10000x128xf32, #tpu.memory_space<hbm>>) target(%arg7 : memref<80x128xf32, #tpu.memory_space<vmem>>) offsets(%dma_start3A_98 : memref<80xi32, #tpu.memory_space<vmem>>) semaphore(%arg11 : memref<!tpu.dma_semaphore, #tpu.memory_space<semaphore_mem>>)
      %run_scoped3A_102 = arith.constant 22 : i32
      "tpu.region"() ({
        %run_scoped3A_117 = tpu.sem_alloc : memref<!tpu.dma_semaphore, #tpu.memory_space<semaphore_mem>>
        %dma_start3A_118 = arith.constant 0 : i32
        %dma_start3A_119 = tpu.memref_slice %arg6[%run_scoped3A_102, %dma_start3A_118] : memref<25x80xi32, #tpu.memory_space<vmem>> -> memref<1x80xi32, #tpu.memory_space<vmem>>
        %dma_start3A_120 = tpu.memref_squeeze %dma_start3A_119 : memref<1x80xi32, #tpu.memory_space<vmem>> -> memref<80xi32, #tpu.memory_space<vmem>>
        %dma_start3A_121 = arith.constant 0 : i32
        %dma_start3A_122 = arith.constant 0 : i32
        %dma_start3A_123 = tpu.memref_slice %arg10[%dma_start3A_121, %dma_start3A_122] : memref<10240x128xf32, #tpu.memory_space<vmem_shared>> -> memref<10240x128xf32, #tpu.memory_space<vmem_shared>>
        tpu.enqueue_indirect_dma source(%arg8 : memref<80x128xf32, #tpu.memory_space<vmem>>) target(%dma_start3A_123 : memref<10240x128xf32, #tpu.memory_space<vmem_shared>>) offsets(%dma_start3A_120 : memref<80xi32, #tpu.memory_space<vmem>>) semaphore(%run_scoped3A_117 : memref<!tpu.dma_semaphore, #tpu.memory_space<semaphore_mem>>) {add = true}
        %dma_wait3A_124 = arith.constant 0 : i32
        %dma_wait3A_125 = tpu.memref_slice %arg6[%run_scoped3A_102, %dma_wait3A_124] : memref<25x80xi32, #tpu.memory_space<vmem>> -> memref<1x80xi32, #tpu.memory_space<vmem>>
        %dma_wait3A_126 = tpu.memref_squeeze %dma_wait3A_125 : memref<1x80xi32, #tpu.memory_space<vmem>> -> memref<80xi32, #tpu.memory_space<vmem>>
        %dma_wait3A_127 = arith.constant 0 : i32
        %dma_wait3A_128 = arith.constant 0 : i32
        %dma_wait3A_129 = tpu.memref_slice %arg10[%dma_wait3A_127, %dma_wait3A_128] : memref<10240x128xf32, #tpu.memory_space<vmem_shared>> -> memref<10240x128xf32, #tpu.memory_space<vmem_shared>>
        tpu.wait_indirect_dma semaphore(%run_scoped3A_117 : memref<!tpu.dma_semaphore, #tpu.memory_space<semaphore_mem>>) src(%arg8 : memref<80x128xf32, #tpu.memory_space<vmem>>) dst(%dma_wait3A_129 : memref<10240x128xf32, #tpu.memory_space<vmem_shared>>)
        tpu.yield
      }) : () -> ()
      %dma_wait3A_103 = arith.constant 0 : i32
      %dma_wait3A_104 = arith.constant 0 : i32
      %dma_wait3A_105 = tpu.memref_slice %arg2[%dma_wait3A_103, %dma_wait3A_104] : memref<10000x128xf32, #tpu.memory_space<hbm>> -> memref<80x128xf32, #tpu.memory_space<hbm>>
      %dma_wait3A_106 = arith.constant 0 : i32
      %dma_wait3A_107 = arith.constant 0 : i32
      %dma_wait3A_108 = tpu.memref_slice %arg2[%dma_wait3A_106, %dma_wait3A_107] : memref<10000x128xf32, #tpu.memory_space<hbm>> -> memref<80x128xf32, #tpu.memory_space<hbm>>
      tpu.wait_dma2 semaphore(%arg13 : memref<!tpu.dma_semaphore, #tpu.memory_space<semaphore_mem>>) src(%dma_wait3A_108 : memref<80x128xf32, #tpu.memory_space<hbm>>) dst(%arg9 : memref<80x128xf32, #tpu.memory_space<vmem>>)
      %run_scoped3A_109 = arith.constant 23 : i32
      "tpu.region"() ({
        %run_scoped3A_117 = tpu.sem_alloc : memref<!tpu.dma_semaphore, #tpu.memory_space<semaphore_mem>>
        %dma_start3A_118 = arith.constant 0 : i32
        %dma_start3A_119 = tpu.memref_slice %arg6[%run_scoped3A_109, %dma_start3A_118] : memref<25x80xi32, #tpu.memory_space<vmem>> -> memref<1x80xi32, #tpu.memory_space<vmem>>
        %dma_start3A_120 = tpu.memref_squeeze %dma_start3A_119 : memref<1x80xi32, #tpu.memory_space<vmem>> -> memref<80xi32, #tpu.memory_space<vmem>>
        %dma_start3A_121 = arith.constant 0 : i32
        %dma_start3A_122 = arith.constant 0 : i32
        %dma_start3A_123 = tpu.memref_slice %arg10[%dma_start3A_121, %dma_start3A_122] : memref<10240x128xf32, #tpu.memory_space<vmem_shared>> -> memref<10240x128xf32, #tpu.memory_space<vmem_shared>>
        tpu.enqueue_indirect_dma source(%arg9 : memref<80x128xf32, #tpu.memory_space<vmem>>) target(%dma_start3A_123 : memref<10240x128xf32, #tpu.memory_space<vmem_shared>>) offsets(%dma_start3A_120 : memref<80xi32, #tpu.memory_space<vmem>>) semaphore(%run_scoped3A_117 : memref<!tpu.dma_semaphore, #tpu.memory_space<semaphore_mem>>) {add = true}
        %dma_wait3A_124 = arith.constant 0 : i32
        %dma_wait3A_125 = tpu.memref_slice %arg6[%run_scoped3A_109, %dma_wait3A_124] : memref<25x80xi32, #tpu.memory_space<vmem>> -> memref<1x80xi32, #tpu.memory_space<vmem>>
        %dma_wait3A_126 = tpu.memref_squeeze %dma_wait3A_125 : memref<1x80xi32, #tpu.memory_space<vmem>> -> memref<80xi32, #tpu.memory_space<vmem>>
        %dma_wait3A_127 = arith.constant 0 : i32
        %dma_wait3A_128 = arith.constant 0 : i32
        %dma_wait3A_129 = tpu.memref_slice %arg10[%dma_wait3A_127, %dma_wait3A_128] : memref<10240x128xf32, #tpu.memory_space<vmem_shared>> -> memref<10240x128xf32, #tpu.memory_space<vmem_shared>>
        tpu.wait_indirect_dma semaphore(%run_scoped3A_117 : memref<!tpu.dma_semaphore, #tpu.memory_space<semaphore_mem>>) src(%arg9 : memref<80x128xf32, #tpu.memory_space<vmem>>) dst(%dma_wait3A_129 : memref<10240x128xf32, #tpu.memory_space<vmem_shared>>)
        tpu.yield
      }) : () -> ()
      %dma_wait3A_110 = arith.constant 0 : i32
      %dma_wait3A_111 = arith.constant 0 : i32
      %dma_wait3A_112 = tpu.memref_slice %arg2[%dma_wait3A_110, %dma_wait3A_111] : memref<10000x128xf32, #tpu.memory_space<hbm>> -> memref<80x128xf32, #tpu.memory_space<hbm>>
      %dma_wait3A_113 = arith.constant 0 : i32
      %dma_wait3A_114 = arith.constant 0 : i32
      %dma_wait3A_115 = tpu.memref_slice %arg2[%dma_wait3A_113, %dma_wait3A_114] : memref<10000x128xf32, #tpu.memory_space<hbm>> -> memref<80x128xf32, #tpu.memory_space<hbm>>
      tpu.wait_dma2 semaphore(%arg11 : memref<!tpu.dma_semaphore, #tpu.memory_space<semaphore_mem>>) src(%dma_wait3A_115 : memref<80x128xf32, #tpu.memory_space<hbm>>) dst(%arg7 : memref<80x128xf32, #tpu.memory_space<vmem>>)
      %run_scoped3A_116 = arith.constant 24 : i32
      "tpu.region"() ({
        %run_scoped3A_117 = tpu.sem_alloc : memref<!tpu.dma_semaphore, #tpu.memory_space<semaphore_mem>>
        %dma_start3A_118 = arith.constant 0 : i32
        %dma_start3A_119 = tpu.memref_slice %arg6[%run_scoped3A_116, %dma_start3A_118] : memref<25x80xi32, #tpu.memory_space<vmem>> -> memref<1x80xi32, #tpu.memory_space<vmem>>
        %dma_start3A_120 = tpu.memref_squeeze %dma_start3A_119 : memref<1x80xi32, #tpu.memory_space<vmem>> -> memref<80xi32, #tpu.memory_space<vmem>>
        %dma_start3A_121 = arith.constant 0 : i32
        %dma_start3A_122 = arith.constant 0 : i32
        %dma_start3A_123 = tpu.memref_slice %arg10[%dma_start3A_121, %dma_start3A_122] : memref<10240x128xf32, #tpu.memory_space<vmem_shared>> -> memref<10240x128xf32, #tpu.memory_space<vmem_shared>>
        tpu.enqueue_indirect_dma source(%arg7 : memref<80x128xf32, #tpu.memory_space<vmem>>) target(%dma_start3A_123 : memref<10240x128xf32, #tpu.memory_space<vmem_shared>>) offsets(%dma_start3A_120 : memref<80xi32, #tpu.memory_space<vmem>>) semaphore(%run_scoped3A_117 : memref<!tpu.dma_semaphore, #tpu.memory_space<semaphore_mem>>) {add = true}
        %dma_wait3A_124 = arith.constant 0 : i32
        %dma_wait3A_125 = tpu.memref_slice %arg6[%run_scoped3A_116, %dma_wait3A_124] : memref<25x80xi32, #tpu.memory_space<vmem>> -> memref<1x80xi32, #tpu.memory_space<vmem>>
        %dma_wait3A_126 = tpu.memref_squeeze %dma_wait3A_125 : memref<1x80xi32, #tpu.memory_space<vmem>> -> memref<80xi32, #tpu.memory_space<vmem>>
        %dma_wait3A_127 = arith.constant 0 : i32
        %dma_wait3A_128 = arith.constant 0 : i32
        %dma_wait3A_129 = tpu.memref_slice %arg10[%dma_wait3A_127, %dma_wait3A_128] : memref<10240x128xf32, #tpu.memory_space<vmem_shared>> -> memref<10240x128xf32, #tpu.memory_space<vmem_shared>>
        tpu.wait_indirect_dma semaphore(%run_scoped3A_117 : memref<!tpu.dma_semaphore, #tpu.memory_space<semaphore_mem>>) src(%arg7 : memref<80x128xf32, #tpu.memory_space<vmem>>) dst(%dma_wait3A_129 : memref<10240x128xf32, #tpu.memory_space<vmem_shared>>)
        tpu.yield
      }) : () -> ()
    }
    %scan3A_43 = arith.constant 5 : i32
    %barrier3A_44 = arith.constant 0 : index
    tpu.barrier barrier_id(%barrier3A_44)
    %mul3A_45 = arith.constant 640 : i32
    %mul3A_46 = arith.muli %arg1, %mul3A_45 : i32
    %mul3A_47 = arith.constant 640 : i32
    %mul3A_48 = arith.muli %arg1, %mul3A_47 : i32
    "tpu.region"() ({
      %run_scoped3A = tpu.sem_alloc : memref<!tpu.dma_semaphore, #tpu.memory_space<semaphore_mem>>
      %dma_start3A = arith.constant 0 : i32
      %dma_start3A_49 = arith.constant 0 : i32
      %dma_start3A_50 = tpu.memref_slice %arg4[%arg0, %dma_start3A, %dma_start3A_49] : memref<2x10240x128xf32, #tpu.memory_space<hbm>> -> memref<1x10240x128xf32, #tpu.memory_space<hbm>>
      %dma_start3A_51 = tpu.memref_squeeze %dma_start3A_50 : memref<1x10240x128xf32, #tpu.memory_space<hbm>> -> memref<10240x128xf32, #tpu.memory_space<hbm>>
      %dma_start3A_52 = arith.constant 0 : i32
      %dma_start3A_53 = tpu.memref_slice %dma_start3A_51[%mul3A_48, %dma_start3A_52] : memref<10240x128xf32, #tpu.memory_space<hbm>> -> memref<640x128xf32, #tpu.memory_space<hbm>>
      %dma_start3A_54 = arith.constant 0 : i32
      %dma_start3A_55 = tpu.memref_slice %arg10[%mul3A_46, %dma_start3A_54] : memref<10240x128xf32, #tpu.memory_space<vmem_shared>> -> memref<640x128xf32, #tpu.memory_space<vmem_shared>>
      tpu.enqueue_dma source(%dma_start3A_55 : memref<640x128xf32, #tpu.memory_space<vmem_shared>>) target(%dma_start3A_53 : memref<640x128xf32, #tpu.memory_space<hbm>>) target_semaphore(%run_scoped3A : memref<!tpu.dma_semaphore, #tpu.memory_space<semaphore_mem>>)
      %dma_wait3A = arith.constant 0 : i32
      %dma_wait3A_56 = arith.constant 0 : i32
      %dma_wait3A_57 = tpu.memref_slice %arg4[%arg0, %dma_wait3A, %dma_wait3A_56] : memref<2x10240x128xf32, #tpu.memory_space<hbm>> -> memref<1x10240x128xf32, #tpu.memory_space<hbm>>
      %dma_wait3A_58 = tpu.memref_squeeze %dma_wait3A_57 : memref<1x10240x128xf32, #tpu.memory_space<hbm>> -> memref<10240x128xf32, #tpu.memory_space<hbm>>
      %dma_wait3A_59 = arith.constant 0 : i32
      %dma_wait3A_60 = tpu.memref_slice %dma_wait3A_58[%mul3A_48, %dma_wait3A_59] : memref<10240x128xf32, #tpu.memory_space<hbm>> -> memref<640x128xf32, #tpu.memory_space<hbm>>
      %dma_wait3A_61 = arith.constant 0 : i32
      %dma_wait3A_62 = tpu.memref_slice %arg10[%mul3A_46, %dma_wait3A_61] : memref<10240x128xf32, #tpu.memory_space<vmem_shared>> -> memref<640x128xf32, #tpu.memory_space<vmem_shared>>
      tpu.wait_dma2 semaphore(%run_scoped3A : memref<!tpu.dma_semaphore, #tpu.memory_space<semaphore_mem>>) src(%dma_wait3A_62 : memref<640x128xf32, #tpu.memory_space<vmem_shared>>) dst(%dma_wait3A_60 : memref<640x128xf32, #tpu.memory_space<hbm>>)
      tpu.yield
    }) : () -> ()
    return
  }
}

#map = affine_map<(d0, d1) -> (0, 0)>
#map1 = affine_map<(d0, d1) -> (0, 0, 0, 0)>
#map2 = affine_map<(d0, d1) -> (0, 0, 0)>
module attributes {stable_mosaic.version = 14 : i64} {
  func.func @_edge_agg_body(%arg0: i32, %arg1: i32, %arg2: memref<10000x128xf32, #tpu.memory_space<hbm>>, %arg3: memref<2x160x25x80xi32, #tpu.memory_space<hbm>>, %arg4: memref<2x10240x128xf32, #tpu.memory_space<hbm>>, %arg5: memref<25x80xi32, #tpu.memory_space<vmem>>, %arg6: memref<25x80xi32, #tpu.memory_space<vmem>>, %arg7: memref<80x128xf32, #tpu.memory_space<vmem>>, %arg8: memref<80x128xf32, #tpu.memory_space<vmem>>, %arg9: memref<80x128xf32, #tpu.memory_space<vmem>>, %arg10: memref<10240x128xf32, #tpu.memory_space<vmem_shared>>, %arg11: memref<!tpu.dma_semaphore, #tpu.memory_space<semaphore_mem>>, %arg12: memref<!tpu.dma_semaphore, #tpu.memory_space<semaphore_mem>>, %arg13: memref<!tpu.dma_semaphore, #tpu.memory_space<semaphore_mem>>) attributes {dimension_semantics = [#tpu.dimension_semantics<core_parallel>, #tpu.dimension_semantics<subcore_parallel>], iteration_bounds = array<i64: 2, 16>, scalar_prefetch = 0 : i64, scratch_operands = 9 : i64, tpu.core_type = #tpu.core_type<sc_vector_subcore>, window_params = [{transform_indices = #map}, {transform_indices = #map1}, {transform_indices = #map2}]} {
    %mul3A = arith.constant 16 : i32
    %mul3A_0 = arith.muli %arg0, %mul3A : i32
    %add3A = arith.addi %mul3A_0, %arg1 : i32
    %scan3A = arith.constant 0 : i32
    %scan3A_1 = arith.constant 0 : i32
    %scan3A_2 = arith.constant 80 : i32
    %scan3A_3 = arith.addi %scan3A_1, %scan3A_2 : i32
    %scan3A_4 = arith.constant 1 : i32
    scf.for %scan3A_49 = %scan3A_1 to %scan3A_3 step %scan3A_4  : i32 {
      %broadcast_in_dim3A = arith.constant 0.000000e+00 : f32
      %broadcast_in_dim3A_50 = vector.broadcast %broadcast_in_dim3A : f32 to vector<16xf32>
      %swap3A = arith.index_cast %scan3A_49 : i32 to index
      %swap3A_51 = arith.constant 0 : index
      %swap3A_52 = tpu.vector_load %arg7[%swap3A, %swap3A_51] {strides = array<i32>} : memref<80x128xf32, #tpu.memory_space<vmem>>, vector<1x16xf32>,
      %swap3A_53 = vector.shape_cast %swap3A_52 : vector<1x16xf32> to vector<16xf32>
      %swap3A_54 = vector.shape_cast %broadcast_in_dim3A_50 : vector<16xf32> to vector<1x16xf32>
      tpu.vector_store %arg7[%swap3A, %swap3A_51], %swap3A_54 {strides = array<i32>} : memref<80x128xf32, #tpu.memory_space<vmem>>, vector<1x16xf32>,
      %broadcast_in_dim3A_55 = arith.constant 0.000000e+00 : f32
      %broadcast_in_dim3A_56 = vector.broadcast %broadcast_in_dim3A_55 : f32 to vector<16xf32>
      %swap3A_57 = arith.index_cast %scan3A_49 : i32 to index
      %swap3A_58 = arith.constant 16 : index
      %swap3A_59 = tpu.vector_load %arg7[%swap3A_57, %swap3A_58] {strides = array<i32>} : memref<80x128xf32, #tpu.memory_space<vmem>>, vector<1x16xf32>,
      %swap3A_60 = vector.shape_cast %swap3A_59 : vector<1x16xf32> to vector<16xf32>
      %swap3A_61 = vector.shape_cast %broadcast_in_dim3A_56 : vector<16xf32> to vector<1x16xf32>
      tpu.vector_store %arg7[%swap3A_57, %swap3A_58], %swap3A_61 {strides = array<i32>} : memref<80x128xf32, #tpu.memory_space<vmem>>, vector<1x16xf32>,
      %broadcast_in_dim3A_62 = arith.constant 0.000000e+00 : f32
      %broadcast_in_dim3A_63 = vector.broadcast %broadcast_in_dim3A_62 : f32 to vector<16xf32>
      %swap3A_64 = arith.index_cast %scan3A_49 : i32 to index
      %swap3A_65 = arith.constant 32 : index
      %swap3A_66 = tpu.vector_load %arg7[%swap3A_64, %swap3A_65] {strides = array<i32>} : memref<80x128xf32, #tpu.memory_space<vmem>>, vector<1x16xf32>,
      %swap3A_67 = vector.shape_cast %swap3A_66 : vector<1x16xf32> to vector<16xf32>
      %swap3A_68 = vector.shape_cast %broadcast_in_dim3A_63 : vector<16xf32> to vector<1x16xf32>
      tpu.vector_store %arg7[%swap3A_64, %swap3A_65], %swap3A_68 {strides = array<i32>} : memref<80x128xf32, #tpu.memory_space<vmem>>, vector<1x16xf32>,
      %broadcast_in_dim3A_69 = arith.constant 0.000000e+00 : f32
      %broadcast_in_dim3A_70 = vector.broadcast %broadcast_in_dim3A_69 : f32 to vector<16xf32>
      %swap3A_71 = arith.index_cast %scan3A_49 : i32 to index
      %swap3A_72 = arith.constant 48 : index
      %swap3A_73 = tpu.vector_load %arg7[%swap3A_71, %swap3A_72] {strides = array<i32>} : memref<80x128xf32, #tpu.memory_space<vmem>>, vector<1x16xf32>,
      %swap3A_74 = vector.shape_cast %swap3A_73 : vector<1x16xf32> to vector<16xf32>
      %swap3A_75 = vector.shape_cast %broadcast_in_dim3A_70 : vector<16xf32> to vector<1x16xf32>
      tpu.vector_store %arg7[%swap3A_71, %swap3A_72], %swap3A_75 {strides = array<i32>} : memref<80x128xf32, #tpu.memory_space<vmem>>, vector<1x16xf32>,
      %broadcast_in_dim3A_76 = arith.constant 0.000000e+00 : f32
      %broadcast_in_dim3A_77 = vector.broadcast %broadcast_in_dim3A_76 : f32 to vector<16xf32>
      %swap3A_78 = arith.index_cast %scan3A_49 : i32 to index
      %swap3A_79 = arith.constant 64 : index
      %swap3A_80 = tpu.vector_load %arg7[%swap3A_78, %swap3A_79] {strides = array<i32>} : memref<80x128xf32, #tpu.memory_space<vmem>>, vector<1x16xf32>,
      %swap3A_81 = vector.shape_cast %swap3A_80 : vector<1x16xf32> to vector<16xf32>
      %swap3A_82 = vector.shape_cast %broadcast_in_dim3A_77 : vector<16xf32> to vector<1x16xf32>
      tpu.vector_store %arg7[%swap3A_78, %swap3A_79], %swap3A_82 {strides = array<i32>} : memref<80x128xf32, #tpu.memory_space<vmem>>, vector<1x16xf32>,
      %broadcast_in_dim3A_83 = arith.constant 0.000000e+00 : f32
      %broadcast_in_dim3A_84 = vector.broadcast %broadcast_in_dim3A_83 : f32 to vector<16xf32>
      %swap3A_85 = arith.index_cast %scan3A_49 : i32 to index
      %swap3A_86 = arith.constant 80 : index
      %swap3A_87 = tpu.vector_load %arg7[%swap3A_85, %swap3A_86] {strides = array<i32>} : memref<80x128xf32, #tpu.memory_space<vmem>>, vector<1x16xf32>,
      %swap3A_88 = vector.shape_cast %swap3A_87 : vector<1x16xf32> to vector<16xf32>
      %swap3A_89 = vector.shape_cast %broadcast_in_dim3A_84 : vector<16xf32> to vector<1x16xf32>
      tpu.vector_store %arg7[%swap3A_85, %swap3A_86], %swap3A_89 {strides = array<i32>} : memref<80x128xf32, #tpu.memory_space<vmem>>, vector<1x16xf32>,
      %broadcast_in_dim3A_90 = arith.constant 0.000000e+00 : f32
      %broadcast_in_dim3A_91 = vector.broadcast %broadcast_in_dim3A_90 : f32 to vector<16xf32>
      %swap3A_92 = arith.index_cast %scan3A_49 : i32 to index
      %swap3A_93 = arith.constant 96 : index
      %swap3A_94 = tpu.vector_load %arg7[%swap3A_92, %swap3A_93] {strides = array<i32>} : memref<80x128xf32, #tpu.memory_space<vmem>>, vector<1x16xf32>,
      %swap3A_95 = vector.shape_cast %swap3A_94 : vector<1x16xf32> to vector<16xf32>
      %swap3A_96 = vector.shape_cast %broadcast_in_dim3A_91 : vector<16xf32> to vector<1x16xf32>
      tpu.vector_store %arg7[%swap3A_92, %swap3A_93], %swap3A_96 {strides = array<i32>} : memref<80x128xf32, #tpu.memory_space<vmem>>, vector<1x16xf32>,
      %broadcast_in_dim3A_97 = arith.constant 0.000000e+00 : f32
      %broadcast_in_dim3A_98 = vector.broadcast %broadcast_in_dim3A_97 : f32 to vector<16xf32>
      %swap3A_99 = arith.index_cast %scan3A_49 : i32 to index
      %swap3A_100 = arith.constant 112 : index
      %swap3A_101 = tpu.vector_load %arg7[%swap3A_99, %swap3A_100] {strides = array<i32>} : memref<80x128xf32, #tpu.memory_space<vmem>>, vector<1x16xf32>,
      %swap3A_102 = vector.shape_cast %swap3A_101 : vector<1x16xf32> to vector<16xf32>
      %swap3A_103 = vector.shape_cast %broadcast_in_dim3A_98 : vector<16xf32> to vector<1x16xf32>
      tpu.vector_store %arg7[%swap3A_99, %swap3A_100], %swap3A_103 {strides = array<i32>} : memref<80x128xf32, #tpu.memory_space<vmem>>, vector<1x16xf32>,
    }
    %scan3A_5 = arith.constant 80 : i32
    %mul3A_6 = arith.constant 640 : i32
    %mul3A_7 = arith.muli %arg1, %mul3A_6 : i32
    %add3A_8 = arith.constant 0 : i32
    %add3A_9 = arith.addi %mul3A_7, %add3A_8 : i32
    "tpu.region"() ({
      %run_scoped3A = tpu.sem_alloc : memref<!tpu.dma_semaphore, #tpu.memory_space<semaphore_mem>>
      %dma_start3A = arith.constant 0 : i32
      %dma_start3A_49 = tpu.memref_slice %arg10[%add3A_9, %dma_start3A] : memref<10240x128xf32, #tpu.memory_space<vmem_shared>> -> memref<80x128xf32, #tpu.memory_space<vmem_shared>>
      %dma_start3A_50 = arith.constant 0 : i32
      %dma_start3A_51 = tpu.memref_slice %arg10[%add3A_9, %dma_start3A_50] : memref<10240x128xf32, #tpu.memory_space<vmem_shared>> -> memref<80x128xf32, #tpu.memory_space<vmem_shared>>
      tpu.enqueue_dma source(%arg7 : memref<80x128xf32, #tpu.memory_space<vmem>>) target(%dma_start3A_51 : memref<80x128xf32, #tpu.memory_space<vmem_shared>>) target_semaphore(%run_scoped3A : memref<!tpu.dma_semaphore, #tpu.memory_space<semaphore_mem>>)
      %dma_wait3A = arith.constant 0 : i32
      %dma_wait3A_52 = tpu.memref_slice %arg10[%add3A_9, %dma_wait3A] : memref<10240x128xf32, #tpu.memory_space<vmem_shared>> -> memref<80x128xf32, #tpu.memory_space<vmem_shared>>
      %dma_wait3A_53 = arith.constant 0 : i32
      %dma_wait3A_54 = tpu.memref_slice %arg10[%add3A_9, %dma_wait3A_53] : memref<10240x128xf32, #tpu.memory_space<vmem_shared>> -> memref<80x128xf32, #tpu.memory_space<vmem_shared>>
      tpu.wait_dma2 semaphore(%run_scoped3A : memref<!tpu.dma_semaphore, #tpu.memory_space<semaphore_mem>>) src(%arg7 : memref<80x128xf32, #tpu.memory_space<vmem>>) dst(%dma_wait3A_54 : memref<80x128xf32, #tpu.memory_space<vmem_shared>>)
      tpu.yield
    }) : () -> ()
    %mul3A_10 = arith.constant 640 : i32
    %mul3A_11 = arith.muli %arg1, %mul3A_10 : i32
    %add3A_12 = arith.constant 80 : i32
    %add3A_13 = arith.addi %mul3A_11, %add3A_12 : i32
    "tpu.region"() ({
      %run_scoped3A = tpu.sem_alloc : memref<!tpu.dma_semaphore, #tpu.memory_space<semaphore_mem>>
      %dma_start3A = arith.constant 0 : i32
      %dma_start3A_49 = tpu.memref_slice %arg10[%add3A_13, %dma_start3A] : memref<10240x128xf32, #tpu.memory_space<vmem_shared>> -> memref<80x128xf32, #tpu.memory_space<vmem_shared>>
      %dma_start3A_50 = arith.constant 0 : i32
      %dma_start3A_51 = tpu.memref_slice %arg10[%add3A_13, %dma_start3A_50] : memref<10240x128xf32, #tpu.memory_space<vmem_shared>> -> memref<80x128xf32, #tpu.memory_space<vmem_shared>>
      tpu.enqueue_dma source(%arg7 : memref<80x128xf32, #tpu.memory_space<vmem>>) target(%dma_start3A_51 : memref<80x128xf32, #tpu.memory_space<vmem_shared>>) target_semaphore(%run_scoped3A : memref<!tpu.dma_semaphore, #tpu.memory_space<semaphore_mem>>)
      %dma_wait3A = arith.constant 0 : i32
      %dma_wait3A_52 = tpu.memref_slice %arg10[%add3A_13, %dma_wait3A] : memref<10240x128xf32, #tpu.memory_space<vmem_shared>> -> memref<80x128xf32, #tpu.memory_space<vmem_shared>>
      %dma_wait3A_53 = arith.constant 0 : i32
      %dma_wait3A_54 = tpu.memref_slice %arg10[%add3A_13, %dma_wait3A_53] : memref<10240x128xf32, #tpu.memory_space<vmem_shared>> -> memref<80x128xf32, #tpu.memory_space<vmem_shared>>
      tpu.wait_dma2 semaphore(%run_scoped3A : memref<!tpu.dma_semaphore, #tpu.memory_space<semaphore_mem>>) src(%arg7 : memref<80x128xf32, #tpu.memory_space<vmem>>) dst(%dma_wait3A_54 : memref<80x128xf32, #tpu.memory_space<vmem_shared>>)
      tpu.yield
    }) : () -> ()
    %mul3A_14 = arith.constant 640 : i32
    %mul3A_15 = arith.muli %arg1, %mul3A_14 : i32
    %add3A_16 = arith.constant 160 : i32
    %add3A_17 = arith.addi %mul3A_15, %add3A_16 : i32
    "tpu.region"() ({
      %run_scoped3A = tpu.sem_alloc : memref<!tpu.dma_semaphore, #tpu.memory_space<semaphore_mem>>
      %dma_start3A = arith.constant 0 : i32
      %dma_start3A_49 = tpu.memref_slice %arg10[%add3A_17, %dma_start3A] : memref<10240x128xf32, #tpu.memory_space<vmem_shared>> -> memref<80x128xf32, #tpu.memory_space<vmem_shared>>
      %dma_start3A_50 = arith.constant 0 : i32
      %dma_start3A_51 = tpu.memref_slice %arg10[%add3A_17, %dma_start3A_50] : memref<10240x128xf32, #tpu.memory_space<vmem_shared>> -> memref<80x128xf32, #tpu.memory_space<vmem_shared>>
      tpu.enqueue_dma source(%arg7 : memref<80x128xf32, #tpu.memory_space<vmem>>) target(%dma_start3A_51 : memref<80x128xf32, #tpu.memory_space<vmem_shared>>) target_semaphore(%run_scoped3A : memref<!tpu.dma_semaphore, #tpu.memory_space<semaphore_mem>>)
      %dma_wait3A = arith.constant 0 : i32
      %dma_wait3A_52 = tpu.memref_slice %arg10[%add3A_17, %dma_wait3A] : memref<10240x128xf32, #tpu.memory_space<vmem_shared>> -> memref<80x128xf32, #tpu.memory_space<vmem_shared>>
      %dma_wait3A_53 = arith.constant 0 : i32
      %dma_wait3A_54 = tpu.memref_slice %arg10[%add3A_17, %dma_wait3A_53] : memref<10240x128xf32, #tpu.memory_space<vmem_shared>> -> memref<80x128xf32, #tpu.memory_space<vmem_shared>>
      tpu.wait_dma2 semaphore(%run_scoped3A : memref<!tpu.dma_semaphore, #tpu.memory_space<semaphore_mem>>) src(%arg7 : memref<80x128xf32, #tpu.memory_space<vmem>>) dst(%dma_wait3A_54 : memref<80x128xf32, #tpu.memory_space<vmem_shared>>)
      tpu.yield
    }) : () -> ()
    %mul3A_18 = arith.constant 640 : i32
    %mul3A_19 = arith.muli %arg1, %mul3A_18 : i32
    %add3A_20 = arith.constant 240 : i32
    %add3A_21 = arith.addi %mul3A_19, %add3A_20 : i32
    "tpu.region"() ({
      %run_scoped3A = tpu.sem_alloc : memref<!tpu.dma_semaphore, #tpu.memory_space<semaphore_mem>>
      %dma_start3A = arith.constant 0 : i32
      %dma_start3A_49 = tpu.memref_slice %arg10[%add3A_21, %dma_start3A] : memref<10240x128xf32, #tpu.memory_space<vmem_shared>> -> memref<80x128xf32, #tpu.memory_space<vmem_shared>>
      %dma_start3A_50 = arith.constant 0 : i32
      %dma_start3A_51 = tpu.memref_slice %arg10[%add3A_21, %dma_start3A_50] : memref<10240x128xf32, #tpu.memory_space<vmem_shared>> -> memref<80x128xf32, #tpu.memory_space<vmem_shared>>
      tpu.enqueue_dma source(%arg7 : memref<80x128xf32, #tpu.memory_space<vmem>>) target(%dma_start3A_51 : memref<80x128xf32, #tpu.memory_space<vmem_shared>>) target_semaphore(%run_scoped3A : memref<!tpu.dma_semaphore, #tpu.memory_space<semaphore_mem>>)
      %dma_wait3A = arith.constant 0 : i32
      %dma_wait3A_52 = tpu.memref_slice %arg10[%add3A_21, %dma_wait3A] : memref<10240x128xf32, #tpu.memory_space<vmem_shared>> -> memref<80x128xf32, #tpu.memory_space<vmem_shared>>
      %dma_wait3A_53 = arith.constant 0 : i32
      %dma_wait3A_54 = tpu.memref_slice %arg10[%add3A_21, %dma_wait3A_53] : memref<10240x128xf32, #tpu.memory_space<vmem_shared>> -> memref<80x128xf32, #tpu.memory_space<vmem_shared>>
      tpu.wait_dma2 semaphore(%run_scoped3A : memref<!tpu.dma_semaphore, #tpu.memory_space<semaphore_mem>>) src(%arg7 : memref<80x128xf32, #tpu.memory_space<vmem>>) dst(%dma_wait3A_54 : memref<80x128xf32, #tpu.memory_space<vmem_shared>>)
      tpu.yield
    }) : () -> ()
    %mul3A_22 = arith.constant 640 : i32
    %mul3A_23 = arith.muli %arg1, %mul3A_22 : i32
    %add3A_24 = arith.constant 320 : i32
    %add3A_25 = arith.addi %mul3A_23, %add3A_24 : i32
    "tpu.region"() ({
      %run_scoped3A = tpu.sem_alloc : memref<!tpu.dma_semaphore, #tpu.memory_space<semaphore_mem>>
      %dma_start3A = arith.constant 0 : i32
      %dma_start3A_49 = tpu.memref_slice %arg10[%add3A_25, %dma_start3A] : memref<10240x128xf32, #tpu.memory_space<vmem_shared>> -> memref<80x128xf32, #tpu.memory_space<vmem_shared>>
      %dma_start3A_50 = arith.constant 0 : i32
      %dma_start3A_51 = tpu.memref_slice %arg10[%add3A_25, %dma_start3A_50] : memref<10240x128xf32, #tpu.memory_space<vmem_shared>> -> memref<80x128xf32, #tpu.memory_space<vmem_shared>>
      tpu.enqueue_dma source(%arg7 : memref<80x128xf32, #tpu.memory_space<vmem>>) target(%dma_start3A_51 : memref<80x128xf32, #tpu.memory_space<vmem_shared>>) target_semaphore(%run_scoped3A : memref<!tpu.dma_semaphore, #tpu.memory_space<semaphore_mem>>)
      %dma_wait3A = arith.constant 0 : i32
      %dma_wait3A_52 = tpu.memref_slice %arg10[%add3A_25, %dma_wait3A] : memref<10240x128xf32, #tpu.memory_space<vmem_shared>> -> memref<80x128xf32, #tpu.memory_space<vmem_shared>>
      %dma_wait3A_53 = arith.constant 0 : i32
      %dma_wait3A_54 = tpu.memref_slice %arg10[%add3A_25, %dma_wait3A_53] : memref<10240x128xf32, #tpu.memory_space<vmem_shared>> -> memref<80x128xf32, #tpu.memory_space<vmem_shared>>
      tpu.wait_dma2 semaphore(%run_scoped3A : memref<!tpu.dma_semaphore, #tpu.memory_space<semaphore_mem>>) src(%arg7 : memref<80x128xf32, #tpu.memory_space<vmem>>) dst(%dma_wait3A_54 : memref<80x128xf32, #tpu.memory_space<vmem_shared>>)
      tpu.yield
    }) : () -> ()
    %mul3A_26 = arith.constant 640 : i32
    %mul3A_27 = arith.muli %arg1, %mul3A_26 : i32
    %add3A_28 = arith.constant 400 : i32
    %add3A_29 = arith.addi %mul3A_27, %add3A_28 : i32
    "tpu.region"() ({
      %run_scoped3A = tpu.sem_alloc : memref<!tpu.dma_semaphore, #tpu.memory_space<semaphore_mem>>
      %dma_start3A = arith.constant 0 : i32
      %dma_start3A_49 = tpu.memref_slice %arg10[%add3A_29, %dma_start3A] : memref<10240x128xf32, #tpu.memory_space<vmem_shared>> -> memref<80x128xf32, #tpu.memory_space<vmem_shared>>
      %dma_start3A_50 = arith.constant 0 : i32
      %dma_start3A_51 = tpu.memref_slice %arg10[%add3A_29, %dma_start3A_50] : memref<10240x128xf32, #tpu.memory_space<vmem_shared>> -> memref<80x128xf32, #tpu.memory_space<vmem_shared>>
      tpu.enqueue_dma source(%arg7 : memref<80x128xf32, #tpu.memory_space<vmem>>) target(%dma_start3A_51 : memref<80x128xf32, #tpu.memory_space<vmem_shared>>) target_semaphore(%run_scoped3A : memref<!tpu.dma_semaphore, #tpu.memory_space<semaphore_mem>>)
      %dma_wait3A = arith.constant 0 : i32
      %dma_wait3A_52 = tpu.memref_slice %arg10[%add3A_29, %dma_wait3A] : memref<10240x128xf32, #tpu.memory_space<vmem_shared>> -> memref<80x128xf32, #tpu.memory_space<vmem_shared>>
      %dma_wait3A_53 = arith.constant 0 : i32
      %dma_wait3A_54 = tpu.memref_slice %arg10[%add3A_29, %dma_wait3A_53] : memref<10240x128xf32, #tpu.memory_space<vmem_shared>> -> memref<80x128xf32, #tpu.memory_space<vmem_shared>>
      tpu.wait_dma2 semaphore(%run_scoped3A : memref<!tpu.dma_semaphore, #tpu.memory_space<semaphore_mem>>) src(%arg7 : memref<80x128xf32, #tpu.memory_space<vmem>>) dst(%dma_wait3A_54 : memref<80x128xf32, #tpu.memory_space<vmem_shared>>)
      tpu.yield
    }) : () -> ()
    %mul3A_30 = arith.constant 640 : i32
    %mul3A_31 = arith.muli %arg1, %mul3A_30 : i32
    %add3A_32 = arith.constant 480 : i32
    %add3A_33 = arith.addi %mul3A_31, %add3A_32 : i32
    "tpu.region"() ({
      %run_scoped3A = tpu.sem_alloc : memref<!tpu.dma_semaphore, #tpu.memory_space<semaphore_mem>>
      %dma_start3A = arith.constant 0 : i32
      %dma_start3A_49 = tpu.memref_slice %arg10[%add3A_33, %dma_start3A] : memref<10240x128xf32, #tpu.memory_space<vmem_shared>> -> memref<80x128xf32, #tpu.memory_space<vmem_shared>>
      %dma_start3A_50 = arith.constant 0 : i32
      %dma_start3A_51 = tpu.memref_slice %arg10[%add3A_33, %dma_start3A_50] : memref<10240x128xf32, #tpu.memory_space<vmem_shared>> -> memref<80x128xf32, #tpu.memory_space<vmem_shared>>
      tpu.enqueue_dma source(%arg7 : memref<80x128xf32, #tpu.memory_space<vmem>>) target(%dma_start3A_51 : memref<80x128xf32, #tpu.memory_space<vmem_shared>>) target_semaphore(%run_scoped3A : memref<!tpu.dma_semaphore, #tpu.memory_space<semaphore_mem>>)
      %dma_wait3A = arith.constant 0 : i32
      %dma_wait3A_52 = tpu.memref_slice %arg10[%add3A_33, %dma_wait3A] : memref<10240x128xf32, #tpu.memory_space<vmem_shared>> -> memref<80x128xf32, #tpu.memory_space<vmem_shared>>
      %dma_wait3A_53 = arith.constant 0 : i32
      %dma_wait3A_54 = tpu.memref_slice %arg10[%add3A_33, %dma_wait3A_53] : memref<10240x128xf32, #tpu.memory_space<vmem_shared>> -> memref<80x128xf32, #tpu.memory_space<vmem_shared>>
      tpu.wait_dma2 semaphore(%run_scoped3A : memref<!tpu.dma_semaphore, #tpu.memory_space<semaphore_mem>>) src(%arg7 : memref<80x128xf32, #tpu.memory_space<vmem>>) dst(%dma_wait3A_54 : memref<80x128xf32, #tpu.memory_space<vmem_shared>>)
      tpu.yield
    }) : () -> ()
    %mul3A_34 = arith.constant 640 : i32
    %mul3A_35 = arith.muli %arg1, %mul3A_34 : i32
    %add3A_36 = arith.constant 560 : i32
    %add3A_37 = arith.addi %mul3A_35, %add3A_36 : i32
    "tpu.region"() ({
      %run_scoped3A = tpu.sem_alloc : memref<!tpu.dma_semaphore, #tpu.memory_space<semaphore_mem>>
      %dma_start3A = arith.constant 0 : i32
      %dma_start3A_49 = tpu.memref_slice %arg10[%add3A_37, %dma_start3A] : memref<10240x128xf32, #tpu.memory_space<vmem_shared>> -> memref<80x128xf32, #tpu.memory_space<vmem_shared>>
      %dma_start3A_50 = arith.constant 0 : i32
      %dma_start3A_51 = tpu.memref_slice %arg10[%add3A_37, %dma_start3A_50] : memref<10240x128xf32, #tpu.memory_space<vmem_shared>> -> memref<80x128xf32, #tpu.memory_space<vmem_shared>>
      tpu.enqueue_dma source(%arg7 : memref<80x128xf32, #tpu.memory_space<vmem>>) target(%dma_start3A_51 : memref<80x128xf32, #tpu.memory_space<vmem_shared>>) target_semaphore(%run_scoped3A : memref<!tpu.dma_semaphore, #tpu.memory_space<semaphore_mem>>)
      %dma_wait3A = arith.constant 0 : i32
      %dma_wait3A_52 = tpu.memref_slice %arg10[%add3A_37, %dma_wait3A] : memref<10240x128xf32, #tpu.memory_space<vmem_shared>> -> memref<80x128xf32, #tpu.memory_space<vmem_shared>>
      %dma_wait3A_53 = arith.constant 0 : i32
      %dma_wait3A_54 = tpu.memref_slice %arg10[%add3A_37, %dma_wait3A_53] : memref<10240x128xf32, #tpu.memory_space<vmem_shared>> -> memref<80x128xf32, #tpu.memory_space<vmem_shared>>
      tpu.wait_dma2 semaphore(%run_scoped3A : memref<!tpu.dma_semaphore, #tpu.memory_space<semaphore_mem>>) src(%arg7 : memref<80x128xf32, #tpu.memory_space<vmem>>) dst(%dma_wait3A_54 : memref<80x128xf32, #tpu.memory_space<vmem_shared>>)
      tpu.yield
    }) : () -> ()
    %barrier3A = arith.constant 0 : index
    tpu.barrier barrier_id(%barrier3A)
    %scan3A_38 = arith.constant 0 : i32
    %scan3A_39 = arith.constant 0 : i32
    %scan3A_40 = arith.constant 5 : i32
    %scan3A_41 = arith.addi %scan3A_39, %scan3A_40 : i32
    %scan3A_42 = arith.constant 1 : i32
    scf.for %scan3A_49 = %scan3A_39 to %scan3A_41 step %scan3A_42  : i32 {
      %mul3A_50 = arith.constant 5 : i32
      %mul3A_51 = arith.muli %add3A, %mul3A_50 : i32
      %add3A_52 = arith.addi %mul3A_51, %scan3A_49 : i32
      %run_scoped3A = arith.constant 0 : i32
      "tpu.region"() ({
        %run_scoped3A_117 = tpu.sem_alloc : memref<!tpu.dma_semaphore, #tpu.memory_space<semaphore_mem>>
        %dma_start3A_118 = arith.constant 0 : i32
        %dma_start3A_119 = arith.constant 0 : i32
        %dma_start3A_120 = arith.constant 0 : i32
        %dma_start3A_121 = tpu.memref_slice %arg3[%run_scoped3A, %dma_start3A_118, %dma_start3A_119, %dma_start3A_120] : memref<2x160x25x80xi32, #tpu.memory_space<hbm>> -> memref<1x160x25x80xi32, #tpu.memory_space<hbm>>
        %dma_start3A_122 = tpu.memref_squeeze %dma_start3A_121 : memref<1x160x25x80xi32, #tpu.memory_space<hbm>> -> memref<160x25x80xi32, #tpu.memory_space<hbm>>
        %dma_start3A_123 = arith.constant 0 : i32
        %dma_start3A_124 = arith.constant 0 : i32
        %dma_start3A_125 = tpu.memref_slice %dma_start3A_122[%add3A_52, %dma_start3A_123, %dma_start3A_124] : memref<160x25x80xi32, #tpu.memory_space<hbm>> -> memref<1x25x80xi32, #tpu.memory_space<hbm>>
        %dma_start3A_126 = tpu.memref_squeeze %dma_start3A_125 : memref<1x25x80xi32, #tpu.memory_space<hbm>> -> memref<25x80xi32, #tpu.memory_space<hbm>>
        %dma_start3A_127 = arith.constant 0 : i32
        %dma_start3A_128 = arith.constant 0 : i32
        %dma_start3A_129 = arith.constant 0 : i32
        %dma_start3A_130 = tpu.memref_slice %arg3[%run_scoped3A, %dma_start3A_127, %dma_start3A_128, %dma_start3A_129] : memref<2x160x25x80xi32, #tpu.memory_space<hbm>> -> memref<1x160x25x80xi32, #tpu.memory_space<hbm>>
        %dma_start3A_131 = tpu.memref_squeeze %dma_start3A_130 : memref<1x160x25x80xi32, #tpu.memory_space<hbm>> -> memref<160x25x80xi32, #tpu.memory_space<hbm>>
        %dma_start3A_132 = arith.constant 0 : i32
        %dma_start3A_133 = arith.constant 0 : i32
        %dma_start3A_134 = tpu.memref_slice %dma_start3A_131[%add3A_52, %dma_start3A_132, %dma_start3A_133] : memref<160x25x80xi32, #tpu.memory_space<hbm>> -> memref<1x25x80xi32, #tpu.memory_space<hbm>>
        %dma_start3A_135 = tpu.memref_squeeze %dma_start3A_134 : memref<1x25x80xi32, #tpu.memory_space<hbm>> -> memref<25x80xi32, #tpu.memory_space<hbm>>
        tpu.enqueue_dma source(%dma_start3A_135 : memref<25x80xi32, #tpu.memory_space<hbm>>) target(%arg5 : memref<25x80xi32, #tpu.memory_space<vmem>>) target_semaphore(%run_scoped3A_117 : memref<!tpu.dma_semaphore, #tpu.memory_space<semaphore_mem>>)
        %dma_wait3A_136 = arith.constant 0 : i32
        %dma_wait3A_137 = arith.constant 0 : i32
        %dma_wait3A_138 = arith.constant 0 : i32
        %dma_wait3A_139 = tpu.memref_slice %arg3[%run_scoped3A, %dma_wait3A_136, %dma_wait3A_137, %dma_wait3A_138] : memref<2x160x25x80xi32, #tpu.memory_space<hbm>> -> memref<1x160x25x80xi32, #tpu.memory_space<hbm>>
        %dma_wait3A_140 = tpu.memref_squeeze %dma_wait3A_139 : memref<1x160x25x80xi32, #tpu.memory_space<hbm>> -> memref<160x25x80xi32, #tpu.memory_space<hbm>>
        %dma_wait3A_141 = arith.constant 0 : i32
        %dma_wait3A_142 = arith.constant 0 : i32
        %dma_wait3A_143 = tpu.memref_slice %dma_wait3A_140[%add3A_52, %dma_wait3A_141, %dma_wait3A_142] : memref<160x25x80xi32, #tpu.memory_space<hbm>> -> memref<1x25x80xi32, #tpu.memory_space<hbm>>
        %dma_wait3A_144 = tpu.memref_squeeze %dma_wait3A_143 : memref<1x25x80xi32, #tpu.memory_space<hbm>> -> memref<25x80xi32, #tpu.memory_space<hbm>>
        %dma_wait3A_145 = arith.constant 0 : i32
        %dma_wait3A_146 = arith.constant 0 : i32
        %dma_wait3A_147 = arith.constant 0 : i32
        %dma_wait3A_148 = tpu.memref_slice %arg3[%run_scoped3A, %dma_wait3A_145, %dma_wait3A_146, %dma_wait3A_147] : memref<2x160x25x80xi32, #tpu.memory_space<hbm>> -> memref<1x160x25x80xi32, #tpu.memory_space<hbm>>
        %dma_wait3A_149 = tpu.memref_squeeze %dma_wait3A_148 : memref<1x160x25x80xi32, #tpu.memory_space<hbm>> -> memref<160x25x80xi32, #tpu.memory_space<hbm>>
        %dma_wait3A_150 = arith.constant 0 : i32
        %dma_wait3A_151 = arith.constant 0 : i32
        %dma_wait3A_152 = tpu.memref_slice %dma_wait3A_149[%add3A_52, %dma_wait3A_150, %dma_wait3A_151] : memref<160x25x80xi32, #tpu.memory_space<hbm>> -> memref<1x25x80xi32, #tpu.memory_space<hbm>>
        %dma_wait3A_153 = tpu.memref_squeeze %dma_wait3A_152 : memref<1x25x80xi32, #tpu.memory_space<hbm>> -> memref<25x80xi32, #tpu.memory_space<hbm>>
        tpu.wait_dma2 semaphore(%run_scoped3A_117 : memref<!tpu.dma_semaphore, #tpu.memory_space<semaphore_mem>>) src(%dma_wait3A_153 : memref<25x80xi32, #tpu.memory_space<hbm>>) dst(%arg5 : memref<25x80xi32, #tpu.memory_space<vmem>>)
        tpu.yield
      }) : () -> ()
      %mul3A_53 = arith.constant 5 : i32
      %mul3A_54 = arith.muli %add3A, %mul3A_53 : i32
      %add3A_55 = arith.addi %mul3A_54, %scan3A_49 : i32
      %run_scoped3A_56 = arith.constant 1 : i32
      "tpu.region"() ({
        %run_scoped3A_117 = tpu.sem_alloc : memref<!tpu.dma_semaphore, #tpu.memory_space<semaphore_mem>>
        %dma_start3A_118 = arith.constant 0 : i32
        %dma_start3A_119 = arith.constant 0 : i32
        %dma_start3A_120 = arith.constant 0 : i32
        %dma_start3A_121 = tpu.memref_slice %arg3[%run_scoped3A_56, %dma_start3A_118, %dma_start3A_119, %dma_start3A_120] : memref<2x160x25x80xi32, #tpu.memory_space<hbm>> -> memref<1x160x25x80xi32, #tpu.memory_space<hbm>>
        %dma_start3A_122 = tpu.memref_squeeze %dma_start3A_121 : memref<1x160x25x80xi32, #tpu.memory_space<hbm>> -> memref<160x25x80xi32, #tpu.memory_space<hbm>>
        %dma_start3A_123 = arith.constant 0 : i32
        %dma_start3A_124 = arith.constant 0 : i32
        %dma_start3A_125 = tpu.memref_slice %dma_start3A_122[%add3A_55, %dma_start3A_123, %dma_start3A_124] : memref<160x25x80xi32, #tpu.memory_space<hbm>> -> memref<1x25x80xi32, #tpu.memory_space<hbm>>
        %dma_start3A_126 = tpu.memref_squeeze %dma_start3A_125 : memref<1x25x80xi32, #tpu.memory_space<hbm>> -> memref<25x80xi32, #tpu.memory_space<hbm>>
        %dma_start3A_127 = arith.constant 0 : i32
        %dma_start3A_128 = arith.constant 0 : i32
        %dma_start3A_129 = arith.constant 0 : i32
        %dma_start3A_130 = tpu.memref_slice %arg3[%run_scoped3A_56, %dma_start3A_127, %dma_start3A_128, %dma_start3A_129] : memref<2x160x25x80xi32, #tpu.memory_space<hbm>> -> memref<1x160x25x80xi32, #tpu.memory_space<hbm>>
        %dma_start3A_131 = tpu.memref_squeeze %dma_start3A_130 : memref<1x160x25x80xi32, #tpu.memory_space<hbm>> -> memref<160x25x80xi32, #tpu.memory_space<hbm>>
        %dma_start3A_132 = arith.constant 0 : i32
        %dma_start3A_133 = arith.constant 0 : i32
        %dma_start3A_134 = tpu.memref_slice %dma_start3A_131[%add3A_55, %dma_start3A_132, %dma_start3A_133] : memref<160x25x80xi32, #tpu.memory_space<hbm>> -> memref<1x25x80xi32, #tpu.memory_space<hbm>>
        %dma_start3A_135 = tpu.memref_squeeze %dma_start3A_134 : memref<1x25x80xi32, #tpu.memory_space<hbm>> -> memref<25x80xi32, #tpu.memory_space<hbm>>
        tpu.enqueue_dma source(%dma_start3A_135 : memref<25x80xi32, #tpu.memory_space<hbm>>) target(%arg6 : memref<25x80xi32, #tpu.memory_space<vmem>>) target_semaphore(%run_scoped3A_117 : memref<!tpu.dma_semaphore, #tpu.memory_space<semaphore_mem>>)
        %dma_wait3A_136 = arith.constant 0 : i32
        %dma_wait3A_137 = arith.constant 0 : i32
        %dma_wait3A_138 = arith.constant 0 : i32
        %dma_wait3A_139 = tpu.memref_slice %arg3[%run_scoped3A_56, %dma_wait3A_136, %dma_wait3A_137, %dma_wait3A_138] : memref<2x160x25x80xi32, #tpu.memory_space<hbm>> -> memref<1x160x25x80xi32, #tpu.memory_space<hbm>>
        %dma_wait3A_140 = tpu.memref_squeeze %dma_wait3A_139 : memref<1x160x25x80xi32, #tpu.memory_space<hbm>> -> memref<160x25x80xi32, #tpu.memory_space<hbm>>
        %dma_wait3A_141 = arith.constant 0 : i32
        %dma_wait3A_142 = arith.constant 0 : i32
        %dma_wait3A_143 = tpu.memref_slice %dma_wait3A_140[%add3A_55, %dma_wait3A_141, %dma_wait3A_142] : memref<160x25x80xi32, #tpu.memory_space<hbm>> -> memref<1x25x80xi32, #tpu.memory_space<hbm>>
        %dma_wait3A_144 = tpu.memref_squeeze %dma_wait3A_143 : memref<1x25x80xi32, #tpu.memory_space<hbm>> -> memref<25x80xi32, #tpu.memory_space<hbm>>
        %dma_wait3A_145 = arith.constant 0 : i32
        %dma_wait3A_146 = arith.constant 0 : i32
        %dma_wait3A_147 = arith.constant 0 : i32
        %dma_wait3A_148 = tpu.memref_slice %arg3[%run_scoped3A_56, %dma_wait3A_145, %dma_wait3A_146, %dma_wait3A_147] : memref<2x160x25x80xi32, #tpu.memory_space<hbm>> -> memref<1x160x25x80xi32, #tpu.memory_space<hbm>>
        %dma_wait3A_149 = tpu.memref_squeeze %dma_wait3A_148 : memref<1x160x25x80xi32, #tpu.memory_space<hbm>> -> memref<160x25x80xi32, #tpu.memory_space<hbm>>
        %dma_wait3A_150 = arith.constant 0 : i32
        %dma_wait3A_151 = arith.constant 0 : i32
        %dma_wait3A_152 = tpu.memref_slice %dma_wait3A_149[%add3A_55, %dma_wait3A_150, %dma_wait3A_151] : memref<160x25x80xi32, #tpu.memory_space<hbm>> -> memref<1x25x80xi32, #tpu.memory_space<hbm>>
        %dma_wait3A_153 = tpu.memref_squeeze %dma_wait3A_152 : memref<1x25x80xi32, #tpu.memory_space<hbm>> -> memref<25x80xi32, #tpu.memory_space<hbm>>
        tpu.wait_dma2 semaphore(%run_scoped3A_117 : memref<!tpu.dma_semaphore, #tpu.memory_space<semaphore_mem>>) src(%dma_wait3A_153 : memref<25x80xi32, #tpu.memory_space<hbm>>) dst(%arg6 : memref<25x80xi32, #tpu.memory_space<vmem>>)
        tpu.yield
      }) : () -> ()
      %dma_start3A = arith.constant 0 : i32
      %dma_start3A_57 = arith.constant 0 : i32
      %dma_start3A_58 = tpu.memref_slice %arg5[%dma_start3A, %dma_start3A_57] : memref<25x80xi32, #tpu.memory_space<vmem>> -> memref<1x80xi32, #tpu.memory_space<vmem>>
      %dma_start3A_59 = tpu.memref_squeeze %dma_start3A_58 : memref<1x80xi32, #tpu.memory_space<vmem>> -> memref<80xi32, #tpu.memory_space<vmem>>
      %dma_start3A_60 = arith.constant 0 : i32
      %dma_start3A_61 = arith.constant 0 : i32
      %dma_start3A_62 = tpu.memref_slice %arg2[%dma_start3A_60, %dma_start3A_61] : memref<10000x128xf32, #tpu.memory_space<hbm>> -> memref<10000x128xf32, #tpu.memory_space<hbm>>
      tpu.enqueue_indirect_dma source(%dma_start3A_62 : memref<10000x128xf32, #tpu.memory_space<hbm>>) target(%arg7 : memref<80x128xf32, #tpu.memory_space<vmem>>) offsets(%dma_start3A_59 : memref<80xi32, #tpu.memory_space<vmem>>) semaphore(%arg11 : memref<!tpu.dma_semaphore, #tpu.memory_space<semaphore_mem>>)
      %dma_start3A_63 = arith.constant 1 : i32
      %dma_start3A_64 = arith.constant 0 : i32
      %dma_start3A_65 = tpu.memref_slice %arg5[%dma_start3A_63, %dma_start3A_64] : memref<25x80xi32, #tpu.memory_space<vmem>> -> memref<1x80xi32, #tpu.memory_space<vmem>>
      %dma_start3A_66 = tpu.memref_squeeze %dma_start3A_65 : memref<1x80xi32, #tpu.memory_space<vmem>> -> memref<80xi32, #tpu.memory_space<vmem>>
      %dma_start3A_67 = arith.constant 0 : i32
      %dma_start3A_68 = arith.constant 0 : i32
      %dma_start3A_69 = tpu.memref_slice %arg2[%dma_start3A_67, %dma_start3A_68] : memref<10000x128xf32, #tpu.memory_space<hbm>> -> memref<10000x128xf32, #tpu.memory_space<hbm>>
      tpu.enqueue_indirect_dma source(%dma_start3A_69 : memref<10000x128xf32, #tpu.memory_space<hbm>>) target(%arg8 : memref<80x128xf32, #tpu.memory_space<vmem>>) offsets(%dma_start3A_66 : memref<80xi32, #tpu.memory_space<vmem>>) semaphore(%arg12 : memref<!tpu.dma_semaphore, #tpu.memory_space<semaphore_mem>>)
      %scan3A_70 = arith.constant 0 : i32
      %scan3A_71 = arith.constant 0 : i32
      %scan3A_72 = arith.constant 7 : i32
      %scan3A_73 = arith.addi %scan3A_71, %scan3A_72 : i32
      %scan3A_74 = arith.constant 1 : i32
      scf.for %scan3A_117 = %scan3A_71 to %scan3A_73 step %scan3A_74  : i32 {
        %dma_wait3A_118 = arith.constant 0 : i32
        %dma_wait3A_119 = arith.constant 0 : i32
        %dma_wait3A_120 = tpu.memref_slice %arg2[%dma_wait3A_118, %dma_wait3A_119] : memref<10000x128xf32, #tpu.memory_space<hbm>> -> memref<80x128xf32, #tpu.memory_space<hbm>>
        %dma_wait3A_121 = arith.constant 0 : i32
        %dma_wait3A_122 = arith.constant 0 : i32
        %dma_wait3A_123 = tpu.memref_slice %arg2[%dma_wait3A_121, %dma_wait3A_122] : memref<10000x128xf32, #tpu.memory_space<hbm>> -> memref<80x128xf32, #tpu.memory_space<hbm>>
        tpu.wait_dma2 semaphore(%arg11 : memref<!tpu.dma_semaphore, #tpu.memory_space<semaphore_mem>>) src(%dma_wait3A_123 : memref<80x128xf32, #tpu.memory_space<hbm>>) dst(%arg7 : memref<80x128xf32, #tpu.memory_space<vmem>>)
        %mul3A_124 = arith.constant 3 : i32
        %mul3A_125 = arith.muli %mul3A_124, %scan3A_117 : i32
        %add3A_126 = arith.constant 0 : i32
        %add3A_127 = arith.addi %mul3A_125, %add3A_126 : i32
        %add3A_128 = arith.constant 2 : i32
        %add3A_129 = arith.addi %add3A_127, %add3A_128 : i32
        %dma_start3A_130 = arith.constant 0 : i32
        %dma_start3A_131 = tpu.memref_slice %arg5[%add3A_129, %dma_start3A_130] : memref<25x80xi32, #tpu.memory_space<vmem>> -> memref<1x80xi32, #tpu.memory_space<vmem>>
        %dma_start3A_132 = tpu.memref_squeeze %dma_start3A_131 : memref<1x80xi32, #tpu.memory_space<vmem>> -> memref<80xi32, #tpu.memory_space<vmem>>
        %dma_start3A_133 = arith.constant 0 : i32
        %dma_start3A_134 = arith.constant 0 : i32
        %dma_start3A_135 = tpu.memref_slice %arg2[%dma_start3A_133, %dma_start3A_134] : memref<10000x128xf32, #tpu.memory_space<hbm>> -> memref<10000x128xf32, #tpu.memory_space<hbm>>
        tpu.enqueue_indirect_dma source(%dma_start3A_135 : memref<10000x128xf32, #tpu.memory_space<hbm>>) target(%arg9 : memref<80x128xf32, #tpu.memory_space<vmem>>) offsets(%dma_start3A_132 : memref<80xi32, #tpu.memory_space<vmem>>) semaphore(%arg13 : memref<!tpu.dma_semaphore, #tpu.memory_space<semaphore_mem>>)
        %mul3A_136 = arith.constant 3 : i32
        %mul3A_137 = arith.muli %mul3A_136, %scan3A_117 : i32
        %add3A_138 = arith.constant 0 : i32
        %add3A_139 = arith.addi %mul3A_137, %add3A_138 : i32
        "tpu.region"() ({
          %run_scoped3A_184 = tpu.sem_alloc : memref<!tpu.dma_semaphore, #tpu.memory_space<semaphore_mem>>
          %dma_start3A_185 = arith.constant 0 : i32
          %dma_start3A_186 = tpu.memref_slice %arg6[%add3A_139, %dma_start3A_185] : memref<25x80xi32, #tpu.memory_space<vmem>> -> memref<1x80xi32, #tpu.memory_space<vmem>>
          %dma_start3A_187 = tpu.memref_squeeze %dma_start3A_186 : memref<1x80xi32, #tpu.memory_space<vmem>> -> memref<80xi32, #tpu.memory_space<vmem>>
          %dma_start3A_188 = arith.constant 0 : i32
          %dma_start3A_189 = arith.constant 0 : i32
          %dma_start3A_190 = tpu.memref_slice %arg10[%dma_start3A_188, %dma_start3A_189] : memref<10240x128xf32, #tpu.memory_space<vmem_shared>> -> memref<10240x128xf32, #tpu.memory_space<vmem_shared>>
          tpu.enqueue_indirect_dma source(%arg7 : memref<80x128xf32, #tpu.memory_space<vmem>>) target(%dma_start3A_190 : memref<10240x128xf32, #tpu.memory_space<vmem_shared>>) offsets(%dma_start3A_187 : memref<80xi32, #tpu.memory_space<vmem>>) semaphore(%run_scoped3A_184 : memref<!tpu.dma_semaphore, #tpu.memory_space<semaphore_mem>>) {add = true}
          %dma_wait3A_191 = arith.constant 0 : i32
          %dma_wait3A_192 = tpu.memref_slice %arg6[%add3A_139, %dma_wait3A_191] : memref<25x80xi32, #tpu.memory_space<vmem>> -> memref<1x80xi32, #tpu.memory_space<vmem>>
          %dma_wait3A_193 = tpu.memref_squeeze %dma_wait3A_192 : memref<1x80xi32, #tpu.memory_space<vmem>> -> memref<80xi32, #tpu.memory_space<vmem>>
          %dma_wait3A_194 = arith.constant 0 : i32
          %dma_wait3A_195 = arith.constant 0 : i32
          %dma_wait3A_196 = tpu.memref_slice %arg10[%dma_wait3A_194, %dma_wait3A_195] : memref<10240x128xf32, #tpu.memory_space<vmem_shared>> -> memref<10240x128xf32, #tpu.memory_space<vmem_shared>>
          tpu.wait_indirect_dma semaphore(%run_scoped3A_184 : memref<!tpu.dma_semaphore, #tpu.memory_space<semaphore_mem>>) src(%arg7 : memref<80x128xf32, #tpu.memory_space<vmem>>) dst(%dma_wait3A_196 : memref<10240x128xf32, #tpu.memory_space<vmem_shared>>)
          tpu.yield
        }) : () -> ()
        %dma_wait3A_140 = arith.constant 0 : i32
        %dma_wait3A_141 = arith.constant 0 : i32
        %dma_wait3A_142 = tpu.memref_slice %arg2[%dma_wait3A_140, %dma_wait3A_141] : memref<10000x128xf32, #tpu.memory_space<hbm>> -> memref<80x128xf32, #tpu.memory_space<hbm>>
        %dma_wait3A_143 = arith.constant 0 : i32
        %dma_wait3A_144 = arith.constant 0 : i32
        %dma_wait3A_145 = tpu.memref_slice %arg2[%dma_wait3A_143, %dma_wait3A_144] : memref<10000x128xf32, #tpu.memory_space<hbm>> -> memref<80x128xf32, #tpu.memory_space<hbm>>
        tpu.wait_dma2 semaphore(%arg12 : memref<!tpu.dma_semaphore, #tpu.memory_space<semaphore_mem>>) src(%dma_wait3A_145 : memref<80x128xf32, #tpu.memory_space<hbm>>) dst(%arg8 : memref<80x128xf32, #tpu.memory_space<vmem>>)
        %mul3A_146 = arith.constant 3 : i32
        %mul3A_147 = arith.muli %mul3A_146, %scan3A_117 : i32
        %add3A_148 = arith.constant 1 : i32
        %add3A_149 = arith.addi %mul3A_147, %add3A_148 : i32
        %add3A_150 = arith.constant 2 : i32
        %add3A_151 = arith.addi %add3A_149, %add3A_150 : i32
        %dma_start3A_152 = arith.constant 0 : i32
        %dma_start3A_153 = tpu.memref_slice %arg5[%add3A_151, %dma_start3A_152] : memref<25x80xi32, #tpu.memory_space<vmem>> -> memref<1x80xi32, #tpu.memory_space<vmem>>
        %dma_start3A_154 = tpu.memref_squeeze %dma_start3A_153 : memref<1x80xi32, #tpu.memory_space<vmem>> -> memref<80xi32, #tpu.memory_space<vmem>>
        %dma_start3A_155 = arith.constant 0 : i32
        %dma_start3A_156 = arith.constant 0 : i32
        %dma_start3A_157 = tpu.memref_slice %arg2[%dma_start3A_155, %dma_start3A_156] : memref<10000x128xf32, #tpu.memory_space<hbm>> -> memref<10000x128xf32, #tpu.memory_space<hbm>>
        tpu.enqueue_indirect_dma source(%dma_start3A_157 : memref<10000x128xf32, #tpu.memory_space<hbm>>) target(%arg7 : memref<80x128xf32, #tpu.memory_space<vmem>>) offsets(%dma_start3A_154 : memref<80xi32, #tpu.memory_space<vmem>>) semaphore(%arg11 : memref<!tpu.dma_semaphore, #tpu.memory_space<semaphore_mem>>)
        %mul3A_158 = arith.constant 3 : i32
        %mul3A_159 = arith.muli %mul3A_158, %scan3A_117 : i32
        %add3A_160 = arith.constant 1 : i32
        %add3A_161 = arith.addi %mul3A_159, %add3A_160 : i32
        "tpu.region"() ({
          %run_scoped3A_184 = tpu.sem_alloc : memref<!tpu.dma_semaphore, #tpu.memory_space<semaphore_mem>>
          %dma_start3A_185 = arith.constant 0 : i32
          %dma_start3A_186 = tpu.memref_slice %arg6[%add3A_161, %dma_start3A_185] : memref<25x80xi32, #tpu.memory_space<vmem>> -> memref<1x80xi32, #tpu.memory_space<vmem>>
          %dma_start3A_187 = tpu.memref_squeeze %dma_start3A_186 : memref<1x80xi32, #tpu.memory_space<vmem>> -> memref<80xi32, #tpu.memory_space<vmem>>
          %dma_start3A_188 = arith.constant 0 : i32
          %dma_start3A_189 = arith.constant 0 : i32
          %dma_start3A_190 = tpu.memref_slice %arg10[%dma_start3A_188, %dma_start3A_189] : memref<10240x128xf32, #tpu.memory_space<vmem_shared>> -> memref<10240x128xf32, #tpu.memory_space<vmem_shared>>
          tpu.enqueue_indirect_dma source(%arg8 : memref<80x128xf32, #tpu.memory_space<vmem>>) target(%dma_start3A_190 : memref<10240x128xf32, #tpu.memory_space<vmem_shared>>) offsets(%dma_start3A_187 : memref<80xi32, #tpu.memory_space<vmem>>) semaphore(%run_scoped3A_184 : memref<!tpu.dma_semaphore, #tpu.memory_space<semaphore_mem>>) {add = true}
          %dma_wait3A_191 = arith.constant 0 : i32
          %dma_wait3A_192 = tpu.memref_slice %arg6[%add3A_161, %dma_wait3A_191] : memref<25x80xi32, #tpu.memory_space<vmem>> -> memref<1x80xi32, #tpu.memory_space<vmem>>
          %dma_wait3A_193 = tpu.memref_squeeze %dma_wait3A_192 : memref<1x80xi32, #tpu.memory_space<vmem>> -> memref<80xi32, #tpu.memory_space<vmem>>
          %dma_wait3A_194 = arith.constant 0 : i32
          %dma_wait3A_195 = arith.constant 0 : i32
          %dma_wait3A_196 = tpu.memref_slice %arg10[%dma_wait3A_194, %dma_wait3A_195] : memref<10240x128xf32, #tpu.memory_space<vmem_shared>> -> memref<10240x128xf32, #tpu.memory_space<vmem_shared>>
          tpu.wait_indirect_dma semaphore(%run_scoped3A_184 : memref<!tpu.dma_semaphore, #tpu.memory_space<semaphore_mem>>) src(%arg8 : memref<80x128xf32, #tpu.memory_space<vmem>>) dst(%dma_wait3A_196 : memref<10240x128xf32, #tpu.memory_space<vmem_shared>>)
          tpu.yield
        }) : () -> ()
        %dma_wait3A_162 = arith.constant 0 : i32
        %dma_wait3A_163 = arith.constant 0 : i32
        %dma_wait3A_164 = tpu.memref_slice %arg2[%dma_wait3A_162, %dma_wait3A_163] : memref<10000x128xf32, #tpu.memory_space<hbm>> -> memref<80x128xf32, #tpu.memory_space<hbm>>
        %dma_wait3A_165 = arith.constant 0 : i32
        %dma_wait3A_166 = arith.constant 0 : i32
        %dma_wait3A_167 = tpu.memref_slice %arg2[%dma_wait3A_165, %dma_wait3A_166] : memref<10000x128xf32, #tpu.memory_space<hbm>> -> memref<80x128xf32, #tpu.memory_space<hbm>>
        tpu.wait_dma2 semaphore(%arg13 : memref<!tpu.dma_semaphore, #tpu.memory_space<semaphore_mem>>) src(%dma_wait3A_167 : memref<80x128xf32, #tpu.memory_space<hbm>>) dst(%arg9 : memref<80x128xf32, #tpu.memory_space<vmem>>)
        %mul3A_168 = arith.constant 3 : i32
        %mul3A_169 = arith.muli %mul3A_168, %scan3A_117 : i32
        %add3A_170 = arith.constant 2 : i32
        %add3A_171 = arith.addi %mul3A_169, %add3A_170 : i32
        %add3A_172 = arith.constant 2 : i32
        %add3A_173 = arith.addi %add3A_171, %add3A_172 : i32
        %dma_start3A_174 = arith.constant 0 : i32
        %dma_start3A_175 = tpu.memref_slice %arg5[%add3A_173, %dma_start3A_174] : memref<25x80xi32, #tpu.memory_space<vmem>> -> memref<1x80xi32, #tpu.memory_space<vmem>>
        %dma_start3A_176 = tpu.memref_squeeze %dma_start3A_175 : memref<1x80xi32, #tpu.memory_space<vmem>> -> memref<80xi32, #tpu.memory_space<vmem>>
        %dma_start3A_177 = arith.constant 0 : i32
        %dma_start3A_178 = arith.constant 0 : i32
        %dma_start3A_179 = tpu.memref_slice %arg2[%dma_start3A_177, %dma_start3A_178] : memref<10000x128xf32, #tpu.memory_space<hbm>> -> memref<10000x128xf32, #tpu.memory_space<hbm>>
        tpu.enqueue_indirect_dma source(%dma_start3A_179 : memref<10000x128xf32, #tpu.memory_space<hbm>>) target(%arg8 : memref<80x128xf32, #tpu.memory_space<vmem>>) offsets(%dma_start3A_176 : memref<80xi32, #tpu.memory_space<vmem>>) semaphore(%arg12 : memref<!tpu.dma_semaphore, #tpu.memory_space<semaphore_mem>>)
        %mul3A_180 = arith.constant 3 : i32
        %mul3A_181 = arith.muli %mul3A_180, %scan3A_117 : i32
        %add3A_182 = arith.constant 2 : i32
        %add3A_183 = arith.addi %mul3A_181, %add3A_182 : i32
        "tpu.region"() ({
          %run_scoped3A_184 = tpu.sem_alloc : memref<!tpu.dma_semaphore, #tpu.memory_space<semaphore_mem>>
          %dma_start3A_185 = arith.constant 0 : i32
          %dma_start3A_186 = tpu.memref_slice %arg6[%add3A_183, %dma_start3A_185] : memref<25x80xi32, #tpu.memory_space<vmem>> -> memref<1x80xi32, #tpu.memory_space<vmem>>
          %dma_start3A_187 = tpu.memref_squeeze %dma_start3A_186 : memref<1x80xi32, #tpu.memory_space<vmem>> -> memref<80xi32, #tpu.memory_space<vmem>>
          %dma_start3A_188 = arith.constant 0 : i32
          %dma_start3A_189 = arith.constant 0 : i32
          %dma_start3A_190 = tpu.memref_slice %arg10[%dma_start3A_188, %dma_start3A_189] : memref<10240x128xf32, #tpu.memory_space<vmem_shared>> -> memref<10240x128xf32, #tpu.memory_space<vmem_shared>>
          tpu.enqueue_indirect_dma source(%arg9 : memref<80x128xf32, #tpu.memory_space<vmem>>) target(%dma_start3A_190 : memref<10240x128xf32, #tpu.memory_space<vmem_shared>>) offsets(%dma_start3A_187 : memref<80xi32, #tpu.memory_space<vmem>>) semaphore(%run_scoped3A_184 : memref<!tpu.dma_semaphore, #tpu.memory_space<semaphore_mem>>) {add = true}
          %dma_wait3A_191 = arith.constant 0 : i32
          %dma_wait3A_192 = tpu.memref_slice %arg6[%add3A_183, %dma_wait3A_191] : memref<25x80xi32, #tpu.memory_space<vmem>> -> memref<1x80xi32, #tpu.memory_space<vmem>>
          %dma_wait3A_193 = tpu.memref_squeeze %dma_wait3A_192 : memref<1x80xi32, #tpu.memory_space<vmem>> -> memref<80xi32, #tpu.memory_space<vmem>>
          %dma_wait3A_194 = arith.constant 0 : i32
          %dma_wait3A_195 = arith.constant 0 : i32
          %dma_wait3A_196 = tpu.memref_slice %arg10[%dma_wait3A_194, %dma_wait3A_195] : memref<10240x128xf32, #tpu.memory_space<vmem_shared>> -> memref<10240x128xf32, #tpu.memory_space<vmem_shared>>
          tpu.wait_indirect_dma semaphore(%run_scoped3A_184 : memref<!tpu.dma_semaphore, #tpu.memory_space<semaphore_mem>>) src(%arg9 : memref<80x128xf32, #tpu.memory_space<vmem>>) dst(%dma_wait3A_196 : memref<10240x128xf32, #tpu.memory_space<vmem_shared>>)
          tpu.yield
        }) : () -> ()
      }
      %scan3A_75 = arith.constant 7 : i32
      %dma_wait3A = arith.constant 0 : i32
      %dma_wait3A_76 = arith.constant 0 : i32
      %dma_wait3A_77 = tpu.memref_slice %arg2[%dma_wait3A, %dma_wait3A_76] : memref<10000x128xf32, #tpu.memory_space<hbm>> -> memref<80x128xf32, #tpu.memory_space<hbm>>
      %dma_wait3A_78 = arith.constant 0 : i32
      %dma_wait3A_79 = arith.constant 0 : i32
      %dma_wait3A_80 = tpu.memref_slice %arg2[%dma_wait3A_78, %dma_wait3A_79] : memref<10000x128xf32, #tpu.memory_space<hbm>> -> memref<80x128xf32, #tpu.memory_space<hbm>>
      tpu.wait_dma2 semaphore(%arg11 : memref<!tpu.dma_semaphore, #tpu.memory_space<semaphore_mem>>) src(%dma_wait3A_80 : memref<80x128xf32, #tpu.memory_space<hbm>>) dst(%arg7 : memref<80x128xf32, #tpu.memory_space<vmem>>)
      %dma_start3A_81 = arith.constant 23 : i32
      %dma_start3A_82 = arith.constant 0 : i32
      %dma_start3A_83 = tpu.memref_slice %arg5[%dma_start3A_81, %dma_start3A_82] : memref<25x80xi32, #tpu.memory_space<vmem>> -> memref<1x80xi32, #tpu.memory_space<vmem>>
      %dma_start3A_84 = tpu.memref_squeeze %dma_start3A_83 : memref<1x80xi32, #tpu.memory_space<vmem>> -> memref<80xi32, #tpu.memory_space<vmem>>
      %dma_start3A_85 = arith.constant 0 : i32
      %dma_start3A_86 = arith.constant 0 : i32
      %dma_start3A_87 = tpu.memref_slice %arg2[%dma_start3A_85, %dma_start3A_86] : memref<10000x128xf32, #tpu.memory_space<hbm>> -> memref<10000x128xf32, #tpu.memory_space<hbm>>
      tpu.enqueue_indirect_dma source(%dma_start3A_87 : memref<10000x128xf32, #tpu.memory_space<hbm>>) target(%arg9 : memref<80x128xf32, #tpu.memory_space<vmem>>) offsets(%dma_start3A_84 : memref<80xi32, #tpu.memory_space<vmem>>) semaphore(%arg13 : memref<!tpu.dma_semaphore, #tpu.memory_space<semaphore_mem>>)
      %run_scoped3A_88 = arith.constant 21 : i32
      "tpu.region"() ({
        %run_scoped3A_117 = tpu.sem_alloc : memref<!tpu.dma_semaphore, #tpu.memory_space<semaphore_mem>>
        %dma_start3A_118 = arith.constant 0 : i32
        %dma_start3A_119 = tpu.memref_slice %arg6[%run_scoped3A_88, %dma_start3A_118] : memref<25x80xi32, #tpu.memory_space<vmem>> -> memref<1x80xi32, #tpu.memory_space<vmem>>
        %dma_start3A_120 = tpu.memref_squeeze %dma_start3A_119 : memref<1x80xi32, #tpu.memory_space<vmem>> -> memref<80xi32, #tpu.memory_space<vmem>>
        %dma_start3A_121 = arith.constant 0 : i32
        %dma_start3A_122 = arith.constant 0 : i32
        %dma_start3A_123 = tpu.memref_slice %arg10[%dma_start3A_121, %dma_start3A_122] : memref<10240x128xf32, #tpu.memory_space<vmem_shared>> -> memref<10240x128xf32, #tpu.memory_space<vmem_shared>>
        tpu.enqueue_indirect_dma source(%arg7 : memref<80x128xf32, #tpu.memory_space<vmem>>) target(%dma_start3A_123 : memref<10240x128xf32, #tpu.memory_space<vmem_shared>>) offsets(%dma_start3A_120 : memref<80xi32, #tpu.memory_space<vmem>>) semaphore(%run_scoped3A_117 : memref<!tpu.dma_semaphore, #tpu.memory_space<semaphore_mem>>) {add = true}
        %dma_wait3A_124 = arith.constant 0 : i32
        %dma_wait3A_125 = tpu.memref_slice %arg6[%run_scoped3A_88, %dma_wait3A_124] : memref<25x80xi32, #tpu.memory_space<vmem>> -> memref<1x80xi32, #tpu.memory_space<vmem>>
        %dma_wait3A_126 = tpu.memref_squeeze %dma_wait3A_125 : memref<1x80xi32, #tpu.memory_space<vmem>> -> memref<80xi32, #tpu.memory_space<vmem>>
        %dma_wait3A_127 = arith.constant 0 : i32
        %dma_wait3A_128 = arith.constant 0 : i32
        %dma_wait3A_129 = tpu.memref_slice %arg10[%dma_wait3A_127, %dma_wait3A_128] : memref<10240x128xf32, #tpu.memory_space<vmem_shared>> -> memref<10240x128xf32, #tpu.memory_space<vmem_shared>>
        tpu.wait_indirect_dma semaphore(%run_scoped3A_117 : memref<!tpu.dma_semaphore, #tpu.memory_space<semaphore_mem>>) src(%arg7 : memref<80x128xf32, #tpu.memory_space<vmem>>) dst(%dma_wait3A_129 : memref<10240x128xf32, #tpu.memory_space<vmem_shared>>)
        tpu.yield
      }) : () -> ()
      %dma_wait3A_89 = arith.constant 0 : i32
      %dma_wait3A_90 = arith.constant 0 : i32
      %dma_wait3A_91 = tpu.memref_slice %arg2[%dma_wait3A_89, %dma_wait3A_90] : memref<10000x128xf32, #tpu.memory_space<hbm>> -> memref<80x128xf32, #tpu.memory_space<hbm>>
      %dma_wait3A_92 = arith.constant 0 : i32
      %dma_wait3A_93 = arith.constant 0 : i32
      %dma_wait3A_94 = tpu.memref_slice %arg2[%dma_wait3A_92, %dma_wait3A_93] : memref<10000x128xf32, #tpu.memory_space<hbm>> -> memref<80x128xf32, #tpu.memory_space<hbm>>
      tpu.wait_dma2 semaphore(%arg12 : memref<!tpu.dma_semaphore, #tpu.memory_space<semaphore_mem>>) src(%dma_wait3A_94 : memref<80x128xf32, #tpu.memory_space<hbm>>) dst(%arg8 : memref<80x128xf32, #tpu.memory_space<vmem>>)
      %dma_start3A_95 = arith.constant 24 : i32
      %dma_start3A_96 = arith.constant 0 : i32
      %dma_start3A_97 = tpu.memref_slice %arg5[%dma_start3A_95, %dma_start3A_96] : memref<25x80xi32, #tpu.memory_space<vmem>> -> memref<1x80xi32, #tpu.memory_space<vmem>>
      %dma_start3A_98 = tpu.memref_squeeze %dma_start3A_97 : memref<1x80xi32, #tpu.memory_space<vmem>> -> memref<80xi32, #tpu.memory_space<vmem>>
      %dma_start3A_99 = arith.constant 0 : i32
      %dma_start3A_100 = arith.constant 0 : i32
      %dma_start3A_101 = tpu.memref_slice %arg2[%dma_start3A_99, %dma_start3A_100] : memref<10000x128xf32, #tpu.memory_space<hbm>> -> memref<10000x128xf32, #tpu.memory_space<hbm>>
      tpu.enqueue_indirect_dma source(%dma_start3A_101 : memref<10000x128xf32, #tpu.memory_space<hbm>>) target(%arg7 : memref<80x128xf32, #tpu.memory_space<vmem>>) offsets(%dma_start3A_98 : memref<80xi32, #tpu.memory_space<vmem>>) semaphore(%arg11 : memref<!tpu.dma_semaphore, #tpu.memory_space<semaphore_mem>>)
      %run_scoped3A_102 = arith.constant 22 : i32
      "tpu.region"() ({
        %run_scoped3A_117 = tpu.sem_alloc : memref<!tpu.dma_semaphore, #tpu.memory_space<semaphore_mem>>
        %dma_start3A_118 = arith.constant 0 : i32
        %dma_start3A_119 = tpu.memref_slice %arg6[%run_scoped3A_102, %dma_start3A_118] : memref<25x80xi32, #tpu.memory_space<vmem>> -> memref<1x80xi32, #tpu.memory_space<vmem>>
        %dma_start3A_120 = tpu.memref_squeeze %dma_start3A_119 : memref<1x80xi32, #tpu.memory_space<vmem>> -> memref<80xi32, #tpu.memory_space<vmem>>
        %dma_start3A_121 = arith.constant 0 : i32
        %dma_start3A_122 = arith.constant 0 : i32
        %dma_start3A_123 = tpu.memref_slice %arg10[%dma_start3A_121, %dma_start3A_122] : memref<10240x128xf32, #tpu.memory_space<vmem_shared>> -> memref<10240x128xf32, #tpu.memory_space<vmem_shared>>
        tpu.enqueue_indirect_dma source(%arg8 : memref<80x128xf32, #tpu.memory_space<vmem>>) target(%dma_start3A_123 : memref<10240x128xf32, #tpu.memory_space<vmem_shared>>) offsets(%dma_start3A_120 : memref<80xi32, #tpu.memory_space<vmem>>) semaphore(%run_scoped3A_117 : memref<!tpu.dma_semaphore, #tpu.memory_space<semaphore_mem>>) {add = true}
        %dma_wait3A_124 = arith.constant 0 : i32
        %dma_wait3A_125 = tpu.memref_slice %arg6[%run_scoped3A_102, %dma_wait3A_124] : memref<25x80xi32, #tpu.memory_space<vmem>> -> memref<1x80xi32, #tpu.memory_space<vmem>>
        %dma_wait3A_126 = tpu.memref_squeeze %dma_wait3A_125 : memref<1x80xi32, #tpu.memory_space<vmem>> -> memref<80xi32, #tpu.memory_space<vmem>>
        %dma_wait3A_127 = arith.constant 0 : i32
        %dma_wait3A_128 = arith.constant 0 : i32
        %dma_wait3A_129 = tpu.memref_slice %arg10[%dma_wait3A_127, %dma_wait3A_128] : memref<10240x128xf32, #tpu.memory_space<vmem_shared>> -> memref<10240x128xf32, #tpu.memory_space<vmem_shared>>
        tpu.wait_indirect_dma semaphore(%run_scoped3A_117 : memref<!tpu.dma_semaphore, #tpu.memory_space<semaphore_mem>>) src(%arg8 : memref<80x128xf32, #tpu.memory_space<vmem>>) dst(%dma_wait3A_129 : memref<10240x128xf32, #tpu.memory_space<vmem_shared>>)
        tpu.yield
      }) : () -> ()
      %dma_wait3A_103 = arith.constant 0 : i32
      %dma_wait3A_104 = arith.constant 0 : i32
      %dma_wait3A_105 = tpu.memref_slice %arg2[%dma_wait3A_103, %dma_wait3A_104] : memref<10000x128xf32, #tpu.memory_space<hbm>> -> memref<80x128xf32, #tpu.memory_space<hbm>>
      %dma_wait3A_106 = arith.constant 0 : i32
      %dma_wait3A_107 = arith.constant 0 : i32
      %dma_wait3A_108 = tpu.memref_slice %arg2[%dma_wait3A_106, %dma_wait3A_107] : memref<10000x128xf32, #tpu.memory_space<hbm>> -> memref<80x128xf32, #tpu.memory_space<hbm>>
      tpu.wait_dma2 semaphore(%arg13 : memref<!tpu.dma_semaphore, #tpu.memory_space<semaphore_mem>>) src(%dma_wait3A_108 : memref<80x128xf32, #tpu.memory_space<hbm>>) dst(%arg9 : memref<80x128xf32, #tpu.memory_space<vmem>>)
      %run_scoped3A_109 = arith.constant 23 : i32
      "tpu.region"() ({
        %run_scoped3A_117 = tpu.sem_alloc : memref<!tpu.dma_semaphore, #tpu.memory_space<semaphore_mem>>
        %dma_start3A_118 = arith.constant 0 : i32
        %dma_start3A_119 = tpu.memref_slice %arg6[%run_scoped3A_109, %dma_start3A_118] : memref<25x80xi32, #tpu.memory_space<vmem>> -> memref<1x80xi32, #tpu.memory_space<vmem>>
        %dma_start3A_120 = tpu.memref_squeeze %dma_start3A_119 : memref<1x80xi32, #tpu.memory_space<vmem>> -> memref<80xi32, #tpu.memory_space<vmem>>
        %dma_start3A_121 = arith.constant 0 : i32
        %dma_start3A_122 = arith.constant 0 : i32
        %dma_start3A_123 = tpu.memref_slice %arg10[%dma_start3A_121, %dma_start3A_122] : memref<10240x128xf32, #tpu.memory_space<vmem_shared>> -> memref<10240x128xf32, #tpu.memory_space<vmem_shared>>
        tpu.enqueue_indirect_dma source(%arg9 : memref<80x128xf32, #tpu.memory_space<vmem>>) target(%dma_start3A_123 : memref<10240x128xf32, #tpu.memory_space<vmem_shared>>) offsets(%dma_start3A_120 : memref<80xi32, #tpu.memory_space<vmem>>) semaphore(%run_scoped3A_117 : memref<!tpu.dma_semaphore, #tpu.memory_space<semaphore_mem>>) {add = true}
        %dma_wait3A_124 = arith.constant 0 : i32
        %dma_wait3A_125 = tpu.memref_slice %arg6[%run_scoped3A_109, %dma_wait3A_124] : memref<25x80xi32, #tpu.memory_space<vmem>> -> memref<1x80xi32, #tpu.memory_space<vmem>>
        %dma_wait3A_126 = tpu.memref_squeeze %dma_wait3A_125 : memref<1x80xi32, #tpu.memory_space<vmem>> -> memref<80xi32, #tpu.memory_space<vmem>>
        %dma_wait3A_127 = arith.constant 0 : i32
        %dma_wait3A_128 = arith.constant 0 : i32
        %dma_wait3A_129 = tpu.memref_slice %arg10[%dma_wait3A_127, %dma_wait3A_128] : memref<10240x128xf32, #tpu.memory_space<vmem_shared>> -> memref<10240x128xf32, #tpu.memory_space<vmem_shared>>
        tpu.wait_indirect_dma semaphore(%run_scoped3A_117 : memref<!tpu.dma_semaphore, #tpu.memory_space<semaphore_mem>>) src(%arg9 : memref<80x128xf32, #tpu.memory_space<vmem>>) dst(%dma_wait3A_129 : memref<10240x128xf32, #tpu.memory_space<vmem_shared>>)
        tpu.yield
      }) : () -> ()
      %dma_wait3A_110 = arith.constant 0 : i32
      %dma_wait3A_111 = arith.constant 0 : i32
      %dma_wait3A_112 = tpu.memref_slice %arg2[%dma_wait3A_110, %dma_wait3A_111] : memref<10000x128xf32, #tpu.memory_space<hbm>> -> memref<80x128xf32, #tpu.memory_space<hbm>>
      %dma_wait3A_113 = arith.constant 0 : i32
      %dma_wait3A_114 = arith.constant 0 : i32
      %dma_wait3A_115 = tpu.memref_slice %arg2[%dma_wait3A_113, %dma_wait3A_114] : memref<10000x128xf32, #tpu.memory_space<hbm>> -> memref<80x128xf32, #tpu.memory_space<hbm>>
      tpu.wait_dma2 semaphore(%arg11 : memref<!tpu.dma_semaphore, #tpu.memory_space<semaphore_mem>>) src(%dma_wait3A_115 : memref<80x128xf32, #tpu.memory_space<hbm>>) dst(%arg7 : memref<80x128xf32, #tpu.memory_space<vmem>>)
      %run_scoped3A_116 = arith.constant 24 : i32
      "tpu.region"() ({
        %run_scoped3A_117 = tpu.sem_alloc : memref<!tpu.dma_semaphore, #tpu.memory_space<semaphore_mem>>
        %dma_start3A_118 = arith.constant 0 : i32
        %dma_start3A_119 = tpu.memref_slice %arg6[%run_scoped3A_116, %dma_start3A_118] : memref<25x80xi32, #tpu.memory_space<vmem>> -> memref<1x80xi32, #tpu.memory_space<vmem>>
        %dma_start3A_120 = tpu.memref_squeeze %dma_start3A_119 : memref<1x80xi32, #tpu.memory_space<vmem>> -> memref<80xi32, #tpu.memory_space<vmem>>
        %dma_start3A_121 = arith.constant 0 : i32
        %dma_start3A_122 = arith.constant 0 : i32
        %dma_start3A_123 = tpu.memref_slice %arg10[%dma_start3A_121, %dma_start3A_122] : memref<10240x128xf32, #tpu.memory_space<vmem_shared>> -> memref<10240x128xf32, #tpu.memory_space<vmem_shared>>
        tpu.enqueue_indirect_dma source(%arg7 : memref<80x128xf32, #tpu.memory_space<vmem>>) target(%dma_start3A_123 : memref<10240x128xf32, #tpu.memory_space<vmem_shared>>) offsets(%dma_start3A_120 : memref<80xi32, #tpu.memory_space<vmem>>) semaphore(%run_scoped3A_117 : memref<!tpu.dma_semaphore, #tpu.memory_space<semaphore_mem>>) {add = true}
        %dma_wait3A_124 = arith.constant 0 : i32
        %dma_wait3A_125 = tpu.memref_slice %arg6[%run_scoped3A_116, %dma_wait3A_124] : memref<25x80xi32, #tpu.memory_space<vmem>> -> memref<1x80xi32, #tpu.memory_space<vmem>>
        %dma_wait3A_126 = tpu.memref_squeeze %dma_wait3A_125 : memref<1x80xi32, #tpu.memory_space<vmem>> -> memref<80xi32, #tpu.memory_space<vmem>>
        %dma_wait3A_127 = arith.constant 0 : i32
        %dma_wait3A_128 = arith.constant 0 : i32
        %dma_wait3A_129 = tpu.memref_slice %arg10[%dma_wait3A_127, %dma_wait3A_128] : memref<10240x128xf32, #tpu.memory_space<vmem_shared>> -> memref<10240x128xf32, #tpu.memory_space<vmem_shared>>
        tpu.wait_indirect_dma semaphore(%run_scoped3A_117 : memref<!tpu.dma_semaphore, #tpu.memory_space<semaphore_mem>>) src(%arg7 : memref<80x128xf32, #tpu.memory_space<vmem>>) dst(%dma_wait3A_129 : memref<10240x128xf32, #tpu.memory_space<vmem_shared>>)
        tpu.yield
      }) : () -> ()
    }
    %scan3A_43 = arith.constant 5 : i32
    %barrier3A_44 = arith.constant 0 : index
    tpu.barrier barrier_id(%barrier3A_44)
    %mul3A_45 = arith.constant 640 : i32
    %mul3A_46 = arith.muli %arg1, %mul3A_45 : i32
    %mul3A_47 = arith.constant 640 : i32
    %mul3A_48 = arith.muli %arg1, %mul3A_47 : i32
    "tpu.region"() ({
      %run_scoped3A = tpu.sem_alloc : memref<!tpu.dma_semaphore, #tpu.memory_space<semaphore_mem>>
      %dma_start3A = arith.constant 0 : i32
      %dma_start3A_49 = arith.constant 0 : i32
      %dma_start3A_50 = tpu.memref_slice %arg4[%arg0, %dma_start3A, %dma_start3A_49] : memref<2x10240x128xf32, #tpu.memory_space<hbm>> -> memref<1x10240x128xf32, #tpu.memory_space<hbm>>
      %dma_start3A_51 = tpu.memref_squeeze %dma_start3A_50 : memref<1x10240x128xf32, #tpu.memory_space<hbm>> -> memref<10240x128xf32, #tpu.memory_space<hbm>>
      %dma_start3A_52 = arith.constant 0 : i32
      %dma_start3A_53 = tpu.memref_slice %dma_start3A_51[%mul3A_48, %dma_start3A_52] : memref<10240x128xf32, #tpu.memory_space<hbm>> -> memref<640x128xf32, #tpu.memory_space<hbm>>
      %dma_start3A_54 = arith.constant 0 : i32
      %dma_start3A_55 = tpu.memref_slice %arg10[%mul3A_46, %dma_start3A_54] : memref<10240x128xf32, #tpu.memory_space<vmem_shared>> -> memref<640x128xf32, #tpu.memory_space<vmem_shared>>
      tpu.enqueue_dma source(%dma_start3A_55 : memref<640x128xf32, #tpu.memory_space<vmem_shared>>) target(%dma_start3A_53 : memref<640x128xf32, #tpu.memory_space<hbm>>) target_semaphore(%run_scoped3A : memref<!tpu.dma_semaphore, #tpu.memory_space<semaphore_mem>>)
      %dma_wait3A = arith.constant 0 : i32
      %dma_wait3A_56 = arith.constant 0 : i32
      %dma_wait3A_57 = tpu.memref_slice %arg4[%arg0, %dma_wait3A, %dma_wait3A_56] : memref<2x10240x128xf32, #tpu.memory_space<hbm>> -> memref<1x10240x128xf32, #tpu.memory_space<hbm>>
      %dma_wait3A_58 = tpu.memref_squeeze %dma_wait3A_57 : memref<1x10240x128xf32, #tpu.memory_space<hbm>> -> memref<10240x128xf32, #tpu.memory_space<hbm>>
      %dma_wait3A_59 = arith.constant 0 : i32
      %dma_wait3A_60 = tpu.memref_slice %dma_wait3A_58[%mul3A_48, %dma_wait3A_59] : memref<10240x128xf32, #tpu.memory_space<hbm>> -> memref<640x128xf32, #tpu.memory_space<hbm>>
      %dma_wait3A_61 = arith.constant 0 : i32
      %dma_wait3A_62 = tpu.memref_slice %arg10[%mul3A_46, %dma_wait3A_61] : memref<10240x128xf32, #tpu.memory_space<vmem_shared>> -> memref<640x128xf32, #tpu.memory_space<vmem_shared>>
      tpu.wait_dma2 semaphore(%run_scoped3A : memref<!tpu.dma_semaphore, #tpu.memory_space<semaphore_mem>>) src(%dma_wait3A_62 : memref<640x128xf32, #tpu.memory_space<vmem_shared>>) dst(%dma_wait3A_60 : memref<640x128xf32, #tpu.memory_space<hbm>>)
      tpu.yield
    }) : () -> ()
    return
  }
}

module attributes {stable_mosaic.version = 14 : i64} {
  func.func @_pool_body(%arg0: i32, %arg1: memref<1x2000x128xf32, #tpu.memory_space<vmem>>, %arg2: memref<1x2000x128xf32, #tpu.memory_space<vmem>>, %arg3: memref<1x1x2000xi32, #tpu.memory_space<vmem>>, %arg4: memref<128x128xf32, #tpu.memory_space<vmem>>, %arg5: memref<1x128xf32, #tpu.memory_space<vmem>>, %arg6: memref<64x128xf32, #tpu.memory_space<vmem>>, %arg7: memref<64x128xf32, #tpu.memory_space<vmem>>, %arg8: memref<64x1xf32, #tpu.memory_space<vmem>>) attributes {dimension_semantics = [#tpu.dimension_semantics<arbitrary>], iteration_bounds = array<i64: 5>, scalar_prefetch = 0 : i64, scratch_operands = 2 : i64, tpu.core_type = #tpu.core_type<tc>, window_params = [{transform_indices = @transform_0, window_bounds = array<i64: 1, 2000, 128>}, {transform_indices = @transform_1, window_bounds = array<i64: 1, 2000, 128>}, {transform_indices = @transform_2, window_bounds = array<i64: 1, 1, 2000>}, {pipeline_mode = #tpu.pipeline_mode<synchronous>, transform_indices = @transform_3, window_bounds = array<i64: 128, 128>}, {pipeline_mode = #tpu.pipeline_mode<synchronous>, transform_indices = @transform_4, window_bounds = array<i64: 1, 128>}, {pipeline_mode = #tpu.pipeline_mode<synchronous>, transform_indices = @transform_5, window_bounds = array<i64: 64, 128>}]} {
    %eq3A = arith.constant 0 : i32
    %eq3A_0 = arith.cmpi eq, %arg0, %eq3A : i32
    %convert_element_type3A = arith.extui %eq3A_0 : i1 to i32
    %cond3A = arith.constant 0 : i32
    %cond3A_1 = arith.cmpi ne, %convert_element_type3A, %cond3A : i32
    scf.if %cond3A_1 {
      %broadcast_in_dim3A_52 = arith.constant 0.000000e+00 : f32
      %broadcast_in_dim3A_53 = vector.broadcast %broadcast_in_dim3A_52 : f32 to vector<64x128xf32>
      %swap3A_54 = arith.constant 0 : index
      %swap3A_55 = arith.constant 0 : index
      %swap3A_56 = vector.load %arg7[%swap3A_54, %swap3A_55] : memref<64x128xf32, #tpu.memory_space<vmem>>, vector<64x128xf32>
      tpu.vector_store %arg7[%swap3A_54, %swap3A_55], %broadcast_in_dim3A_53 {strides = array<i32>} : memref<64x128xf32, #tpu.memory_space<vmem>>, vector<64x128xf32>,
      %broadcast_in_dim3A_57 = arith.constant 0.000000e+00 : f32
      %broadcast_in_dim3A_58 = vector.broadcast %broadcast_in_dim3A_57 : f32 to vector<64x1xf32>
      %swap3A_59 = arith.constant 0 : index
      %swap3A_60 = arith.constant 0 : index
      %swap3A_61 = vector.load %arg8[%swap3A_59, %swap3A_60] : memref<64x1xf32, #tpu.memory_space<vmem>>, vector<64x1xf32>
      tpu.vector_store %arg8[%swap3A_59, %swap3A_60], %broadcast_in_dim3A_58 {strides = array<i32>} : memref<64x1xf32, #tpu.memory_space<vmem>>, vector<64x1xf32>,
    } else {
    }
    %get3A = arith.constant 0 : index
    %get3A_2 = arith.constant 0 : index
    %get3A_3 = arith.constant 0 : index
    %get3A_4 = vector.load %arg1[%get3A, %get3A_2, %get3A_3] : memref<1x2000x128xf32, #tpu.memory_space<vmem>>, vector<1x2000x128xf32>
    %get3A_5 = vector.shape_cast %get3A_4 : vector<1x2000x128xf32> to vector<2000x128xf32>
    %get3A_6 = arith.constant 0 : index
    %get3A_7 = arith.constant 0 : index
    %get3A_8 = arith.constant 0 : index
    %get3A_9 = vector.load %arg2[%get3A_6, %get3A_7, %get3A_8] : memref<1x2000x128xf32, #tpu.memory_space<vmem>>, vector<1x2000x128xf32>
    %get3A_10 = vector.shape_cast %get3A_9 : vector<1x2000x128xf32> to vector<2000x128xf32>
    %add3A = arith.addf %get3A_5, %get3A_10 : vector<2000x128xf32>
    %slice3A = vector.extract_strided_slice %add3A {offsets = [0, 0], sizes = [2000, 1], strides = [1, 1]} : vector<2000x128xf32> to vector<2000x1xf32>
    %max3A = arith.constant 1.000000e+00 : f32
    %max3A_11 = vector.broadcast %max3A : f32 to vector<2000x1xf32>
    %max3A_12 = arith.maximumf %slice3A, %max3A_11 : vector<2000x1xf32>
    %iota3A = tpu.iota {dimensions = array<i32: 1>} : vector<2000x128xi32>
    %eq3A_13 = arith.constant 0 : i32
    %eq3A_14 = vector.broadcast %eq3A_13 : i32 to vector<2000x128xi32>
    %eq3A_15 = arith.cmpi eq, %iota3A, %eq3A_14 : vector<2000x128xi32>
    %div3A = vector.broadcast %max3A_12 : vector<2000x1xf32> to vector<2000x128xf32>
    %div3A_16 = arith.divf %add3A, %div3A : vector<2000x128xf32>
    %max3A_17 = arith.constant 0.000000e+00 : f32
    %max3A_18 = vector.broadcast %max3A_17 : f32 to vector<2000x128xf32>
    %max3A_19 = arith.maximumf %div3A_16, %max3A_18 : vector<2000x128xf32>
    %jit3A = arith.constant 0.000000e+00 : f32
    %broadcast_in_dim3A = vector.broadcast %jit3A : f32 to vector<2000x128xf32>
    %select_n3A = arith.select %eq3A_15, %broadcast_in_dim3A, %max3A_19 : vector<2000x128xi1>, vector<2000x128xf32>
    %get3A_20 = arith.constant 0 : index
    %get3A_21 = arith.constant 0 : index
    %get3A_22 = arith.constant 0 : index
    %get3A_23 = vector.load %arg3[%get3A_20, %get3A_21, %get3A_22] : memref<1x1x2000xi32, #tpu.memory_space<vmem>>, vector<1x1x2000xi32>
    %get3A_24 = vector.shape_cast %get3A_23 : vector<1x1x2000xi32> to vector<2000xi32>
    %iota3A_25 = tpu.iota {dimensions = array<i32: 0>} : vector<64x2000xi32>
    %broadcast_in_dim3A_26 = vector.shape_cast %get3A_24 : vector<2000xi32> to vector<1x2000xi32>
    %eq3A_27 = vector.broadcast %broadcast_in_dim3A_26 : vector<1x2000xi32> to vector<64x2000xi32>
    %eq3A_28 = arith.cmpi eq, %iota3A_25, %eq3A_27 : vector<64x2000xi32>
    %convert_element_type3A_29 = arith.extui %eq3A_28 : vector<64x2000xi1> to vector<64x2000xi32>
    %convert_element_type3A_30 = arith.sitofp %convert_element_type3A_29 : vector<64x2000xi32> to vector<64x2000xf32>
    %get3A_31 = arith.constant 0 : index
    %get3A_32 = arith.constant 0 : index
    %get3A_33 = vector.load %arg7[%get3A_31, %get3A_32] : memref<64x128xf32, #tpu.memory_space<vmem>>, vector<64x128xf32>
    %dot_general3A = arith.constant dense<0.000000e+00> : vector<64x128xf32>
    %dot_general3A_34 = tpu.matmul %convert_element_type3A_30, %select_n3A, %dot_general3A {dimension_numbers = #tpu.dot_dimension_numbers<[1], [0], [0], [1], [0, 0, 1, 1], [], []>, transpose_lhs_hint = false} : vector<64x2000xf32>, vector<2000x128xf32>, vector<64x128xf32> -> vector<64x128xf32>
    %add3A_35 = arith.addf %get3A_33, %dot_general3A_34 : vector<64x128xf32>
    %swap3A = arith.constant 0 : index
    %swap3A_36 = arith.constant 0 : index
    %swap3A_37 = vector.load %arg7[%swap3A, %swap3A_36] : memref<64x128xf32, #tpu.memory_space<vmem>>, vector<64x128xf32>
    tpu.vector_store %arg7[%swap3A, %swap3A_36], %add3A_35 {strides = array<i32>} : memref<64x128xf32, #tpu.memory_space<vmem>>, vector<64x128xf32>,
    %get3A_38 = arith.constant 0 : index
    %get3A_39 = arith.constant 0 : index
    %get3A_40 = vector.load %arg8[%get3A_38, %get3A_39] : memref<64x1xf32, #tpu.memory_space<vmem>>, vector<64x1xf32>
    %reduce_sum3A = arith.constant dense<0.000000e+00> : vector<64xf32>
    %reduce_sum3A_41 = vector.multi_reduction <add>, %convert_element_type3A_30, %reduce_sum3A [1] : vector<64x2000xf32> to vector<64xf32>
    %broadcast_in_dim3A_42 = vector.shape_cast %reduce_sum3A_41 : vector<64xf32> to vector<64x1xf32>
    %add3A_43 = arith.addf %get3A_40, %broadcast_in_dim3A_42 : vector<64x1xf32>
    %swap3A_44 = arith.constant 0 : index
    %swap3A_45 = arith.constant 0 : index
    %swap3A_46 = vector.load %arg8[%swap3A_44, %swap3A_45] : memref<64x1xf32, #tpu.memory_space<vmem>>, vector<64x1xf32>
    tpu.vector_store %arg8[%swap3A_44, %swap3A_45], %add3A_43 {strides = array<i32>} : memref<64x1xf32, #tpu.memory_space<vmem>>, vector<64x1xf32>,
    %eq3A_47 = arith.constant 4 : i32
    %eq3A_48 = arith.cmpi eq, %arg0, %eq3A_47 : i32
    %convert_element_type3A_49 = arith.extui %eq3A_48 : i1 to i32
    %cond3A_50 = arith.constant 0 : i32
    %cond3A_51 = arith.cmpi ne, %convert_element_type3A_49, %cond3A_50 : i32
    scf.if %cond3A_51 {
      %get3A_52 = arith.constant 0 : index
      %get3A_53 = arith.constant 0 : index
      %get3A_54 = vector.load %arg7[%get3A_52, %get3A_53] : memref<64x128xf32, #tpu.memory_space<vmem>>, vector<64x128xf32>
      %get3A_55 = arith.constant 0 : index
      %get3A_56 = arith.constant 0 : index
      %get3A_57 = vector.load %arg8[%get3A_55, %get3A_56] : memref<64x1xf32, #tpu.memory_space<vmem>>, vector<64x1xf32>
      %max3A_58 = arith.constant 1.000000e+00 : f32
      %max3A_59 = vector.broadcast %max3A_58 : f32 to vector<64x1xf32>
      %max3A_60 = arith.maximumf %get3A_57, %max3A_59 : vector<64x1xf32>
      %div3A_61 = vector.broadcast %max3A_60 : vector<64x1xf32> to vector<64x128xf32>
      %div3A_62 = arith.divf %get3A_54, %div3A_61 : vector<64x128xf32>
      %get3A_63 = arith.constant 0 : index
      %get3A_64 = arith.constant 0 : index
      %get3A_65 = vector.load %arg4[%get3A_63, %get3A_64] : memref<128x128xf32, #tpu.memory_space<vmem>>, vector<128x128xf32>
      %dot_general3A_66 = arith.constant dense<0.000000e+00> : vector<64x128xf32>
      %dot_general3A_67 = tpu.matmul %div3A_62, %get3A_65, %dot_general3A_66 {dimension_numbers = #tpu.dot_dimension_numbers<[1], [1], [0], [0], [0, 0, 1, 0], [], []>, precision = #tpu.contract_precision<fp32>, transpose_lhs_hint = false} : vector<64x128xf32>, vector<128x128xf32>, vector<64x128xf32> -> vector<64x128xf32>
      %get3A_68 = arith.constant 0 : index
      %get3A_69 = arith.constant 0 : index
      %get3A_70 = vector.load %arg5[%get3A_68, %get3A_69] : memref<1x128xf32, #tpu.memory_space<vmem>>, vector<1x128xf32>
      %add3A_71 = vector.broadcast %get3A_70 : vector<1x128xf32> to vector<64x128xf32>
      %add3A_72 = arith.addf %dot_general3A_67, %add3A_71 : vector<64x128xf32>
      %swap3A_73 = arith.constant 0 : index
      %swap3A_74 = arith.constant 0 : index
      %swap3A_75 = vector.load %arg6[%swap3A_73, %swap3A_74] : memref<64x128xf32, #tpu.memory_space<vmem>>, vector<64x128xf32>
      tpu.vector_store %arg6[%swap3A_73, %swap3A_74], %add3A_72 {strides = array<i32>} : memref<64x128xf32, #tpu.memory_space<vmem>>, vector<64x128xf32>,
    } else {
    }
    return
  }
  func.func @transform_0(%arg0: i32) -> (i32, i32, i32) {
    %c0_i32 = arith.constant 0 : i32
    %c0_i32_0 = arith.constant 0 : i32
    %c0_i32_1 = arith.constant 0 : i32
    return %c0_i32, %arg0, %c0_i32_0 : i32, i32, i32
  }
  func.func @transform_1(%arg0: i32) -> (i32, i32, i32) {
    %c1_i32 = arith.constant 1 : i32
    %c0_i32 = arith.constant 0 : i32
    %c0_i32_0 = arith.constant 0 : i32
    return %c1_i32, %arg0, %c0_i32 : i32, i32, i32
  }
  func.func @transform_2(%arg0: i32) -> (i32, i32, i32) {
    %c0_i32 = arith.constant 0 : i32
    %c0_i32_0 = arith.constant 0 : i32
    %c0_i32_1 = arith.constant 0 : i32
    return %arg0, %c0_i32, %c0_i32_0 : i32, i32, i32
  }
  func.func @transform_3(%arg0: i32) -> (i32, i32) {
    %c0_i32 = arith.constant 0 : i32
    %c0_i32_0 = arith.constant 0 : i32
    %c0_i32_1 = arith.constant 0 : i32
    return %c0_i32, %c0_i32_0 : i32, i32
  }
  func.func @transform_4(%arg0: i32) -> (i32, i32) {
    %c0_i32 = arith.constant 0 : i32
    %c0_i32_0 = arith.constant 0 : i32
    %c0_i32_1 = arith.constant 0 : i32
    return %c0_i32, %c0_i32_0 : i32, i32
  }
  func.func @transform_5(%arg0: i32) -> (i32, i32) {
    %c0_i32 = arith.constant 0 : i32
    %c0_i32_0 = arith.constant 0 : i32
    %c0_i32_1 = arith.constant 0 : i32
    return %c0_i32, %c0_i32_0 : i32, i32
  }
}

module attributes {stable_mosaic.version = 14 : i64} {
  func.func @_pre_body(%arg0: i32, %arg1: memref<2000x128xf32, #tpu.memory_space<vmem>>, %arg2: memref<128x128xf32, #tpu.memory_space<vmem>>, %arg3: memref<2000x128xf32, #tpu.memory_space<vmem>>) attributes {dimension_semantics = [#tpu.dimension_semantics<arbitrary>], iteration_bounds = array<i64: 5>, scalar_prefetch = 0 : i64, scratch_operands = 0 : i64, tpu.core_type = #tpu.core_type<tc>, window_params = [{transform_indices = @transform_0, window_bounds = array<i64: 2000, 128>}, {pipeline_mode = #tpu.pipeline_mode<synchronous>, transform_indices = @transform_1, window_bounds = array<i64: 128, 128>}, {transform_indices = @transform_2, window_bounds = array<i64: 2000, 128>}]} {
    %get3A = arith.constant 0 : index
    %get3A_0 = arith.constant 0 : index
    %get3A_1 = vector.load %arg1[%get3A, %get3A_0] : memref<2000x128xf32, #tpu.memory_space<vmem>>, vector<2000x128xf32>
    %slice3A = vector.extract_strided_slice %get3A_1 {offsets = [0, 0], sizes = [2000, 1], strides = [1, 1]} : vector<2000x128xf32> to vector<2000x1xf32>
    %mul3A = arith.mulf %get3A_1, %get3A_1 : vector<2000x128xf32>
    %reduce_sum3A = arith.constant dense<0.000000e+00> : vector<2000xf32>
    %reduce_sum3A_2 = vector.multi_reduction <add>, %mul3A, %reduce_sum3A [1] : vector<2000x128xf32> to vector<2000xf32>
    %broadcast_in_dim3A = vector.shape_cast %reduce_sum3A_2 : vector<2000xf32> to vector<2000x1xf32>
    %mul3A_3 = arith.mulf %slice3A, %slice3A : vector<2000x1xf32>
    %sub3A = arith.subf %broadcast_in_dim3A, %mul3A_3 : vector<2000x1xf32>
    %max3A = arith.constant 0.000000e+00 : f32
    %max3A_4 = vector.broadcast %max3A : f32 to vector<2000x1xf32>
    %max3A_5 = arith.maximumf %sub3A, %max3A_4 : vector<2000x1xf32>
    %sqrt3A = math.sqrt %max3A_5 : vector<2000x1xf32>
    %max3A_6 = arith.constant 1.000000e-15 : f32
    %max3A_7 = vector.broadcast %max3A_6 : f32 to vector<2000x1xf32>
    %max3A_8 = arith.maximumf %sqrt3A, %max3A_7 : vector<2000x1xf32>
    %max3A_9 = arith.constant 1.00000012 : f32
    %max3A_10 = vector.broadcast %max3A_9 : f32 to vector<2000x1xf32>
    %max3A_11 = arith.maximumf %slice3A, %max3A_10 : vector<2000x1xf32>
    %mul3A_12 = arith.mulf %max3A_11, %max3A_11 : vector<2000x1xf32>
    %sub3A_13 = arith.constant 1.000000e+00 : f32
    %sub3A_14 = vector.broadcast %sub3A_13 : f32 to vector<2000x1xf32>
    %sub3A_15 = arith.subf %mul3A_12, %sub3A_14 : vector<2000x1xf32>
    %max3A_16 = arith.constant 1.000000e-15 : f32
    %max3A_17 = vector.broadcast %max3A_16 : f32 to vector<2000x1xf32>
    %max3A_18 = arith.maximumf %sub3A_15, %max3A_17 : vector<2000x1xf32>
    %sqrt3A_19 = math.sqrt %max3A_18 : vector<2000x1xf32>
    %add3A = arith.addf %max3A_11, %sqrt3A_19 : vector<2000x1xf32>
    %log3A = math.log %add3A : vector<2000x1xf32>
    %div3A = arith.divf %log3A, %max3A_8 : vector<2000x1xf32>
    %mul3A_20 = vector.broadcast %div3A : vector<2000x1xf32> to vector<2000x128xf32>
    %mul3A_21 = arith.mulf %get3A_1, %mul3A_20 : vector<2000x128xf32>
    %iota3A = tpu.iota {dimensions = array<i32: 1>} : vector<2000x128xi32>
    %eq3A = arith.constant 0 : i32
    %eq3A_22 = vector.broadcast %eq3A : i32 to vector<2000x128xi32>
    %eq3A_23 = arith.cmpi eq, %iota3A, %eq3A_22 : vector<2000x128xi32>
    %jit3A = arith.constant 0.000000e+00 : f32
    %broadcast_in_dim3A_24 = vector.broadcast %jit3A : f32 to vector<2000x128xf32>
    %select_n3A = arith.select %eq3A_23, %broadcast_in_dim3A_24, %mul3A_21 : vector<2000x128xi1>, vector<2000x128xf32>
    %get3A_25 = arith.constant 0 : index
    %get3A_26 = arith.constant 0 : index
    %get3A_27 = vector.load %arg2[%get3A_25, %get3A_26] : memref<128x128xf32, #tpu.memory_space<vmem>>, vector<128x128xf32>
    %dot_general3A = arith.constant dense<0.000000e+00> : vector<2000x128xf32>
    %dot_general3A_28 = tpu.matmul %select_n3A, %get3A_27, %dot_general3A {dimension_numbers = #tpu.dot_dimension_numbers<[1], [1], [0], [0], [0, 0, 1, 0], [], []>, transpose_lhs_hint = false} : vector<2000x128xf32>, vector<128x128xf32>, vector<2000x128xf32> -> vector<2000x128xf32>
    %eq3A_29 = arith.constant 0 : i32
    %eq3A_30 = vector.broadcast %eq3A_29 : i32 to vector<2000x128xi32>
    %eq3A_31 = arith.cmpi eq, %iota3A, %eq3A_30 : vector<2000x128xi32>
    %jit3A_32 = arith.constant 1.000000e+00 : f32
    %broadcast_in_dim3A_33 = vector.broadcast %jit3A_32 : f32 to vector<2000x128xf32>
    %select_n3A_34 = arith.select %eq3A_31, %broadcast_in_dim3A_33, %dot_general3A_28 : vector<2000x128xi1>, vector<2000x128xf32>
    %swap3A = arith.constant 0 : index
    %swap3A_35 = arith.constant 0 : index
    %swap3A_36 = vector.load %arg3[%swap3A, %swap3A_35] : memref<2000x128xf32, #tpu.memory_space<vmem>>, vector<2000x128xf32>
    tpu.vector_store %arg3[%swap3A, %swap3A_35], %select_n3A_34 {strides = array<i32>} : memref<2000x128xf32, #tpu.memory_space<vmem>>, vector<2000x128xf32>,
    return
  }
  func.func @transform_0(%arg0: i32) -> (i32, i32) {
    %c0_i32 = arith.constant 0 : i32
    %c0_i32_0 = arith.constant 0 : i32
    return %arg0, %c0_i32 : i32, i32
  }
  func.func @transform_1(%arg0: i32) -> (i32, i32) {
    %c0_i32 = arith.constant 0 : i32
    %c0_i32_0 = arith.constant 0 : i32
    %c0_i32_1 = arith.constant 0 : i32
    return %c0_i32, %c0_i32_0 : i32, i32
  }
  func.func @transform_2(%arg0: i32) -> (i32, i32) {
    %c0_i32 = arith.constant 0 : i32
    %c0_i32_0 = arith.constant 0 : i32
    return %arg0, %c0_i32 : i32, i32
  }
}

module attributes {stable_mosaic.version = 14 : i64} {
  func.func @_mid_body(%arg0: i32, %arg1: memref<1x2000x128xf32, #tpu.memory_space<vmem>>, %arg2: memref<1x2000x128xf32, #tpu.memory_space<vmem>>, %arg3: memref<128x128xf32, #tpu.memory_space<vmem>>, %arg4: memref<2000x128xf32, #tpu.memory_space<vmem>>) attributes {dimension_semantics = [#tpu.dimension_semantics<arbitrary>], iteration_bounds = array<i64: 5>, scalar_prefetch = 0 : i64, scratch_operands = 0 : i64, tpu.core_type = #tpu.core_type<tc>, window_params = [{transform_indices = @transform_0, window_bounds = array<i64: 1, 2000, 128>}, {transform_indices = @transform_1, window_bounds = array<i64: 1, 2000, 128>}, {pipeline_mode = #tpu.pipeline_mode<synchronous>, transform_indices = @transform_2, window_bounds = array<i64: 128, 128>}, {transform_indices = @transform_3, window_bounds = array<i64: 2000, 128>}]} {
    %get3A = arith.constant 0 : index
    %get3A_0 = arith.constant 0 : index
    %get3A_1 = arith.constant 0 : index
    %get3A_2 = vector.load %arg1[%get3A, %get3A_0, %get3A_1] : memref<1x2000x128xf32, #tpu.memory_space<vmem>>, vector<1x2000x128xf32>
    %get3A_3 = vector.shape_cast %get3A_2 : vector<1x2000x128xf32> to vector<2000x128xf32>
    %get3A_4 = arith.constant 0 : index
    %get3A_5 = arith.constant 0 : index
    %get3A_6 = arith.constant 0 : index
    %get3A_7 = vector.load %arg2[%get3A_4, %get3A_5, %get3A_6] : memref<1x2000x128xf32, #tpu.memory_space<vmem>>, vector<1x2000x128xf32>
    %get3A_8 = vector.shape_cast %get3A_7 : vector<1x2000x128xf32> to vector<2000x128xf32>
    %add3A = arith.addf %get3A_3, %get3A_8 : vector<2000x128xf32>
    %slice3A = vector.extract_strided_slice %add3A {offsets = [0, 0], sizes = [2000, 1], strides = [1, 1]} : vector<2000x128xf32> to vector<2000x1xf32>
    %max3A = arith.constant 1.000000e+00 : f32
    %max3A_9 = vector.broadcast %max3A : f32 to vector<2000x1xf32>
    %max3A_10 = arith.maximumf %slice3A, %max3A_9 : vector<2000x1xf32>
    %iota3A = tpu.iota {dimensions = array<i32: 1>} : vector<2000x128xi32>
    %eq3A = arith.constant 0 : i32
    %eq3A_11 = vector.broadcast %eq3A : i32 to vector<2000x128xi32>
    %eq3A_12 = arith.cmpi eq, %iota3A, %eq3A_11 : vector<2000x128xi32>
    %div3A = vector.broadcast %max3A_10 : vector<2000x1xf32> to vector<2000x128xf32>
    %div3A_13 = arith.divf %add3A, %div3A : vector<2000x128xf32>
    %max3A_14 = arith.constant 0.000000e+00 : f32
    %max3A_15 = vector.broadcast %max3A_14 : f32 to vector<2000x128xf32>
    %max3A_16 = arith.maximumf %div3A_13, %max3A_15 : vector<2000x128xf32>
    %jit3A = arith.constant 0.000000e+00 : f32
    %broadcast_in_dim3A = vector.broadcast %jit3A : f32 to vector<2000x128xf32>
    %select_n3A = arith.select %eq3A_12, %broadcast_in_dim3A, %max3A_16 : vector<2000x128xi1>, vector<2000x128xf32>
    %get3A_17 = arith.constant 0 : index
    %get3A_18 = arith.constant 0 : index
    %get3A_19 = vector.load %arg3[%get3A_17, %get3A_18] : memref<128x128xf32, #tpu.memory_space<vmem>>, vector<128x128xf32>
    %dot_general3A = arith.constant dense<0.000000e+00> : vector<2000x128xf32>
    %dot_general3A_20 = tpu.matmul %select_n3A, %get3A_19, %dot_general3A {dimension_numbers = #tpu.dot_dimension_numbers<[1], [1], [0], [0], [0, 0, 1, 0], [], []>, transpose_lhs_hint = false} : vector<2000x128xf32>, vector<128x128xf32>, vector<2000x128xf32> -> vector<2000x128xf32>
    %eq3A_21 = arith.constant 0 : i32
    %eq3A_22 = vector.broadcast %eq3A_21 : i32 to vector<2000x128xi32>
    %eq3A_23 = arith.cmpi eq, %iota3A, %eq3A_22 : vector<2000x128xi32>
    %jit3A_24 = arith.constant 1.000000e+00 : f32
    %broadcast_in_dim3A_25 = vector.broadcast %jit3A_24 : f32 to vector<2000x128xf32>
    %select_n3A_26 = arith.select %eq3A_23, %broadcast_in_dim3A_25, %dot_general3A_20 : vector<2000x128xi1>, vector<2000x128xf32>
    %swap3A = arith.constant 0 : index
    %swap3A_27 = arith.constant 0 : index
    %swap3A_28 = vector.load %arg4[%swap3A, %swap3A_27] : memref<2000x128xf32, #tpu.memory_space<vmem>>, vector<2000x128xf32>
    tpu.vector_store %arg4[%swap3A, %swap3A_27], %select_n3A_26 {strides = array<i32>} : memref<2000x128xf32, #tpu.memory_space<vmem>>, vector<2000x128xf32>,
    return
  }
  func.func @transform_0(%arg0: i32) -> (i32, i32, i32) {
    %c0_i32 = arith.constant 0 : i32
    %c0_i32_0 = arith.constant 0 : i32
    %c0_i32_1 = arith.constant 0 : i32
    return %c0_i32, %arg0, %c0_i32_0 : i32, i32, i32
  }
  func.func @transform_1(%arg0: i32) -> (i32, i32, i32) {
    %c1_i32 = arith.constant 1 : i32
    %c0_i32 = arith.constant 0 : i32
    %c0_i32_0 = arith.constant 0 : i32
    return %c1_i32, %arg0, %c0_i32 : i32, i32, i32
  }
  func.func @transform_2(%arg0: i32) -> (i32, i32) {
    %c0_i32 = arith.constant 0 : i32
    %c0_i32_0 = arith.constant 0 : i32
    %c0_i32_1 = arith.constant 0 : i32
    return %c0_i32, %c0_i32_0 : i32, i32
  }
  func.func @transform_3(%arg0: i32) -> (i32, i32) {
    %c0_i32 = arith.constant 0 : i32
    %c0_i32_0 = arith.constant 0 : i32
    return %arg0, %c0_i32 : i32, i32
  }
}

</mosaic_0001>

<sc_bundles>
// kernel: kernel.10.cloned.1.call-start
scs
__scs_entry_jumppad:
0x0: {  	(pc) =	sbr.rel $0x88, $3  }
0x1: {  	(tag) =	ssettag $0x0;
	lr =	simm.s32 $0x1  }
0x2: {  	[smem:$0x3F9A] =	sst lr;
	_ =	strace $0xD0000000  }
0x3: {  	_ = 	snop  }
0x4: {  	_ = 	snop  }
0x5: {  	_ = 	snop  }
0x6: {  	_ = 	snop  }
0x7: {  	_ = 	snop  }
__scs_overlays_trampoline_lowered:
0x8: {  	[smem:$0x3FA9] =	sst s0  }
0x9: {  	[smem:$0x3FAA] =	sst s1  }
0xa: {  	[smem:$0x3FAB] =	sst s2  }
0xb: {  	[smem:$0x3FAC] =	sst s3  }
0xc: {  	[smem:$0x3FAD] =	sst s4  }
0xd: {  	[smem:$0x3FAE] =	sst s5  }
0xe: {  	[smem:$0x3FAF] =	sst s6  }
0xf: {  	[smem:$0x3FB0] =	sst s7  }
0x10: {  	[smem:$0x3FB1] =	sst s8  }
0x11: {  	[smem:$0x3FB2] =	sst s9;
	s0 =	simm.s32 @!p0 $0x0  }
0x12: {  	s1 =	sld [smem:$0x3F98];
	s0 =	simm.s32 @p0 $0x1  }
0x13: {  	[smem:$0x3FB3] =	sst s0;
	s0 =	simm.s32 @!p1 $0x0  }
0x14: {  	s2 =	sld [smem:$0x3F97];
	s0 =	simm.s32 @p1 $0x1  }
0x15: {  	[smem:$0x3FB4] =	sst s0;
	s0 =	simm.s32 @!p2 $0x0  }
0x16: {  	s3 =	sld [smem:$0x3FDB];
	s0 =	simm.s32 @p2 $0x1  }
0x17: {  	s4 =	simm.s32 $0x1BF5;
	[smem:$0x3FB6] =	sst s0  }
0x18: {  	s0 =	sld [smem:$0x3F99];
	_ =	swait.ge [sflag:s4], $0x0  }
0x19: {  	s7 =	sld [smem:$0x3F9A]  }
0x1a: {  	s8 =	sadd.s32 $0xFFFFE003, lr  }
0x1b: {  	s9 =	sadd.s32 $0xFFFFFEF7, lr;
	s5 =	simm.s32 $0xFFFFFFFF;
	p2 =	slt.u32 s8, $0xFFFFF086  }
0x1c: {  	p1 =	slt.u32 s9, $0xF7A;
	s5 =	simm.s32 @!p2 $0x0  }
0x1d: {  	s5 =	simm.s32 @p1 $0x1;
	p0 =	seq.s32 s7, s2  }
0x1e: {  	s7 =	smul.u32 @!p0 $0xF7A, s2;
	p2 =	seq.s32 @!p0 s5, $0x0  }
0x1f: {  	s9 =	smul.u32 $0xF7A, s1;
	s8 =	simm.s32 @!p0 $0x1BF5;
	p2 =	por !p2, p0  }
0x20: {  	[sflag:s8] =	ssyncset.s32 @!p0 $0xFFFFF086;
	s6 =	sadd.s32 @!p0 s3, s7;
	s7 =	simm.s32 @!p0 $0x108  }
0x21: {  	s3 =	sadd.s32 s3, s9;
	s6 =	sadd.s32 @!p0 $0x88, s6;
	s7 =	simm.s32 @p2 $0x1082  }
0x22: {  	[simem:s7], [sflag:s8] =	dma.local @!p0 [hbm:s6], $0xF7A  }
0x23: {  	s9 =	sor.u32 $0xD0000000, s2;
	s6 =	simm.s32 $0x108;
	_ =	swait.ge @!p0 [sflag:s8], $0x0  }
0x24: {  	s3 =	sadd.s32 $0x88, s3;
	s6 =	simm.s32 @!p1 $0x1082;
	[sflag:s4] =	ssyncset.s32 $0xFFFFF086  }
0x25: {  	[simem:s6], [sflag:s4] =	dma.local [hbm:s3], $0xF7A  }
0x26: {  	[smem:$0x3F9A] =	sst s1;
	(tag) =	ssettag s2;
	_ =	strace s9  }
0x27: {  	s1 =	sld [smem:$0x3FAA]  }
0x28: {  	s2 =	sld [smem:$0x3FAB]  }
0x29: {  	s4 =	sld [smem:$0x3FAD]  }
0x2a: {  	p0 =	seq.s32 s5, $0x0;
	s5 =	sld [smem:$0x3FAE]  }
0x2b: {  	s6 =	sld [smem:$0x3FAF]  }
0x2c: {  	s7 =	sld [smem:$0x3FB0]  }
0x2d: {  	s3 =	simm.s32 $0x108;
	s8 =	sld [smem:$0x3FB1]  }
0x2e: {  	s3 =	simm.s32 @!p0 $0x1082;
	s9 =	sld [smem:$0x3FB2]  }
0x2f: {  	lr =	sadd.s32 s0, s3;
	s0 =	sld [smem:$0x3FA9]  }
0x30: {  	s3 =	sld [smem:$0x3FAC]  }
0x31: {  	[smem:$0x3FB5] =	sst s10  }
0x32: {  	s10 =	sld [smem:$0x3FB3];
	_ =	sdelay $0x3  }
0x33: {  	p0 =	seq.s32 s10, $0x1;
	s10 =	sld [smem:$0x3FB5];
	_ =	sdelay $0x3  }
0x34: {  	[smem:$0x3FB5] =	sst s10  }
0x35: {  	s10 =	sld [smem:$0x3FB4];
	_ =	sdelay $0x3  }
0x36: {  	p1 =	seq.s32 s10, $0x1;
	s10 =	sld [smem:$0x3FB5];
	_ =	sdelay $0x3  }
0x37: {  	[smem:$0x3FB5] =	sst s10  }
0x38: {  	s10 =	sld [smem:$0x3FB6]  }
0x39: {  	_ = 	snop;
	(pc) =	sbr.ind lr, $3  }
0x3a: {  	_ = 	snop  }
0x3b: {  	_ = 	snop  }
0x3c: {  	p2 =	seq.s32 s10, $0x1;
	s10 =	sld [smem:$0x3FB5]  }
0x3d: {  	_ =	shalt  }
0x3e: {  	_ =	shalt  }
0x3f: {  	_ =	shalt  }
0x40: {  	_ =	shalt  }
0x41: {  	_ =	shalt  }
0x42: {  	_ =	shalt  }
0x43: {  	_ =	shalt  }
0x44: {  	_ =	shalt  }
0x45: {  	_ =	shalt  }
0x46: {  	_ =	shalt  }
0x47: {  	_ =	shalt  }
0x48: {  	_ =	shalt  }
0x49: {  	_ =	shalt  }
0x4a: {  	_ =	shalt  }
0x4b: {  	_ =	shalt  }
0x4c: {  	_ =	shalt  }
0x4d: {  	_ =	shalt  }
0x4e: {  	_ =	shalt  }
0x4f: {  	_ =	shalt  }
0x50: {  	_ =	shalt  }
0x51: {  	_ =	shalt  }
0x52: {  	_ =	shalt  }
0x53: {  	_ =	shalt  }
0x54: {  	_ =	shalt  }
0x55: {  	_ =	shalt  }
0x56: {  	_ =	shalt  }
0x57: {  	_ =	shalt  }
0x58: {  	_ =	shalt  }
0x59: {  	_ =	shalt  }
0x5a: {  	_ =	shalt  }
0x5b: {  	_ =	shalt  }
0x5c: {  	_ =	shalt  }
0x5d: {  	_ =	shalt  }
0x5e: {  	_ =	shalt  }
0x5f: {  	_ =	shalt  }
0x60: {  	_ =	shalt  }
0x61: {  	_ =	shalt  }
0x62: {  	_ =	shalt  }
0x63: {  	_ =	shalt  }
0x64: {  	_ =	shalt  }
0x65: {  	_ =	shalt  }
0x66: {  	_ =	shalt  }
0x67: {  	_ =	shalt  }
0x68: {  	_ =	shalt  }
0x69: {  	_ =	shalt  }
0x6a: {  	_ =	shalt  }
0x6b: {  	_ =	shalt  }
0x6c: {  	_ =	shalt  }
0x6d: {  	_ =	shalt  }
0x6e: {  	_ =	shalt  }
0x6f: {  	_ =	shalt  }
0x70: {  	_ =	shalt  }
0x71: {  	_ =	shalt  }
0x72: {  	_ =	shalt  }
0x73: {  	_ =	shalt  }
0x74: {  	_ =	shalt  }
0x75: {  	_ =	shalt  }
0x76: {  	_ =	shalt  }
0x77: {  	_ =	shalt  }
0x78: {  	_ =	shalt  }
0x79: {  	_ =	shalt  }
0x7a: {  	_ =	shalt  }
0x7b: {  	_ =	shalt  }
0x7c: {  	_ =	shalt  }
0x7d: {  	_ =	shalt  }
0x7e: {  	_ =	shalt  }
0x7f: {  	_ =	shalt  }
0x80: {  	_ =	shalt  }
0x81: {  	_ =	shalt  }
0x82: {  	_ =	shalt  }
0x83: {  	_ =	shalt  }
0x84: {  	_ =	shalt  }
0x85: {  	_ =	shalt  }
0x86: {  	_ =	shalt  }
0x87: {  	_ =	shalt  }
.Lfunc_end0:
.L_simem_size_0:
called_computation.1_lowered:
.L_overlay_start_0:
0x88: {  	s2 =	sld [smem:$0x3FD9]  }
0x89: {  	s3 =	sld [smem:$0x3FFE];
	_ =	sdelay $0x1  }
0x8a: {  	s1 =	srdreg.scid  }
0x8b: {  	s0 =	sand.u32 $0x1, s1  }
0x8c: {  	s16 =	sshll.u32 s0, $0xA;
	s2 =	sadd.s32 s3, s2  }
0x8d: {  	s2 =	sadd.s32 s2, s16  }
0x8e: {  	[smem:$0x3FC1] =	sst s2  }
0x8f: {  	_ = 	snop  }
0x90: {  	(tm) =	ssettm $0x1  }
0x91: {  	s17 =	sld [smem:$0x3FFB];
	_ =	sdelay $0x3  }
0x92: {  	_ =	strace s17  }
0x93: {  	s2 =	sld [smem:$0x3FFC];
	_ =	sdelay $0x3  }
0x94: {  	_ =	strace s2  }
0x95: {  	s2 =	sld [smem:$0x3FFD];
	_ =	sdelay $0x3  }
0x96: {  	_ =	strace s2  }
0x97: {  	_ =	strace $0x8FFFFFFF  }
0x98: {  	s18 =	sld [smem:$0x3FDB];
	_ =	sdelay $0x1  }
0x99: {  	s19 =	simm.s32 $_scs_section_size  }
0x9a: {  	s4 =	simm.s32 $_size__tile_overlayer_lowered;
	s5 =	simm.s32 $_tile_overlayer_lowered  }
0x9b: {  	s22 =	simm.s32 $0x1BFF;
	s21 =	sshll.u32 s5, $0x1;
	s2 =	sadd.s32 s19, s18  }
0x9c: {  	s6 =	simm.s32 $0x0;
	s20 =	sshll.u32 s4, $0x1;
	s4 =	sadd.s32 s21, s2  }
0x9d: {  	[timem:s6], [sflag:s22] =	dma.local [hbm:s4], s20  }
0x9e: {  	_ =	swait.ge [sflag:s22], s20  }
0x9f: {  	s3 =	ssub.s32 $0x0, s20;
	[sflag:s22] =	ssyncset.done $0x0  }
0xa0: {  	[sflag:s22] =	ssyncadd.s32 s3;
	_ =	sdelay $0x1  }
0xa1: {  	s23 =	simm.s32 $0x1B8B  }
0xa2: {  	_ =	swait.ge [sflag:s23], $0x1  }
0xa3: {  	[sflag:s23] =	ssyncset.done $0x0  }
0xa4: {  	s25 =	simm.s32 $0x1B8E;
	s24 =	sld [smem:$0x3FFE];
	[sflag:s23] =	ssyncadd.s32 $0xFFFFFFFF  }
0xa5: {  	s26 =	simm.s32 $execute0_lowered;
	[smem:$0x3FD2] =	sst s25  }
0xa6: {  	s4 =	sshll.u32 s26, $0x1;
	_ =	strace $0x80000049;
	[dreg:$0x1] =	wrdreg $0xFFFFFFFF  }
0xa7: {  	s28 =	simm.s32 $_size_execute0_lowered;
	s2 =	sadd.s32 s2, s4;
	[dreg:$0x0] =	wrdreg $0x0  }
0xa8: {  	s4 =	sshll.u32 s28, $0x1;
	[dreg:$0x2] =	wrdreg s2  }
0xa9: {  	[dreg:$0x3] =	wrdreg s4  }
0xaa: {  	[dreg:$0x4] =	wrdreg $0xC0  }
0xab: {  	_ =	task [dreg:s6], $0x5FFFF  }
0xac: {  	[dreg:$0x1] =	wrdreg $0xFFFFFFFF  }
0xad: {  	[dreg:$0x0] =	wrdreg $0x60  }
0xae: {  	[dreg:$0x2] =	wrdreg s24  }
0xaf: {  	[dreg:$0x3] =	wrdreg $0x98000  }
0xb0: {  	[dreg:$0x4] =	wrdreg $0x9  }
0xb1: {  	_ =	task.clear_ibuf [dreg:s6], $0x5FFFF;
	_ =	strace $0x90000049  }
0xb2: {  	s29 =	simm.s32 $0x9;
	_ =	strace $0x8000004B  }
0xb3: {  	_ =	swait.ge [sflag:s29], $0x1  }
0xb4: {  	[sflag:s29] =	ssyncadd.s32 $0xFFFFFFFF  }
0xb5: {  	_ =	strace $0x9000004B  }
0xb6: {  	_ =	sfence  }
0xb7: {  	s30 =	sld [smem:$0x0];
	_ =	sdelay $0x2  }
0xb8: {  	s31 =	sshll.u32 s1, $0xD;
	s1 =	sshrl.u32 s1, $0x2  }
0xb9: {  	s3 =	sand.u32 $0x4000, s31;
	s1 =	sadd.s32 s1, s30  }
0xba: {  	s0 =	sor.u32 s3, s0;
	s1 =	sshll.u32 s1, $0x11  }
0xbb: {  	s0 =	sor.u32 s1, s0  }
0xbc: {  	s0 =	sadd.s32 $0x8F2B, s0  }
0xbd: {  	[sflag:s0] =	ssyncadd.remote.s32 $0x1  }
0xbe: {  	_ =	sfence.sel $0xFFFF  }
0xbf: {  	[dreg:$0x0] =	wrdreg $0xFFFFFFFF;
	(pc) =	sbr.abs _section_cstart, $3  }
0xc0: {  	[dreg:$0x1] =	wrdreg $0xFFFFFFFF  }
0xc1: {  	_ =	task.clear_ibuf [dreg:s6], $0x2FFFF;
	_ =	strace $0x9FFFFFFF  }
0xc2: {  	(tm) =	ssettm $0x7FFFFFFF  }
0xc3: {  	_ =	shalt  }
tec
execute0_lowered:
.L_overlay_start_1:
0x0: {  	(tag) =	ssettag $0x1  }
0x1: {  	s5 =	rddreg [dreg:$0x0]  }
0x2: {  	s2 =	rddreg [dreg:$0x1];
	s3 =	simm.s32 $0x0  }
0x3: {  	s19 =	simm.s32 $0x80;
	[smem:$0x7FF] =	sst s3  }
0x4: {  	s20 =	simm.s32 $0x100;
	_ =	strace $0x8000004A;
	[dreg:$0x5] =	wrdreg s19  }
0x5: {  	s21 =	simm.s32 $0x180;
	[dreg:$0x6] =	wrdreg s20  }
0x6: {  	s22 =	simm.s32 $0x1080;
	[dreg:$0x7] =	wrdreg s21  }
0x7: {  	s23 =	simm.s32 $0x200;
	[dreg:$0x8] =	wrdreg s22  }
0x8: {  	s25 =	simm.s32 $0x1100;
	[dreg:$0x9] =	wrdreg s23  }
0x9: {  	s26 =	simm.s32 $0x280;
	[dreg:$0xa] =	wrdreg s25  }
0xa: {  	s0 =	srdreg.scid;
	s7 =	simm.s32 $0x1180;
	[dreg:$0xb] =	wrdreg s26  }
0xb: {  	s8 =	stileid.u32;
	s9 =	simm.s32 $0x300;
	[dreg:$0xc] =	wrdreg s7  }
0xc: {  	s11 =	simm.s32 $0x1200;
	s12 =	simm.s32 $0x380;
	[dreg:$0xd] =	wrdreg s9  }
0xd: {  	s13 =	simm.s32 $0x1280;
	s15 =	simm.s32 $0x400;
	[dreg:$0xe] =	wrdreg s11  }
0xe: {  	s16 =	simm.s32 $0x1300;
	s18 =	simm.s32 $0x480;
	[dreg:$0xf] =	wrdreg s12  }
0xf: {  	s28 =	simm.s32 $0xA00;
	s29 =	simm.s32 $0x1900;
	[dreg:$0x10] =	wrdreg s13  }
0x10: {  	s30 =	simm.s32 $0xA80;
	s31 =	simm.s32 $0x1980;
	[dreg:$0x11] =	wrdreg s15  }
0x11: {  	s0 =	sand.u32 $0x1, s0;
	s4 =	smul.u32 $0xA00, s8;
	[dreg:$0x12] =	wrdreg s16  }
0x12: {  	s6 =	sadd.s32 $0x15C00, s5;
	[dreg:$0x13] =	wrdreg s18;
	s20 =	simm.s32 $0x1380  }
0x13: {  	s1 =	smul.u32 $0xA000, s0;
	s22 =	simm.s32 $0x500;
	[dreg:$0x14] =	wrdreg s20  }
0x14: {  	s24 =	smul.u32 $0x28000, s0;
	s26 =	simm.s32 $0x580;
	[dreg:$0x15] =	wrdreg s22  }
0x15: {  	s0 =	ssub.s32 $0x2, s0;
	s11 =	simm.s32 $0x600;
	[dreg:$0x17] =	wrdreg s26  }
0x16: {  	s7 =	smul.u32 $0x50000, s8;
	s12 =	simm.s32 $0x1500;
	[dreg:$0x19] =	wrdreg s11  }
0x17: {  	s13 =	smul.u32 $0x2800, s8;
	s15 =	simm.s32 $0x680;
	[dreg:$0x1a] =	wrdreg s12  }
0x18: {  	s16 =	simm.s32 $0x1580;
	s18 =	simm.s32 $0x1600;
	[dreg:$0x1b] =	wrdreg s15  }
0x19: {  	s8 =	simm.s32 $0xC00;
	s10 =	sshrl.u32 s0, $0x1;
	[dreg:$0x1c] =	wrdreg s16  }
0x1a: {  	s15 =	simm.s32 $0x4;
	s16 =	simm.s32 $0x1000;
	[dreg:$0x1e] =	wrdreg s18  }
0x1b: {  	s20 =	simm.s32 $0x1680;
	s18 =	simm.s32 $0x4800;
	s22 =	simm.s32 $0x1700  }
0x1c: {  	s1 =	sadd.s32 s4, s1;
	s0 =	ssub.s32 s0, s10;
	[smem:$0x7F7] =	sst s20  }
0x1d: {  	s14 =	sshrl.u32 s7, $0x2;
	s10 =	simm.s32 $0x1480;
	[smem:$0x7F9] =	sst s22  }
0x1e: {  	s4 =	sadd.s32 s1, s5;
	s1 =	sadd.s32 s6, s1;
	[dreg:$0x18] =	wrdreg s10  }
0x1f: {  	s11 =	simm.s32 $0x1C00;
	s6 =	sadd.s32 s14, s2;
	[dreg:$0x4] =	wrdreg s1  }
0x20: {  	s12 =	simm.s32 $0x0;
	s0 =	smax.u32 s0, $0x1;
	[smem:$0x7F4] =	sst s6  }
0x21: {  	s20 =	simm.s32 $0x7000;
	s4 =	sadd.s32 $0x1C00, s4;
	[smem:$0x7F6] =	sst s0  }
0x22: {  	s22 =	simm.s32 $0x3;
	s17 =	sadd.s32 $0x2800, s6;
	[dreg:$0x3] =	wrdreg s4  }
0x23: {  	s7 =	simm.s32 $0x1A80;
	s19 =	sadd.s32 $0x5000, s6;
	[smem:$0x7EE] =	sst s17  }
0x24: {  	s14 =	simm.s32 $0x2000;
	s21 =	sadd.s32 $0x7800, s6;
	[smem:$0x7EF] =	sst s19  }
0x25: {  	s10 =	simm.s32 $0x1B80;
	s23 =	sadd.s32 $0xA000, s6;
	[smem:$0x7F0] =	sst s21  }
0x26: {  	s25 =	sadd.s32 $0xC800, s6;
	s9 =	sadd.s32 $0xF000, s6;
	[smem:$0x7F1] =	sst s23  }
0x27: {  	s6 =	sadd.s32 $0x11800, s6;
	s1 =	simm.s32 $0xB00;
	[smem:$0x7F2] =	sst s25  }
0x28: {  	s0 =	simm.s32 $0x1A00;
	s4 =	sadd.s32 $0x29C00, s5;
	[smem:$0x7F3] =	sst s9  }
0x29: {  	s5 =	sadd.s32 s24, s5;
	s24 =	simm.s32 $0x1400;
	[smem:$0x7F5] =	sst s6  }
0x2a: {  	s17 =	simm.s32 $0x700;
	s19 =	simm.s32 $0x780;
	[dreg:$0x16] =	wrdreg s24  }
0x2b: {  	s21 =	simm.s32 $0x800;
	s23 =	simm.s32 $0x880;
	[dreg:$0x1d] =	wrdreg s17  }
0x2c: {  	s25 =	simm.s32 $0x900;
	s6 =	simm.s32 $0xB80;
	[dreg:$0x1f] =	wrdreg s19  }
0x2d: {  	s9 =	simm.s32 $0x1B00;
	s5 =	sadd.s32 $0x50E00, s5;
	[smem:$0x7F8] =	sst s21  }
0x2e: {  	s17 =	simm.s32 $0x50;
	s19 =	simm.s32 $0x1;
	[smem:$0x7FA] =	sst s23  }
0x2f: {  	s21 =	simm.s32 $0x2;
	s24 =	simm.s32 $0x1780;
	[smem:$0x7FC] =	sst s25  }
0x30: {  	s23 =	simm.s32 $0x1800;
	[smem:$0x7FB] =	sst s24;
	s26 =	sadd.s32 s13, s5  }
0x31: {  	v0 =	vimm.f32 $0.0e+00;
	s25 =	simm.s32 $0x980;
	[smem:$0x7FD] =	sst s26;
	s26 =	simm.s32 $0x1880  }
.LBB2_1:
0x32: {  	s13 =	simm.s32 $0x0;
	s24 =	simm.s32 $0x200  }
.LBB2_2:
0x33: {  	p0 =	sne.s32 s24, $0x9E00;
	[tilespmem:s13+$0x2070] =	vst v0  }
0x34: {  	[tilespmem:s13+$0x2000] =	vst v0  }
0x35: {  	[tilespmem:s13+$0x2010] =	vst v0  }
.Ltmp0:
0x36: {  	[tilespmem:s13+$0x2020] =	vst v0;
	(pc) =	sbr.rel @p0 .LBB2_2-.Ltmp0, $4  }
0x37: {  	[tilespmem:s13+$0x2030] =	vst v0  }
0x38: {  	[tilespmem:s13+$0x2040] =	vst v0  }
0x39: {  	[tilespmem:s13+$0x2050] =	vst v0  }
0x3a: {  	[tilespmem:s13+$0x2060] =	vst v0;
	s13 =	sshra.s32 s24, $0x2;
	s24 =	sadd.s32 $0x200, s24  }
0x3b: {  	[tilespmem:s13+$0x2070] =	vst v0  }
0x3c: {  	[tilespmem:s13+$0x2000] =	vst v0  }
0x3d: {  	[tilespmem:s13+$0x2010] =	vst v0  }
0x3e: {  	[tilespmem:s13+$0x2020] =	vst v0  }
0x3f: {  	[tilespmem:s13+$0x2030] =	vst v0  }
0x40: {  	[tilespmem:s13+$0x2040] =	vst v0;
	s5 =	sld [smem:$0x7F4]  }
0x41: {  	[tilespmem:s13+$0x2050] =	vst v0  }
0x42: {  	[smem:$0x7ED] =	sst s12;
	[tilespmem:s13+$0x2060] =	vst v0  }
0x43: {  	[spmem:s5] =	stream.linear.scatter [tilespmem:s14], [sflag:$0x4], $0x2800, $0x38;
	[tilespmem:$0x1D800] =	vst v63  }
0x44: {  	_ =	swait.ge [sflag:s15], $0x2800  }
0x45: {  	s12 =	sld [smem:$0x7EE]  }
0x46: {  	[sflag:s15] =	ssyncset.done $0x0  }
0x47: {  	[sflag:s15] =	ssyncadd.s32 $0xFFFFD800  }
0x48: {  	[spmem:s12] =	stream.linear.scatter [tilespmem:s14], [sflag:$0x4], $0x2800, $0x38;
	[tilespmem:$0x1D800] =	vst v63  }
0x49: {  	_ =	swait.ge [sflag:s15], $0x2800  }
0x4a: {  	s13 =	sld [smem:$0x7EF]  }
0x4b: {  	[sflag:s15] =	ssyncset.done $0x0  }
0x4c: {  	[sflag:s15] =	ssyncadd.s32 $0xFFFFD800  }
0x4d: {  	[spmem:s13] =	stream.linear.scatter [tilespmem:s14], [sflag:$0x4], $0x2800, $0x38;
	[tilespmem:$0x1D800] =	vst v63  }
0x4e: {  	_ =	swait.ge [sflag:s15], $0x2800  }
0x4f: {  	s24 =	sld [smem:$0x7F0]  }
0x50: {  	[sflag:s15] =	ssyncset.done $0x0  }
0x51: {  	[sflag:s15] =	ssyncadd.s32 $0xFFFFD800  }
0x52: {  	[spmem:s24] =	stream.linear.scatter [tilespmem:s14], [sflag:$0x4], $0x2800, $0x38;
	[tilespmem:$0x1D800] =	vst v63  }
0x53: {  	_ =	swait.ge [sflag:s15], $0x2800  }
0x54: {  	s12 =	sld [smem:$0x7F1]  }
0x55: {  	[sflag:s15] =	ssyncset.done $0x0  }
0x56: {  	[sflag:s15] =	ssyncadd.s32 $0xFFFFD800  }
0x57: {  	[spmem:s12] =	stream.linear.scatter [tilespmem:s14], [sflag:$0x4], $0x2800, $0x38;
	[tilespmem:$0x1D800] =	vst v63  }
0x58: {  	_ =	swait.ge [sflag:s15], $0x2800  }
0x59: {  	s13 =	sld [smem:$0x7F2]  }
0x5a: {  	[sflag:s15] =	ssyncset.done $0x0  }
0x5b: {  	[sflag:s15] =	ssyncadd.s32 $0xFFFFD800  }
0x5c: {  	[spmem:s13] =	stream.linear.scatter [tilespmem:s14], [sflag:$0x4], $0x2800, $0x38;
	[tilespmem:$0x1D800] =	vst v63  }
0x5d: {  	_ =	swait.ge [sflag:s15], $0x2800  }
0x5e: {  	s24 =	sld [smem:$0x7F3]  }
0x5f: {  	[sflag:s15] =	ssyncset.done $0x0  }
0x60: {  	[sflag:s15] =	ssyncadd.s32 $0xFFFFD800  }
0x61: {  	[spmem:s24] =	stream.linear.scatter [tilespmem:s14], [sflag:$0x4], $0x2800, $0x38;
	[tilespmem:$0x1D800] =	vst v63  }
0x62: {  	_ =	swait.ge [sflag:s15], $0x2800  }
0x63: {  	s12 =	sld [smem:$0x7F5]  }
0x64: {  	[sflag:s15] =	ssyncset.done $0x0  }
0x65: {  	[sflag:s15] =	ssyncadd.s32 $0xFFFFD800  }
0x66: {  	[spmem:s12] =	stream.linear.scatter [tilespmem:s14], [sflag:$0x4], $0x2800, $0x38;
	[tilespmem:$0x1D800] =	vst v63  }
0x67: {  	_ =	swait.ge [sflag:s15], $0x2800  }
0x68: {  	[sflag:s15] =	ssyncset.done $0x0  }
0x69: {  	[sflag:s15] =	ssyncadd.s32 $0xFFFFD800  }
0x6a: {  	[bflag:$0x0] =	sbarrier.arrive $0xFFFF  }
0x6b: {  	s13 =	rddreg [dreg:$0x3]  }
0x6c: {  	s5 =	sadd.s32 $0x0, s13  }
0x6d: {  	[tilespmem:s3], [sflag:$0x4] =	stream.linear.gather [hbm4b:s5+s3], $0xC80, $0x38;
	[tilespmem:$0x1D800] =	vst v63  }
0x6e: {  	_ =	swait.ge [sflag:s15], $0xC80  }
0x6f: {  	s24 =	rddreg [dreg:$0x4];
	[sflag:s15] =	ssyncset.done $0x0  }
0x70: {  	[sflag:s15] =	ssyncadd.s32 $0xFFFFF380;
	s5 =	sadd.s32 $0x0, s24  }
0x71: {  	[tilespmem:s16], [sflag:$0x4] =	stream.linear.gather [hbm4b:s5+s3], $0xC80, $0x38;
	[tilespmem:$0x1D800] =	vst v63  }
0x72: {  	_ =	swait.ge [sflag:s15], $0xC80  }
0x73: {  	[sflag:s15] =	ssyncset.done $0x0  }
0x74: {  	[sflag:s15] =	ssyncadd.s32 $0xFFFFF380  }
0x75: {  	[tilespmem:s14], [sflag:$0x1] =	stream.indirect.gather [hbm4b:s4+s17], $0x80, s3, s17, $0xb8;
	[tilespmem:$0x1D800] =	vst v63  }
0x76: {  	s12 =	rddreg [dreg:$0x5]  }
0x77: {  	[tilespmem:s18], [sflag:$0x2] =	stream.indirect.gather [hbm4b:s4+s17], $0x80, s12, s17, $0xb8;
	[tilespmem:$0x1D800] =	vst v63  }
0x78: {  	_ =	swait.ge [sflag:s19], $0x2800  }
0x79: {  	[sflag:s19] =	ssyncset.done $0x0  }
0x7a: {  	s13 =	rddreg [dreg:$0x6];
	[sflag:s19] =	ssyncadd.s32 $0xFFFFD800  }
0x7b: {  	[tilespmem:s20], [sflag:$0x3] =	stream.indirect.gather [hbm4b:s4+s17], $0x80, s13, s17, $0xb8;
	[tilespmem:$0x1D800] =	vst v63  }
0x7c: {  	_ = 	snop  }
0x7d: {  	[spmem:s2] =	stream.indirect.scatter.add.f32 [tilespmem:s14], [sflag:$0x4], $0x80, s16, s17, $0xb8;
	[tilespmem:$0x1D800] =	vst v63  }
0x7e: {  	_ =	swait.ge [sflag:s15], $0x2800  }
0x7f: {  	[sflag:s15] =	ssyncset.done $0x0  }
0x80: {  	[sflag:s15] =	ssyncadd.s32 $0xFFFFD800  }
0x81: {  	_ =	swait.ge [sflag:s21], $0x2800  }
0x82: {  	[sflag:s21] =	ssyncset.done $0x0  }
0x83: {  	s24 =	rddreg [dreg:$0x7];
	[sflag:s21] =	ssyncadd.s32 $0xFFFFD800  }
0x84: {  	[tilespmem:s14], [sflag:$0x1] =	stream.indirect.gather [hbm4b:s4+s17], $0x80, s24, s17, $0xb8;
	[tilespmem:$0x1D800] =	vst v63  }
0x85: {  	s12 =	rddreg [dreg:$0x8]  }
0x86: {  	[spmem:s2] =	stream.indirect.scatter.add.f32 [tilespmem:s18], [sflag:$0x4], $0x80, s12, s17, $0xb8;
	[tilespmem:$0x1D800] =	vst v63  }
0x87: {  	_ =	swait.ge [sflag:s15], $0x2800  }
0x88: {  	[sflag:s15] =	ssyncset.done $0x0  }
0x89: {  	[sflag:s15] =	ssyncadd.s32 $0xFFFFD800  }
0x8a: {  	_ =	swait.ge [sflag:s22], $0x2800  }
0x8b: {  	[sflag:s22] =	ssyncset.done $0x0  }
0x8c: {  	s24 =	rddreg [dreg:$0x9];
	[sflag:s22] =	ssyncadd.s32 $0xFFFFD800  }
0x8d: {  	[tilespmem:s18], [sflag:$0x2] =	stream.indirect.gather [hbm4b:s4+s17], $0x80, s24, s17, $0xb8;
	[tilespmem:$0x1D800] =	vst v63  }
0x8e: {  	s12 =	rddreg [dreg:$0xa]  }
0x8f: {  	[spmem:s2] =	stream.indirect.scatter.add.f32 [tilespmem:s20], [sflag:$0x4], $0x80, s12, s17, $0xb8;
	[tilespmem:$0x1D800] =	vst v63  }
0x90: {  	_ =	swait.ge [sflag:s15], $0x2800  }
0x91: {  	[sflag:s15] =	ssyncset.done $0x0  }
0x92: {  	[sflag:s15] =	ssyncadd.s32 $0xFFFFD800  }
0x93: {  	_ =	swait.ge [sflag:s19], $0x2800  }
0x94: {  	[sflag:s19] =	ssyncset.done $0x0  }
0x95: {  	s24 =	rddreg [dreg:$0xb];
	[sflag:s19] =	ssyncadd.s32 $0xFFFFD800  }
0x96: {  	[tilespmem:s20], [sflag:$0x3] =	stream.indirect.gather [hbm4b:s4+s17], $0x80, s24, s17, $0xb8;
	[tilespmem:$0x1D800] =	vst v63  }
0x97: {  	s12 =	rddreg [dreg:$0xc]  }
0x98: {  	[spmem:s2] =	stream.indirect.scatter.add.f32 [tilespmem:s14], [sflag:$0x4], $0x80, s12, s17, $0xb8;
	[tilespmem:$0x1D800] =	vst v63  }
0x99: {  	_ =	swait.ge [sflag:s15], $0x2800  }
0x9a: {  	[sflag:s15] =	ssyncset.done $0x0  }
0x9b: {  	[sflag:s15] =	ssyncadd.s32 $0xFFFFD800  }
0x9c: {  	_ =	swait.ge [sflag:s21], $0x2800  }
0x9d: {  	[sflag:s21] =	ssyncset.done $0x0  }
0x9e: {  	s24 =	rddreg [dreg:$0xd];
	[sflag:s21] =	ssyncadd.s32 $0xFFFFD800  }
0x9f: {  	[tilespmem:s14], [sflag:$0x1] =	stream.indirect.gather [hbm4b:s4+s17], $0x80, s24, s17, $0xb8;
	[tilespmem:$0x1D800] =	vst v63  }
0xa0: {  	s12 =	rddreg [dreg:$0xe]  }
0xa1: {  	[spmem:s2] =	stream.indirect.scatter.add.f32 [tilespmem:s18], [sflag:$0x4], $0x80, s12, s17, $0xb8;
	[tilespmem:$0x1D800] =	vst v63  }
0xa2: {  	_ =	swait.ge [sflag:s15], $0x2800  }
0xa3: {  	[sflag:s15] =	ssyncset.done $0x0  }
0xa4: {  	[sflag:s15] =	ssyncadd.s32 $0xFFFFD800  }
0xa5: {  	_ =	swait.ge [sflag:s22], $0x2800  }
0xa6: {  	[sflag:s22] =	ssyncset.done $0x0  }
0xa7: {  	s24 =	rddreg [dreg:$0xf];
	[sflag:s22] =	ssyncadd.s32 $0xFFFFD800  }
0xa8: {  	[tilespmem:s18], [sflag:$0x2] =	stream.indirect.gather [hbm4b:s4+s17], $0x80, s24, s17, $0xb8;
	[tilespmem:$0x1D800] =	vst v63  }
0xa9: {  	s12 =	rddreg [dreg:$0x10]  }
0xaa: {  	[spmem:s2] =	stream.indirect.scatter.add.f32 [tilespmem:s20], [sflag:$0x4], $0x80, s12, s17, $0xb8;
	[tilespmem:$0x1D800] =	vst v63  }
0xab: {  	_ =	swait.ge [sflag:s15], $0x2800  }
0xac: {  	[sflag:s15] =	ssyncset.done $0x0  }
0xad: {  	[sflag:s15] =	ssyncadd.s32 $0xFFFFD800  }
0xae: {  	_ =	swait.ge [sflag:s19], $0x2800  }
0xaf: {  	[sflag:s19] =	ssyncset.done $0x0  }
0xb0: {  	s24 =	rddreg [dreg:$0x11];
	[sflag:s19] =	ssyncadd.s32 $0xFFFFD800  }
0xb1: {  	[tilespmem:s20], [sflag:$0x3] =	stream.indirect.gather [hbm4b:s4+s17], $0x80, s24, s17, $0xb8;
	[tilespmem:$0x1D800] =	vst v63  }
0xb2: {  	s12 =	rddreg [dreg:$0x12]  }
0xb3: {  	[spmem:s2] =	stream.indirect.scatter.add.f32 [tilespmem:s14], [sflag:$0x4], $0x80, s12, s17, $0xb8;
	[tilespmem:$0x1D800] =	vst v63  }
0xb4: {  	_ =	swait.ge [sflag:s15], $0x2800  }
0xb5: {  	[sflag:s15] =	ssyncset.done $0x0  }
0xb6: {  	[sflag:s15] =	ssyncadd.s32 $0xFFFFD800  }
0xb7: {  	_ =	swait.ge [sflag:s21], $0x2800  }
0xb8: {  	[sflag:s21] =	ssyncset.done $0x0  }
0xb9: {  	s24 =	rddreg [dreg:$0x13];
	[sflag:s21] =	ssyncadd.s32 $0xFFFFD800  }
0xba: {  	[tilespmem:s14], [sflag:$0x1] =	stream.indirect.gather [hbm4b:s4+s17], $0x80, s24, s17, $0xb8;
	[tilespmem:$0x1D800] =	vst v63  }
0xbb: {  	s12 =	rddreg [dreg:$0x14]  }
0xbc: {  	[spmem:s2] =	stream.indirect.scatter.add.f32 [tilespmem:s18], [sflag:$0x4], $0x80, s12, s17, $0xb8;
	[tilespmem:$0x1D800] =	vst v63  }
0xbd: {  	_ =	swait.ge [sflag:s15], $0x2800  }
0xbe: {  	[sflag:s15] =	ssyncset.done $0x0  }
0xbf: {  	[sflag:s15] =	ssyncadd.s32 $0xFFFFD800  }
0xc0: {  	_ =	swait.ge [sflag:s22], $0x2800  }
0xc1: {  	[sflag:s22] =	ssyncset.done $0x0  }
0xc2: {  	s24 =	rddreg [dreg:$0x15];
	[sflag:s22] =	ssyncadd.s32 $0xFFFFD800  }
0xc3: {  	[tilespmem:s18], [sflag:$0x2] =	stream.indirect.gather [hbm4b:s4+s17], $0x80, s24, s17, $0xb8;
	[tilespmem:$0x1D800] =	vst v63  }
0xc4: {  	s12 =	rddreg [dreg:$0x16]  }
0xc5: {  	[spmem:s2] =	stream.indirect.scatter.add.f32 [tilespmem:s20], [sflag:$0x4], $0x80, s12, s17, $0xb8;
	[tilespmem:$0x1D800] =	vst v63  }
0xc6: {  	_ =	swait.ge [sflag:s15], $0x2800  }
0xc7: {  	[sflag:s15] =	ssyncset.done $0x0  }
0xc8: {  	[sflag:s15] =	ssyncadd.s32 $0xFFFFD800  }
0xc9: {  	_ =	swait.ge [sflag:s19], $0x2800  }
0xca: {  	[sflag:s19] =	ssyncset.done $0x0  }
0xcb: {  	s24 =	rddreg [dreg:$0x17];
	[sflag:s19] =	ssyncadd.s32 $0xFFFFD800  }
0xcc: {  	[tilespmem:s20], [sflag:$0x3] =	stream.indirect.gather [hbm4b:s4+s17], $0x80, s24, s17, $0xb8;
	[tilespmem:$0x1D800] =	vst v63  }
0xcd: {  	s12 =	rddreg [dreg:$0x18]  }
0xce: {  	[spmem:s2] =	stream.indirect.scatter.add.f32 [tilespmem:s14], [sflag:$0x4], $0x80, s12, s17, $0xb8;
	[tilespmem:$0x1D800] =	vst v63  }
0xcf: {  	_ =	swait.ge [sflag:s15], $0x2800  }
0xd0: {  	[sflag:s15] =	ssyncset.done $0x0  }
0xd1: {  	[sflag:s15] =	ssyncadd.s32 $0xFFFFD800  }
0xd2: {  	_ =	swait.ge [sflag:s21], $0x2800  }
0xd3: {  	[sflag:s21] =	ssyncset.done $0x0  }
0xd4: {  	s24 =	rddreg [dreg:$0x19];
	[sflag:s21] =	ssyncadd.s32 $0xFFFFD800  }
0xd5: {  	[tilespmem:s14], [sflag:$0x1] =	stream.indirect.gather [hbm4b:s4+s17], $0x80, s24, s17, $0xb8;
	[tilespmem:$0x1D800] =	vst v63  }
0xd6: {  	s12 =	rddreg [dreg:$0x1a]  }
0xd7: {  	[spmem:s2] =	stream.indirect.scatter.add.f32 [tilespmem:s18], [sflag:$0x4], $0x80, s12, s17, $0xb8;
	[tilespmem:$0x1D800] =	vst v63  }
0xd8: {  	_ =	swait.ge [sflag:s15], $0x2800  }
0xd9: {  	[sflag:s15] =	ssyncset.done $0x0  }
0xda: {  	[sflag:s15] =	ssyncadd.s32 $0xFFFFD800  }
0xdb: {  	_ =	swait.ge [sflag:s22], $0x2800  }
0xdc: {  	[sflag:s22] =	ssyncset.done $0x0  }
0xdd: {  	s24 =	rddreg [dreg:$0x1b];
	[sflag:s22] =	ssyncadd.s32 $0xFFFFD800  }
0xde: {  	[tilespmem:s18], [sflag:$0x2] =	stream.indirect.gather [hbm4b:s4+s17], $0x80, s24, s17, $0xb8;
	[tilespmem:$0x1D800] =	vst v63  }
0xdf: {  	s12 =	rddreg [dreg:$0x1c]  }
0xe0: {  	[spmem:s2] =	stream.indirect.scatter.add.f32 [tilespmem:s20], [sflag:$0x4], $0x80, s12, s17, $0xb8;
	[tilespmem:$0x1D800] =	vst v63  }
0xe1: {  	_ =	swait.ge [sflag:s15], $0x2800  }
0xe2: {  	[sflag:s15] =	ssyncset.done $0x0  }
0xe3: {  	[sflag:s15] =	ssyncadd.s32 $0xFFFFD800  }
0xe4: {  	_ =	swait.ge [sflag:s19], $0x2800  }
0xe5: {  	[sflag:s19] =	ssyncset.done $0x0  }
0xe6: {  	s24 =	rddreg [dreg:$0x1d];
	[sflag:s19] =	ssyncadd.s32 $0xFFFFD800  }
0xe7: {  	[tilespmem:s20], [sflag:$0x3] =	stream.indirect.gather [hbm4b:s4+s17], $0x80, s24, s17, $0xb8;
	[tilespmem:$0x1D800] =	vst v63  }
0xe8: {  	s12 =	rddreg [dreg:$0x1e]  }
0xe9: {  	[spmem:s2] =	stream.indirect.scatter.add.f32 [tilespmem:s14], [sflag:$0x4], $0x80, s12, s17, $0xb8;
	[tilespmem:$0x1D800] =	vst v63  }
0xea: {  	_ =	swait.ge [sflag:s15], $0x2800  }
0xeb: {  	[sflag:s15] =	ssyncset.done $0x0  }
0xec: {  	[sflag:s15] =	ssyncadd.s32 $0xFFFFD800  }
0xed: {  	_ =	swait.ge [sflag:s21], $0x2800  }
0xee: {  	s24 =	rddreg [dreg:$0x1f];
	[sflag:s21] =	ssyncset.done $0x0  }
0xef: {  	s12 =	sld [smem:$0x7F7];
	[sflag:s21] =	ssyncadd.s32 $0xFFFFD800  }
0xf0: {  	[tilespmem:s14], [sflag:$0x1] =	stream.indirect.gather [hbm4b:s4+s17], $0x80, s24, s17, $0xb8;
	[tilespmem:$0x1D800] =	vst v63  }
0xf1: {  	_ = 	snop  }
0xf2: {  	[spmem:s2] =	stream.indirect.scatter.add.f32 [tilespmem:s18], [sflag:$0x4], $0x80, s12, s17, $0xb8;
	[tilespmem:$0x1D800] =	vst v63  }
0xf3: {  	_ =	swait.ge [sflag:s15], $0x2800  }
0xf4: {  	[sflag:s15] =	ssyncset.done $0x0  }
0xf5: {  	[sflag:s15] =	ssyncadd.s32 $0xFFFFD800  }
0xf6: {  	_ =	swait.ge [sflag:s22], $0x2800  }
0xf7: {  	s24 =	sld [smem:$0x7F8]  }
0xf8: {  	[sflag:s22] =	ssyncset.done $0x0  }
0xf9: {  	s12 =	sld [smem:$0x7F9];
	[sflag:s22] =	ssyncadd.s32 $0xFFFFD800  }
0xfa: {  	[tilespmem:s18], [sflag:$0x2] =	stream.indirect.gather [hbm4b:s4+s17], $0x80, s24, s17, $0xb8;
	[tilespmem:$0x1D800] =	vst v63  }
0xfb: {  	_ = 	snop  }
0xfc: {  	[spmem:s2] =	stream.indirect.scatter.add.f32 [tilespmem:s20], [sflag:$0x4], $0x80, s12, s17, $0xb8;
	[tilespmem:$0x1D800] =	vst v63  }
0xfd: {  	_ =	swait.ge [sflag:s15], $0x2800  }
0xfe: {  	[sflag:s15] =	ssyncset.done $0x0  }
0xff: {  	[sflag:s15] =	ssyncadd.s32 $0xFFFFD800  }
0x100: {  	_ =	swait.ge [sflag:s19], $0x2800  }
0x101: {  	s24 =	sld [smem:$0x7FA]  }
0x102: {  	[sflag:s19] =	ssyncset.done $0x0  }
0x103: {  	s12 =	sld [smem:$0x7FB];
	[sflag:s19] =	ssyncadd.s32 $0xFFFFD800  }
0x104: {  	[tilespmem:s20], [sflag:$0x3] =	stream.indirect.gather [hbm4b:s4+s17], $0x80, s24, s17, $0xb8;
	[tilespmem:$0x1D800] =	vst v63  }
0x105: {  	_ = 	snop  }
0x106: {  	[spmem:s2] =	stream.indirect.scatter.add.f32 [tilespmem:s14], [sflag:$0x4], $0x80, s12, s17, $0xb8;
	[tilespmem:$0x1D800] =	vst v63  }
0x107: {  	_ =	swait.ge [sflag:s15], $0x2800  }
0x108: {  	[sflag:s15] =	ssyncset.done $0x0  }
0x109: {  	[sflag:s15] =	ssyncadd.s32 $0xFFFFD800  }
0x10a: {  	_ =	swait.ge [sflag:s21], $0x2800  }
0x10b: {  	s24 =	sld [smem:$0x7FC]  }
0x10c: {  	[sflag:s21] =	ssyncset.done $0x0  }
0x10d: {  	[sflag:s21] =	ssyncadd.s32 $0xFFFFD800  }
0x10e: {  	[tilespmem:s14], [sflag:$0x1] =	stream.indirect.gather [hbm4b:s4+s17], $0x80, s24, s17, $0xb8;
	[tilespmem:$0x1D800] =	vst v63  }
0x10f: {  	_ = 	snop  }
0x110: {  	[spmem:s2] =	stream.indirect.scatter.add.f32 [tilespmem:s18], [sflag:$0x4], $0x80, s23, s17, $0xb8;
	[tilespmem:$0x1D800] =	vst v63  }
0x111: {  	_ =	swait.ge [sflag:s15], $0x2800  }
0x112: {  	[sflag:s15] =	ssyncset.done $0x0  }
0x113: {  	[sflag:s15] =	ssyncadd.s32 $0xFFFFD800  }
0x114: {  	_ =	swait.ge [sflag:s22], $0x2800  }
0x115: {  	[sflag:s22] =	ssyncset.done $0x0  }
0x116: {  	[sflag:s22] =	ssyncadd.s32 $0xFFFFD800  }
0x117: {  	[tilespmem:s18], [sflag:$0x2] =	stream.indirect.gather [hbm4b:s4+s17], $0x80, s25, s17, $0xb8;
	[tilespmem:$0x1D800] =	vst v63  }
0x118: {  	_ = 	snop  }
0x119: {  	[spmem:s2] =	stream.indirect.scatter.add.f32 [tilespmem:s20], [sflag:$0x4], $0x80, s26, s17, $0xb8;
	[tilespmem:$0x1D800] =	vst v63  }
0x11a: {  	_ =	swait.ge [sflag:s15], $0x2800  }
0x11b: {  	[sflag:s15] =	ssyncset.done $0x0  }
0x11c: {  	[sflag:s15] =	ssyncadd.s32 $0xFFFFD800  }
0x11d: {  	_ =	swait.ge [sflag:s19], $0x2800  }
0x11e: {  	[sflag:s19] =	ssyncset.done $0x0  }
0x11f: {  	[sflag:s19] =	ssyncadd.s32 $0xFFFFD800  }
0x120: {  	[tilespmem:s20], [sflag:$0x3] =	stream.indirect.gather [hbm4b:s4+s17], $0x80, s28, s17, $0xb8;
	[tilespmem:$0x1D800] =	vst v63  }
0x121: {  	_ = 	snop  }
0x122: {  	[spmem:s2] =	stream.indirect.scatter.add.f32 [tilespmem:s14], [sflag:$0x4], $0x80, s29, s17, $0xb8;
	[tilespmem:$0x1D800] =	vst v63  }
0x123: {  	_ =	swait.ge [sflag:s15], $0x2800  }
0x124: {  	[sflag:s15] =	ssyncset.done $0x0  }
0x125: {  	[sflag:s15] =	ssyncadd.s32 $0xFFFFD800  }
0x126: {  	_ =	swait.ge [sflag:s21], $0x2800  }
0x127: {  	[sflag:s21] =	ssyncset.done $0x0  }
0x128: {  	[sflag:s21] =	ssyncadd.s32 $0xFFFFD800  }
0x129: {  	[tilespmem:s14], [sflag:$0x1] =	stream.indirect.gather [hbm4b:s4+s17], $0x80, s30, s17, $0xb8;
	[tilespmem:$0x1D800] =	vst v63  }
0x12a: {  	_ = 	snop  }
0x12b: {  	[spmem:s2] =	stream.indirect.scatter.add.f32 [tilespmem:s18], [sflag:$0x4], $0x80, s31, s17, $0xb8;
	[tilespmem:$0x1D800] =	vst v63  }
0x12c: {  	_ =	swait.ge [sflag:s15], $0x2800  }
0x12d: {  	[sflag:s15] =	ssyncset.done $0x0  }
0x12e: {  	[sflag:s15] =	ssyncadd.s32 $0xFFFFD800  }
0x12f: {  	_ =	swait.ge [sflag:s22], $0x2800  }
0x130: {  	[sflag:s22] =	ssyncset.done $0x0  }
0x131: {  	[sflag:s22] =	ssyncadd.s32 $0xFFFFD800  }
0x132: {  	[tilespmem:s18], [sflag:$0x2] =	stream.indirect.gather [hbm4b:s4+s17], $0x80, s1, s17, $0xb8;
	[tilespmem:$0x1D800] =	vst v63  }
0x133: {  	_ = 	snop  }
0x134: {  	[spmem:s2] =	stream.indirect.scatter.add.f32 [tilespmem:s20], [sflag:$0x4], $0x80, s0, s17, $0xb8;
	[tilespmem:$0x1D800] =	vst v63  }
0x135: {  	_ =	swait.ge [sflag:s15], $0x2800  }
0x136: {  	[sflag:s15] =	ssyncset.done $0x0  }
0x137: {  	[sflag:s15] =	ssyncadd.s32 $0xFFFFD800  }
0x138: {  	_ =	swait.ge [sflag:s19], $0x2800  }
0x139: {  	[sflag:s19] =	ssyncset.done $0x0  }
0x13a: {  	[sflag:s19] =	ssyncadd.s32 $0xFFFFD800  }
0x13b: {  	[tilespmem:s20], [sflag:$0x3] =	stream.indirect.gather [hbm4b:s4+s17], $0x80, s6, s17, $0xb8;
	[tilespmem:$0x1D800] =	vst v63  }
0x13c: {  	_ = 	snop  }
0x13d: {  	[spmem:s2] =	stream.indirect.scatter.add.f32 [tilespmem:s14], [sflag:$0x4], $0x80, s7, s17, $0xb8;
	[tilespmem:$0x1D800] =	vst v63  }
0x13e: {  	_ =	swait.ge [sflag:s15], $0x2800  }
0x13f: {  	[sflag:s15] =	ssyncset.done $0x0  }
0x140: {  	[sflag:s15] =	ssyncadd.s32 $0xFFFFD800  }
0x141: {  	_ =	swait.ge [sflag:s21], $0x2800  }
0x142: {  	[sflag:s21] =	ssyncset.done $0x0  }
0x143: {  	[sflag:s21] =	ssyncadd.s32 $0xFFFFD800  }
0x144: {  	[tilespmem:s14], [sflag:$0x1] =	stream.indirect.gather [hbm4b:s4+s17], $0x80, s8, s17, $0xb8;
	[tilespmem:$0x1D800] =	vst v63  }
0x145: {  	_ = 	snop  }
0x146: {  	[spmem:s2] =	stream.indirect.scatter.add.f32 [tilespmem:s18], [sflag:$0x4], $0x80, s9, s17, $0xb8;
	[tilespmem:$0x1D800] =	vst v63  }
0x147: {  	_ =	swait.ge [sflag:s15], $0x2800  }
0x148: {  	[sflag:s15] =	ssyncset.done $0x0  }
0x149: {  	[sflag:s15] =	ssyncadd.s32 $0xFFFFD800  }
0x14a: {  	_ =	swait.ge [sflag:s22], $0x2800  }
0x14b: {  	[sflag:s22] =	ssyncset.done $0x0  }
0x14c: {  	[sflag:s22] =	ssyncadd.s32 $0xFFFFD800  }
0x14d: {  	[spmem:s2] =	stream.indirect.scatter.add.f32 [tilespmem:s20], [sflag:$0x4], $0x80, s10, s17, $0xb8;
	[tilespmem:$0x1D800] =	vst v63  }
0x14e: {  	_ =	swait.ge [sflag:s15], $0x2800  }
0x14f: {  	[sflag:s15] =	ssyncset.done $0x0  }
0x150: {  	[sflag:s15] =	ssyncadd.s32 $0xFFFFD800  }
0x151: {  	_ =	swait.ge [sflag:s19], $0x2800  }
0x152: {  	[sflag:s19] =	ssyncset.done $0x0  }
0x153: {  	[sflag:s19] =	ssyncadd.s32 $0xFFFFD800  }
0x154: {  	[spmem:s2] =	stream.indirect.scatter.add.f32 [tilespmem:s14], [sflag:$0x4], $0x80, s11, s17, $0xb8;
	[tilespmem:$0x1D800] =	vst v63  }
0x155: {  	s13 =	simm.s32 $0x200;
	_ =	swait.ge [sflag:s15], $0x2800  }
0x156: {  	s24 =	simm.s32 $0x400;
	s5 =	rddreg [dreg:$0x3];
	[sflag:s15] =	ssyncset.done $0x0  }
.LBB2_4:
0x157: {  	[sflag:s15] =	ssyncadd.s32 $0xFFFFD800;
	s5 =	sadd.s32 s13, s5  }
0x158: {  	[tilespmem:s3], [sflag:$0x4] =	stream.linear.gather [hbm4b:s5+s3], $0xC80, $0x38;
	[tilespmem:$0x1D800] =	vst v63  }
0x159: {  	_ =	swait.ge [sflag:s15], $0xC80  }
0x15a: {  	s5 =	rddreg [dreg:$0x4];
	[sflag:s15] =	ssyncset.done $0x0  }
0x15b: {  	[sflag:s15] =	ssyncadd.s32 $0xFFFFF380;
	s5 =	sadd.s32 s13, s5  }
0x15c: {  	[tilespmem:s16], [sflag:$0x4] =	stream.linear.gather [hbm4b:s5+s3], $0xC80, $0x38;
	[tilespmem:$0x1D800] =	vst v63  }
0x15d: {  	_ =	swait.ge [sflag:s15], $0xC80  }
0x15e: {  	[sflag:s15] =	ssyncset.done $0x0  }
0x15f: {  	s12 =	smov.u32 s24;
	[sflag:s15] =	ssyncadd.s32 $0xFFFFF380  }
0x160: {  	[tilespmem:s14], [sflag:$0x1] =	stream.indirect.gather [hbm4b:s4+s17], $0x80, s3, s17, $0xb8;
	[tilespmem:$0x1D800] =	vst v63  }
0x161: {  	s13 =	smov.u32 s12;
	s12 =	rddreg [dreg:$0x5]  }
0x162: {  	[tilespmem:s18], [sflag:$0x2] =	stream.indirect.gather [hbm4b:s4+s17], $0x80, s12, s17, $0xb8;
	[tilespmem:$0x1D800] =	vst v63  }
0x163: {  	_ =	swait.ge [sflag:s19], $0x2800  }
0x164: {  	[sflag:s19] =	ssyncset.done $0x0  }
0x165: {  	s12 =	rddreg [dreg:$0x6];
	[sflag:s19] =	ssyncadd.s32 $0xFFFFD800  }
0x166: {  	[tilespmem:s20], [sflag:$0x3] =	stream.indirect.gather [hbm4b:s4+s17], $0x80, s12, s17, $0xb8;
	[tilespmem:$0x1D800] =	vst v63  }
0x167: {  	_ = 	snop  }
0x168: {  	[spmem:s2] =	stream.indirect.scatter.add.f32 [tilespmem:s14], [sflag:$0x4], $0x80, s16, s17, $0xb8;
	[tilespmem:$0x1D800] =	vst v63  }
0x169: {  	_ =	swait.ge [sflag:s15], $0x2800  }
0x16a: {  	[sflag:s15] =	ssyncset.done $0x0  }
0x16b: {  	[sflag:s15] =	ssyncadd.s32 $0xFFFFD800  }
0x16c: {  	_ =	swait.ge [sflag:s21], $0x2800  }
0x16d: {  	[sflag:s21] =	ssyncset.done $0x0  }
0x16e: {  	s5 =	rddreg [dreg:$0x7];
	[sflag:s21] =	ssyncadd.s32 $0xFFFFD800  }
0x16f: {  	[tilespmem:s14], [sflag:$0x1] =	stream.indirect.gather [hbm4b:s4+s17], $0x80, s5, s17, $0xb8;
	[tilespmem:$0x1D800] =	vst v63  }
0x170: {  	s12 =	rddreg [dreg:$0x8]  }
0x171: {  	[spmem:s2] =	stream.indirect.scatter.add.f32 [tilespmem:s18], [sflag:$0x4], $0x80, s12, s17, $0xb8;
	[tilespmem:$0x1D800] =	vst v63  }
0x172: {  	_ =	swait.ge [sflag:s15], $0x2800  }
0x173: {  	[sflag:s15] =	ssyncset.done $0x0  }
0x174: {  	[sflag:s15] =	ssyncadd.s32 $0xFFFFD800  }
0x175: {  	_ =	swait.ge [sflag:s22], $0x2800  }
0x176: {  	[sflag:s22] =	ssyncset.done $0x0  }
0x177: {  	s5 =	rddreg [dreg:$0x9];
	[sflag:s22] =	ssyncadd.s32 $0xFFFFD800  }
0x178: {  	[tilespmem:s18], [sflag:$0x2] =	stream.indirect.gather [hbm4b:s4+s17], $0x80, s5, s17, $0xb8;
	[tilespmem:$0x1D800] =	vst v63  }
0x179: {  	s12 =	rddreg [dreg:$0xa]  }
0x17a: {  	[spmem:s2] =	stream.indirect.scatter.add.f32 [tilespmem:s20], [sflag:$0x4], $0x80, s12, s17, $0xb8;
	[tilespmem:$0x1D800] =	vst v63  }
0x17b: {  	_ =	swait.ge [sflag:s15], $0x2800  }
0x17c: {  	[sflag:s15] =	ssyncset.done $0x0  }
0x17d: {  	[sflag:s15] =	ssyncadd.s32 $0xFFFFD800  }
0x17e: {  	_ =	swait.ge [sflag:s19], $0x2800  }
0x17f: {  	[sflag:s19] =	ssyncset.done $0x0  }
0x180: {  	s5 =	rddreg [dreg:$0xb];
	[sflag:s19] =	ssyncadd.s32 $0xFFFFD800  }
0x181: {  	[tilespmem:s20], [sflag:$0x3] =	stream.indirect.gather [hbm4b:s4+s17], $0x80, s5, s17, $0xb8;
	[tilespmem:$0x1D800] =	vst v63  }
0x182: {  	s12 =	rddreg [dreg:$0xc]  }
0x183: {  	[spmem:s2] =	stream.indirect.scatter.add.f32 [tilespmem:s14], [sflag:$0x4], $0x80, s12, s17, $0xb8;
	[tilespmem:$0x1D800] =	vst v63  }
0x184: {  	_ =	swait.ge [sflag:s15], $0x2800  }
0x185: {  	[sflag:s15] =	ssyncset.done $0x0  }
0x186: {  	[sflag:s15] =	ssyncadd.s32 $0xFFFFD800  }
0x187: {  	_ =	swait.ge [sflag:s21], $0x2800  }
0x188: {  	[sflag:s21] =	ssyncset.done $0x0  }
0x189: {  	s5 =	rddreg [dreg:$0xd];
	[sflag:s21] =	ssyncadd.s32 $0xFFFFD800  }
0x18a: {  	[tilespmem:s14], [sflag:$0x1] =	stream.indirect.gather [hbm4b:s4+s17], $0x80, s5, s17, $0xb8;
	[tilespmem:$0x1D800] =	vst v63  }
0x18b: {  	s12 =	rddreg [dreg:$0xe]  }
0x18c: {  	[spmem:s2] =	stream.indirect.scatter.add.f32 [tilespmem:s18], [sflag:$0x4], $0x80, s12, s17, $0xb8;
	[tilespmem:$0x1D800] =	vst v63  }
0x18d: {  	_ =	swait.ge [sflag:s15], $0x2800  }
0x18e: {  	[sflag:s15] =	ssyncset.done $0x0  }
0x18f: {  	[sflag:s15] =	ssyncadd.s32 $0xFFFFD800  }
0x190: {  	_ =	swait.ge [sflag:s22], $0x2800  }
0x191: {  	[sflag:s22] =	ssyncset.done $0x0  }
0x192: {  	s5 =	rddreg [dreg:$0xf];
	[sflag:s22] =	ssyncadd.s32 $0xFFFFD800  }
0x193: {  	[tilespmem:s18], [sflag:$0x2] =	stream.indirect.gather [hbm4b:s4+s17], $0x80, s5, s17, $0xb8;
	[tilespmem:$0x1D800] =	vst v63  }
0x194: {  	s12 =	rddreg [dreg:$0x10]  }
0x195: {  	[spmem:s2] =	stream.indirect.scatter.add.f32 [tilespmem:s20], [sflag:$0x4], $0x80, s12, s17, $0xb8;
	[tilespmem:$0x1D800] =	vst v63  }
0x196: {  	_ =	swait.ge [sflag:s15], $0x2800  }
0x197: {  	[sflag:s15] =	ssyncset.done $0x0  }
0x198: {  	[sflag:s15] =	ssyncadd.s32 $0xFFFFD800  }
0x199: {  	_ =	swait.ge [sflag:s19], $0x2800  }
0x19a: {  	[sflag:s19] =	ssyncset.done $0x0  }
0x19b: {  	s5 =	rddreg [dreg:$0x11];
	[sflag:s19] =	ssyncadd.s32 $0xFFFFD800  }
0x19c: {  	[tilespmem:s20], [sflag:$0x3] =	stream.indirect.gather [hbm4b:s4+s17], $0x80, s5, s17, $0xb8;
	[tilespmem:$0x1D800] =	vst v63  }
0x19d: {  	s12 =	rddreg [dreg:$0x12]  }
0x19e: {  	[spmem:s2] =	stream.indirect.scatter.add.f32 [tilespmem:s14], [sflag:$0x4], $0x80, s12, s17, $0xb8;
	[tilespmem:$0x1D800] =	vst v63  }
0x19f: {  	_ =	swait.ge [sflag:s15], $0x2800  }
0x1a0: {  	[sflag:s15] =	ssyncset.done $0x0  }
0x1a1: {  	[sflag:s15] =	ssyncadd.s32 $0xFFFFD800  }
0x1a2: {  	_ =	swait.ge [sflag:s21], $0x2800  }
0x1a3: {  	[sflag:s21] =	ssyncset.done $0x0  }
0x1a4: {  	s5 =	rddreg [dreg:$0x13];
	[sflag:s21] =	ssyncadd.s32 $0xFFFFD800  }
0x1a5: {  	[tilespmem:s14], [sflag:$0x1] =	stream.indirect.gather [hbm4b:s4+s17], $0x80, s5, s17, $0xb8;
	[tilespmem:$0x1D800] =	vst v63  }
0x1a6: {  	s12 =	rddreg [dreg:$0x14]  }
0x1a7: {  	[spmem:s2] =	stream.indirect.scatter.add.f32 [tilespmem:s18], [sflag:$0x4], $0x80, s12, s17, $0xb8;
	[tilespmem:$0x1D800] =	vst v63  }
0x1a8: {  	_ =	swait.ge [sflag:s15], $0x2800  }
0x1a9: {  	[sflag:s15] =	ssyncset.done $0x0  }
0x1aa: {  	[sflag:s15] =	ssyncadd.s32 $0xFFFFD800  }
0x1ab: {  	_ =	swait.ge [sflag:s22], $0x2800  }
0x1ac: {  	[sflag:s22] =	ssyncset.done $0x0  }
0x1ad: {  	s5 =	rddreg [dreg:$0x15];
	[sflag:s22] =	ssyncadd.s32 $0xFFFFD800  }
0x1ae: {  	[tilespmem:s18], [sflag:$0x2] =	stream.indirect.gather [hbm4b:s4+s17], $0x80, s5, s17, $0xb8;
	[tilespmem:$0x1D800] =	vst v63  }
0x1af: {  	s12 =	rddreg [dreg:$0x16]  }
0x1b0: {  	[spmem:s2] =	stream.indirect.scatter.add.f32 [tilespmem:s20], [sflag:$0x4], $0x80, s12, s17, $0xb8;
	[tilespmem:$0x1D800] =	vst v63  }
0x1b1: {  	_ =	swait.ge [sflag:s15], $0x2800  }
0x1b2: {  	[sflag:s15] =	ssyncset.done $0x0  }
0x1b3: {  	[sflag:s15] =	ssyncadd.s32 $0xFFFFD800  }
0x1b4: {  	_ =	swait.ge [sflag:s19], $0x2800  }
0x1b5: {  	[sflag:s19] =	ssyncset.done $0x0  }
0x1b6: {  	s5 =	rddreg [dreg:$0x17];
	[sflag:s19] =	ssyncadd.s32 $0xFFFFD800  }
0x1b7: {  	[tilespmem:s20], [sflag:$0x3] =	stream.indirect.gather [hbm4b:s4+s17], $0x80, s5, s17, $0xb8;
	[tilespmem:$0x1D800] =	vst v63  }
0x1b8: {  	s12 =	rddreg [dreg:$0x18]  }
0x1b9: {  	[spmem:s2] =	stream.indirect.scatter.add.f32 [tilespmem:s14], [sflag:$0x4], $0x80, s12, s17, $0xb8;
	[tilespmem:$0x1D800] =	vst v63  }
0x1ba: {  	_ =	swait.ge [sflag:s15], $0x2800  }
0x1bb: {  	[sflag:s15] =	ssyncset.done $0x0  }
0x1bc: {  	[sflag:s15] =	ssyncadd.s32 $0xFFFFD800  }
0x1bd: {  	_ =	swait.ge [sflag:s21], $0x2800  }
0x1be: {  	[sflag:s21] =	ssyncset.done $0x0  }
0x1bf: {  	s5 =	rddreg [dreg:$0x19];
	[sflag:s21] =	ssyncadd.s32 $0xFFFFD800  }
0x1c0: {  	[tilespmem:s14], [sflag:$0x1] =	stream.indirect.gather [hbm4b:s4+s17], $0x80, s5, s17, $0xb8;
	[tilespmem:$0x1D800] =	vst v63  }
0x1c1: {  	s12 =	rddreg [dreg:$0x1a]  }
0x1c2: {  	[spmem:s2] =	stream.indirect.scatter.add.f32 [tilespmem:s18], [sflag:$0x4], $0x80, s12, s17, $0xb8;
	[tilespmem:$0x1D800] =	vst v63  }
0x1c3: {  	_ =	swait.ge [sflag:s15], $0x2800  }
0x1c4: {  	[sflag:s15] =	ssyncset.done $0x0  }
0x1c5: {  	[sflag:s15] =	ssyncadd.s32 $0xFFFFD800  }
0x1c6: {  	_ =	swait.ge [sflag:s22], $0x2800  }
0x1c7: {  	[sflag:s22] =	ssyncset.done $0x0  }
0x1c8: {  	s5 =	rddreg [dreg:$0x1b];
	[sflag:s22] =	ssyncadd.s32 $0xFFFFD800  }
0x1c9: {  	[tilespmem:s18], [sflag:$0x2] =	stream.indirect.gather [hbm4b:s4+s17], $0x80, s5, s17, $0xb8;
	[tilespmem:$0x1D800] =	vst v63  }
0x1ca: {  	s12 =	rddreg [dreg:$0x1c]  }
0x1cb: {  	[spmem:s2] =	stream.indirect.scatter.add.f32 [tilespmem:s20], [sflag:$0x4], $0x80, s12, s17, $0xb8;
	[tilespmem:$0x1D800] =	vst v63  }
0x1cc: {  	_ =	swait.ge [sflag:s15], $0x2800  }
0x1cd: {  	[sflag:s15] =	ssyncset.done $0x0  }
0x1ce: {  	[sflag:s15] =	ssyncadd.s32 $0xFFFFD800  }
0x1cf: {  	_ =	swait.ge [sflag:s19], $0x2800  }
0x1d0: {  	[sflag:s19] =	ssyncset.done $0x0  }
0x1d1: {  	s5 =	rddreg [dreg:$0x1d];
	[sflag:s19] =	ssyncadd.s32 $0xFFFFD800  }
0x1d2: {  	[tilespmem:s20], [sflag:$0x3] =	stream.indirect.gather [hbm4b:s4+s17], $0x80, s5, s17, $0xb8;
	[tilespmem:$0x1D800] =	vst v63  }
0x1d3: {  	s12 =	rddreg [dreg:$0x1e]  }
0x1d4: {  	[spmem:s2] =	stream.indirect.scatter.add.f32 [tilespmem:s14], [sflag:$0x4], $0x80, s12, s17, $0xb8;
	[tilespmem:$0x1D800] =	vst v63  }
0x1d5: {  	_ =	swait.ge [sflag:s15], $0x2800  }
0x1d6: {  	[sflag:s15] =	ssyncset.done $0x0  }
0x1d7: {  	[sflag:s15] =	ssyncadd.s32 $0xFFFFD800  }
0x1d8: {  	_ =	swait.ge [sflag:s21], $0x2800  }
0x1d9: {  	s5 =	rddreg [dreg:$0x1f];
	[sflag:s21] =	ssyncset.done $0x0  }
0x1da: {  	s12 =	sld [smem:$0x7F7];
	[sflag:s21] =	ssyncadd.s32 $0xFFFFD800  }
0x1db: {  	[tilespmem:s14], [sflag:$0x1] =	stream.indirect.gather [hbm4b:s4+s17], $0x80, s5, s17, $0xb8;
	[tilespmem:$0x1D800] =	vst v63  }
0x1dc: {  	_ = 	snop  }
0x1dd: {  	[spmem:s2] =	stream.indirect.scatter.add.f32 [tilespmem:s18], [sflag:$0x4], $0x80, s12, s17, $0xb8;
	[tilespmem:$0x1D800] =	vst v63  }
0x1de: {  	_ =	swait.ge [sflag:s15], $0x2800  }
0x1df: {  	[sflag:s15] =	ssyncset.done $0x0  }
0x1e0: {  	[sflag:s15] =	ssyncadd.s32 $0xFFFFD800  }
0x1e1: {  	_ =	swait.ge [sflag:s22], $0x2800  }
0x1e2: {  	s5 =	sld [smem:$0x7F8]  }
0x1e3: {  	[sflag:s22] =	ssyncset.done $0x0  }
0x1e4: {  	s12 =	sld [smem:$0x7F9];
	[sflag:s22] =	ssyncadd.s32 $0xFFFFD800  }
0x1e5: {  	[tilespmem:s18], [sflag:$0x2] =	stream.indirect.gather [hbm4b:s4+s17], $0x80, s5, s17, $0xb8;
	[tilespmem:$0x1D800] =	vst v63  }
0x1e6: {  	_ = 	snop  }
0x1e7: {  	[spmem:s2] =	stream.indirect.scatter.add.f32 [tilespmem:s20], [sflag:$0x4], $0x80, s12, s17, $0xb8;
	[tilespmem:$0x1D800] =	vst v63  }
0x1e8: {  	_ =	swait.ge [sflag:s15], $0x2800  }
0x1e9: {  	[sflag:s15] =	ssyncset.done $0x0  }
0x1ea: {  	[sflag:s15] =	ssyncadd.s32 $0xFFFFD800  }
0x1eb: {  	_ =	swait.ge [sflag:s19], $0x2800  }
0x1ec: {  	s5 =	sld [smem:$0x7FA]  }
0x1ed: {  	[sflag:s19] =	ssyncset.done $0x0  }
0x1ee: {  	s12 =	sld [smem:$0x7FB];
	[sflag:s19] =	ssyncadd.s32 $0xFFFFD800  }
0x1ef: {  	[tilespmem:s20], [sflag:$0x3] =	stream.indirect.gather [hbm4b:s4+s17], $0x80, s5, s17, $0xb8;
	[tilespmem:$0x1D800] =	vst v63  }
0x1f0: {  	_ = 	snop  }
0x1f1: {  	[spmem:s2] =	stream.indirect.scatter.add.f32 [tilespmem:s14], [sflag:$0x4], $0x80, s12, s17, $0xb8;
	[tilespmem:$0x1D800] =	vst v63  }
0x1f2: {  	_ =	swait.ge [sflag:s15], $0x2800  }
0x1f3: {  	[sflag:s15] =	ssyncset.done $0x0  }
0x1f4: {  	[sflag:s15] =	ssyncadd.s32 $0xFFFFD800  }
0x1f5: {  	_ =	swait.ge [sflag:s21], $0x2800  }
0x1f6: {  	s12 =	sld [smem:$0x7FC]  }
0x1f7: {  	[sflag:s21] =	ssyncset.done $0x0  }
0x1f8: {  	[sflag:s21] =	ssyncadd.s32 $0xFFFFD800  }
0x1f9: {  	[tilespmem:s14], [sflag:$0x1] =	stream.indirect.gather [hbm4b:s4+s17], $0x80, s12, s17, $0xb8;
	[tilespmem:$0x1D800] =	vst v63  }
0x1fa: {  	_ = 	snop  }
0x1fb: {  	[spmem:s2] =	stream.indirect.scatter.add.f32 [tilespmem:s18], [sflag:$0x4], $0x80, s23, s17, $0xb8;
	[tilespmem:$0x1D800] =	vst v63  }
0x1fc: {  	_ =	swait.ge [sflag:s15], $0x2800  }
0x1fd: {  	[sflag:s15] =	ssyncset.done $0x0  }
0x1fe: {  	[sflag:s15] =	ssyncadd.s32 $0xFFFFD800  }
0x1ff: {  	_ =	swait.ge [sflag:s22], $0x2800  }
0x200: {  	[sflag:s22] =	ssyncset.done $0x0  }
0x201: {  	[sflag:s22] =	ssyncadd.s32 $0xFFFFD800  }
0x202: {  	[tilespmem:s18], [sflag:$0x2] =	stream.indirect.gather [hbm4b:s4+s17], $0x80, s25, s17, $0xb8;
	[tilespmem:$0x1D800] =	vst v63  }
0x203: {  	_ = 	snop  }
0x204: {  	[spmem:s2] =	stream.indirect.scatter.add.f32 [tilespmem:s20], [sflag:$0x4], $0x80, s26, s17, $0xb8;
	[tilespmem:$0x1D800] =	vst v63  }
0x205: {  	_ =	swait.ge [sflag:s15], $0x2800  }
0x206: {  	[sflag:s15] =	ssyncset.done $0x0  }
0x207: {  	[sflag:s15] =	ssyncadd.s32 $0xFFFFD800  }
0x208: {  	_ =	swait.ge [sflag:s19], $0x2800  }
0x209: {  	[sflag:s19] =	ssyncset.done $0x0  }
0x20a: {  	[sflag:s19] =	ssyncadd.s32 $0xFFFFD800  }
0x20b: {  	[tilespmem:s20], [sflag:$0x3] =	stream.indirect.gather [hbm4b:s4+s17], $0x80, s28, s17, $0xb8;
	[tilespmem:$0x1D800] =	vst v63  }
0x20c: {  	_ = 	snop  }
0x20d: {  	[spmem:s2] =	stream.indirect.scatter.add.f32 [tilespmem:s14], [sflag:$0x4], $0x80, s29, s17, $0xb8;
	[tilespmem:$0x1D800] =	vst v63  }
0x20e: {  	_ =	swait.ge [sflag:s15], $0x2800  }
0x20f: {  	[sflag:s15] =	ssyncset.done $0x0  }
0x210: {  	[sflag:s15] =	ssyncadd.s32 $0xFFFFD800  }
0x211: {  	_ =	swait.ge [sflag:s21], $0x2800  }
0x212: {  	[sflag:s21] =	ssyncset.done $0x0  }
0x213: {  	[sflag:s21] =	ssyncadd.s32 $0xFFFFD800  }
0x214: {  	[tilespmem:s14], [sflag:$0x1] =	stream.indirect.gather [hbm4b:s4+s17], $0x80, s30, s17, $0xb8;
	[tilespmem:$0x1D800] =	vst v63  }
0x215: {  	_ = 	snop  }
0x216: {  	[spmem:s2] =	stream.indirect.scatter.add.f32 [tilespmem:s18], [sflag:$0x4], $0x80, s31, s17, $0xb8;
	[tilespmem:$0x1D800] =	vst v63  }
0x217: {  	_ =	swait.ge [sflag:s15], $0x2800  }
0x218: {  	[sflag:s15] =	ssyncset.done $0x0  }
0x219: {  	[sflag:s15] =	ssyncadd.s32 $0xFFFFD800  }
0x21a: {  	_ =	swait.ge [sflag:s22], $0x2800  }
0x21b: {  	[sflag:s22] =	ssyncset.done $0x0  }
0x21c: {  	[sflag:s22] =	ssyncadd.s32 $0xFFFFD800  }
0x21d: {  	[tilespmem:s18], [sflag:$0x2] =	stream.indirect.gather [hbm4b:s4+s17], $0x80, s1, s17, $0xb8;
	[tilespmem:$0x1D800] =	vst v63  }
0x21e: {  	_ = 	snop  }
0x21f: {  	[spmem:s2] =	stream.indirect.scatter.add.f32 [tilespmem:s20], [sflag:$0x4], $0x80, s0, s17, $0xb8;
	[tilespmem:$0x1D800] =	vst v63  }
0x220: {  	_ =	swait.ge [sflag:s15], $0x2800  }
0x221: {  	[sflag:s15] =	ssyncset.done $0x0  }
0x222: {  	[sflag:s15] =	ssyncadd.s32 $0xFFFFD800  }
0x223: {  	_ =	swait.ge [sflag:s19], $0x2800  }
0x224: {  	[sflag:s19] =	ssyncset.done $0x0  }
0x225: {  	[sflag:s19] =	ssyncadd.s32 $0xFFFFD800  }
0x226: {  	[tilespmem:s20], [sflag:$0x3] =	stream.indirect.gather [hbm4b:s4+s17], $0x80, s6, s17, $0xb8;
	[tilespmem:$0x1D800] =	vst v63  }
0x227: {  	_ = 	snop  }
0x228: {  	[spmem:s2] =	stream.indirect.scatter.add.f32 [tilespmem:s14], [sflag:$0x4], $0x80, s7, s17, $0xb8;
	[tilespmem:$0x1D800] =	vst v63  }
0x229: {  	_ =	swait.ge [sflag:s15], $0x2800  }
0x22a: {  	[sflag:s15] =	ssyncset.done $0x0  }
0x22b: {  	[sflag:s15] =	ssyncadd.s32 $0xFFFFD800  }
0x22c: {  	_ =	swait.ge [sflag:s21], $0x2800  }
0x22d: {  	[sflag:s21] =	ssyncset.done $0x0  }
0x22e: {  	[sflag:s21] =	ssyncadd.s32 $0xFFFFD800  }
0x22f: {  	[tilespmem:s14], [sflag:$0x1] =	stream.indirect.gather [hbm4b:s4+s17], $0x80, s8, s17, $0xb8;
	[tilespmem:$0x1D800] =	vst v63  }
0x230: {  	_ = 	snop  }
0x231: {  	[spmem:s2] =	stream.indirect.scatter.add.f32 [tilespmem:s18], [sflag:$0x4], $0x80, s9, s17, $0xb8;
	[tilespmem:$0x1D800] =	vst v63  }
0x232: {  	_ =	swait.ge [sflag:s15], $0x2800  }
0x233: {  	[sflag:s15] =	ssyncset.done $0x0  }
0x234: {  	[sflag:s15] =	ssyncadd.s32 $0xFFFFD800  }
0x235: {  	_ =	swait.ge [sflag:s22], $0x2800  }
0x236: {  	[sflag:s22] =	ssyncset.done $0x0  }
0x237: {  	[sflag:s22] =	ssyncadd.s32 $0xFFFFD800  }
0x238: {  	[spmem:s2] =	stream.indirect.scatter.add.f32 [tilespmem:s20], [sflag:$0x4], $0x80, s10, s17, $0xb8;
	[tilespmem:$0x1D800] =	vst v63  }
0x239: {  	_ =	swait.ge [sflag:s15], $0x2800  }
0x23a: {  	[sflag:s15] =	ssyncset.done $0x0  }
0x23b: {  	[sflag:s15] =	ssyncadd.s32 $0xFFFFD800  }
0x23c: {  	p0 =	sne.s32 s24, $0x800;
	_ =	swait.ge [sflag:s19], $0x2800  }
.Ltmp1:
0x23d: {  	[sflag:s19] =	ssyncset.done $0x0;
	(pc) =	sbr.rel @p0 .LBB2_4-.Ltmp1, $4  }
0x23e: {  	[sflag:s19] =	ssyncadd.s32 $0xFFFFD800  }
0x23f: {  	[spmem:s2] =	stream.indirect.scatter.add.f32 [tilespmem:s14], [sflag:$0x4], $0x80, s11, s17, $0xb8;
	[tilespmem:$0x1D800] =	vst v63  }
0x240: {  	_ =	swait.ge [sflag:s15], $0x2800  }
0x241: {  	s24 =	sadd.s32 $0x200, s24;
	s5 =	rddreg [dreg:$0x3];
	[sflag:s15] =	ssyncset.done $0x0  }
0x242: {  	[sflag:s15] =	ssyncadd.s32 $0xFFFFD800;
	s5 =	sadd.s32 s13, s5  }
0x243: {  	[tilespmem:s3], [sflag:$0x4] =	stream.linear.gather [hbm4b:s5+s3], $0xC80, $0x38;
	[tilespmem:$0x1D800] =	vst v63  }
0x244: {  	_ =	swait.ge [sflag:s15], $0xC80  }
0x245: {  	s24 =	rddreg [dreg:$0x4];
	[sflag:s15] =	ssyncset.done $0x0  }
0x246: {  	[sflag:s15] =	ssyncadd.s32 $0xFFFFF380;
	s5 =	sadd.s32 s13, s24  }
0x247: {  	[tilespmem:s16], [sflag:$0x4] =	stream.linear.gather [hbm4b:s5+s3], $0xC80, $0x38;
	[tilespmem:$0x1D800] =	vst v63  }
0x248: {  	_ =	swait.ge [sflag:s15], $0xC80  }
0x249: {  	[sflag:s15] =	ssyncset.done $0x0  }
0x24a: {  	[sflag:s15] =	ssyncadd.s32 $0xFFFFF380  }
0x24b: {  	[tilespmem:s14], [sflag:$0x1] =	stream.indirect.gather [hbm4b:s4+s17], $0x80, s3, s17, $0xb8;
	[tilespmem:$0x1D800] =	vst v63  }
0x24c: {  	s12 =	rddreg [dreg:$0x5]  }
0x24d: {  	[tilespmem:s18], [sflag:$0x2] =	stream.indirect.gather [hbm4b:s4+s17], $0x80, s12, s17, $0xb8;
	[tilespmem:$0x1D800] =	vst v63  }
0x24e: {  	_ =	swait.ge [sflag:s19], $0x2800  }
0x24f: {  	[sflag:s19] =	ssyncset.done $0x0  }
0x250: {  	s13 =	rddreg [dreg:$0x6];
	[sflag:s19] =	ssyncadd.s32 $0xFFFFD800  }
0x251: {  	[tilespmem:s20], [sflag:$0x3] =	stream.indirect.gather [hbm4b:s4+s17], $0x80, s13, s17, $0xb8;
	[tilespmem:$0x1D800] =	vst v63  }
0x252: {  	_ = 	snop  }
0x253: {  	[spmem:s2] =	stream.indirect.scatter.add.f32 [tilespmem:s14], [sflag:$0x4], $0x80, s16, s17, $0xb8;
	[tilespmem:$0x1D800] =	vst v63  }
0x254: {  	_ =	swait.ge [sflag:s15], $0x2800  }
0x255: {  	[sflag:s15] =	ssyncset.done $0x0  }
0x256: {  	[sflag:s15] =	ssyncadd.s32 $0xFFFFD800  }
0x257: {  	_ =	swait.ge [sflag:s21], $0x2800  }
0x258: {  	[sflag:s21] =	ssyncset.done $0x0  }
0x259: {  	s24 =	rddreg [dreg:$0x7];
	[sflag:s21] =	ssyncadd.s32 $0xFFFFD800  }
0x25a: {  	[tilespmem:s14], [sflag:$0x1] =	stream.indirect.gather [hbm4b:s4+s17], $0x80, s24, s17, $0xb8;
	[tilespmem:$0x1D800] =	vst v63  }
0x25b: {  	s12 =	rddreg [dreg:$0x8]  }
0x25c: {  	[spmem:s2] =	stream.indirect.scatter.add.f32 [tilespmem:s18], [sflag:$0x4], $0x80, s12, s17, $0xb8;
	[tilespmem:$0x1D800] =	vst v63  }
0x25d: {  	_ =	swait.ge [sflag:s15], $0x2800  }
0x25e: {  	[sflag:s15] =	ssyncset.done $0x0  }
0x25f: {  	[sflag:s15] =	ssyncadd.s32 $0xFFFFD800  }
0x260: {  	_ =	swait.ge [sflag:s22], $0x2800  }
0x261: {  	[sflag:s22] =	ssyncset.done $0x0  }
0x262: {  	s13 =	rddreg [dreg:$0x9];
	[sflag:s22] =	ssyncadd.s32 $0xFFFFD800  }
0x263: {  	[tilespmem:s18], [sflag:$0x2] =	stream.indirect.gather [hbm4b:s4+s17], $0x80, s13, s17, $0xb8;
	[tilespmem:$0x1D800] =	vst v63  }
0x264: {  	s24 =	rddreg [dreg:$0xa]  }
0x265: {  	[spmem:s2] =	stream.indirect.scatter.add.f32 [tilespmem:s20], [sflag:$0x4], $0x80, s24, s17, $0xb8;
	[tilespmem:$0x1D800] =	vst v63  }
0x266: {  	_ =	swait.ge [sflag:s15], $0x2800  }
0x267: {  	[sflag:s15] =	ssyncset.done $0x0  }
0x268: {  	[sflag:s15] =	ssyncadd.s32 $0xFFFFD800  }
0x269: {  	_ =	swait.ge [sflag:s19], $0x2800  }
0x26a: {  	[sflag:s19] =	ssyncset.done $0x0  }
0x26b: {  	s13 =	rddreg [dreg:$0xb];
	[sflag:s19] =	ssyncadd.s32 $0xFFFFD800  }
0x26c: {  	[tilespmem:s20], [sflag:$0x3] =	stream.indirect.gather [hbm4b:s4+s17], $0x80, s13, s17, $0xb8;
	[tilespmem:$0x1D800] =	vst v63  }
0x26d: {  	s24 =	rddreg [dreg:$0xc]  }
0x26e: {  	[spmem:s2] =	stream.indirect.scatter.add.f32 [tilespmem:s14], [sflag:$0x4], $0x80, s24, s17, $0xb8;
	[tilespmem:$0x1D800] =	vst v63  }
0x26f: {  	_ =	swait.ge [sflag:s15], $0x2800  }
0x270: {  	[sflag:s15] =	ssyncset.done $0x0  }
0x271: {  	[sflag:s15] =	ssyncadd.s32 $0xFFFFD800  }
0x272: {  	_ =	swait.ge [sflag:s21], $0x2800  }
0x273: {  	[sflag:s21] =	ssyncset.done $0x0  }
0x274: {  	s13 =	rddreg [dreg:$0xd];
	[sflag:s21] =	ssyncadd.s32 $0xFFFFD800  }
0x275: {  	[tilespmem:s14], [sflag:$0x1] =	stream.indirect.gather [hbm4b:s4+s17], $0x80, s13, s17, $0xb8;
	[tilespmem:$0x1D800] =	vst v63  }
0x276: {  	s24 =	rddreg [dreg:$0xe]  }
0x277: {  	[spmem:s2] =	stream.indirect.scatter.add.f32 [tilespmem:s18], [sflag:$0x4], $0x80, s24, s17, $0xb8;
	[tilespmem:$0x1D800] =	vst v63  }
0x278: {  	_ =	swait.ge [sflag:s15], $0x2800  }
0x279: {  	[sflag:s15] =	ssyncset.done $0x0  }
0x27a: {  	[sflag:s15] =	ssyncadd.s32 $0xFFFFD800  }
0x27b: {  	_ =	swait.ge [sflag:s22], $0x2800  }
0x27c: {  	[sflag:s22] =	ssyncset.done $0x0  }
0x27d: {  	s13 =	rddreg [dreg:$0xf];
	[sflag:s22] =	ssyncadd.s32 $0xFFFFD800  }
0x27e: {  	[tilespmem:s18], [sflag:$0x2] =	stream.indirect.gather [hbm4b:s4+s17], $0x80, s13, s17, $0xb8;
	[tilespmem:$0x1D800] =	vst v63  }
0x27f: {  	s24 =	rddreg [dreg:$0x10]  }
0x280: {  	[spmem:s2] =	stream.indirect.scatter.add.f32 [tilespmem:s20], [sflag:$0x4], $0x80, s24, s17, $0xb8;
	[tilespmem:$0x1D800] =	vst v63  }
0x281: {  	_ =	swait.ge [sflag:s15], $0x2800  }
0x282: {  	[sflag:s15] =	ssyncset.done $0x0  }
0x283: {  	[sflag:s15] =	ssyncadd.s32 $0xFFFFD800  }
0x284: {  	_ =	swait.ge [sflag:s19], $0x2800  }
0x285: {  	[sflag:s19] =	ssyncset.done $0x0  }
0x286: {  	s13 =	rddreg [dreg:$0x11];
	[sflag:s19] =	ssyncadd.s32 $0xFFFFD800  }
0x287: {  	[tilespmem:s20], [sflag:$0x3] =	stream.indirect.gather [hbm4b:s4+s17], $0x80, s13, s17, $0xb8;
	[tilespmem:$0x1D800] =	vst v63  }
0x288: {  	s24 =	rddreg [dreg:$0x12]  }
0x289: {  	[spmem:s2] =	stream.indirect.scatter.add.f32 [tilespmem:s14], [sflag:$0x4], $0x80, s24, s17, $0xb8;
	[tilespmem:$0x1D800] =	vst v63  }
0x28a: {  	_ =	swait.ge [sflag:s15], $0x2800  }
0x28b: {  	[sflag:s15] =	ssyncset.done $0x0  }
0x28c: {  	[sflag:s15] =	ssyncadd.s32 $0xFFFFD800  }
0x28d: {  	_ =	swait.ge [sflag:s21], $0x2800  }
0x28e: {  	[sflag:s21] =	ssyncset.done $0x0  }
0x28f: {  	s13 =	rddreg [dreg:$0x13];
	[sflag:s21] =	ssyncadd.s32 $0xFFFFD800  }
0x290: {  	[tilespmem:s14], [sflag:$0x1] =	stream.indirect.gather [hbm4b:s4+s17], $0x80, s13, s17, $0xb8;
	[tilespmem:$0x1D800] =	vst v63  }
0x291: {  	s24 =	rddreg [dreg:$0x14]  }
0x292: {  	[spmem:s2] =	stream.indirect.scatter.add.f32 [tilespmem:s18], [sflag:$0x4], $0x80, s24, s17, $0xb8;
	[tilespmem:$0x1D800] =	vst v63  }
0x293: {  	_ =	swait.ge [sflag:s15], $0x2800  }
0x294: {  	[sflag:s15] =	ssyncset.done $0x0  }
0x295: {  	[sflag:s15] =	ssyncadd.s32 $0xFFFFD800  }
0x296: {  	_ =	swait.ge [sflag:s22], $0x2800  }
0x297: {  	[sflag:s22] =	ssyncset.done $0x0  }
0x298: {  	s13 =	rddreg [dreg:$0x15];
	[sflag:s22] =	ssyncadd.s32 $0xFFFFD800  }
0x299: {  	[tilespmem:s18], [sflag:$0x2] =	stream.indirect.gather [hbm4b:s4+s17], $0x80, s13, s17, $0xb8;
	[tilespmem:$0x1D800] =	vst v63  }
0x29a: {  	s24 =	rddreg [dreg:$0x16]  }
0x29b: {  	[spmem:s2] =	stream.indirect.scatter.add.f32 [tilespmem:s20], [sflag:$0x4], $0x80, s24, s17, $0xb8;
	[tilespmem:$0x1D800] =	vst v63  }
0x29c: {  	_ =	swait.ge [sflag:s15], $0x2800  }
0x29d: {  	[sflag:s15] =	ssyncset.done $0x0  }
0x29e: {  	[sflag:s15] =	ssyncadd.s32 $0xFFFFD800  }
0x29f: {  	_ =	swait.ge [sflag:s19], $0x2800  }
0x2a0: {  	[sflag:s19] =	ssyncset.done $0x0  }
0x2a1: {  	s13 =	rddreg [dreg:$0x17];
	[sflag:s19] =	ssyncadd.s32 $0xFFFFD800  }
0x2a2: {  	[tilespmem:s20], [sflag:$0x3] =	stream.indirect.gather [hbm4b:s4+s17], $0x80, s13, s17, $0xb8;
	[tilespmem:$0x1D800] =	vst v63  }
0x2a3: {  	s24 =	rddreg [dreg:$0x18]  }
0x2a4: {  	[spmem:s2] =	stream.indirect.scatter.add.f32 [tilespmem:s14], [sflag:$0x4], $0x80, s24, s17, $0xb8;
	[tilespmem:$0x1D800] =	vst v63  }
0x2a5: {  	_ =	swait.ge [sflag:s15], $0x2800  }
0x2a6: {  	[sflag:s15] =	ssyncset.done $0x0  }
0x2a7: {  	[sflag:s15] =	ssyncadd.s32 $0xFFFFD800  }
0x2a8: {  	_ =	swait.ge [sflag:s21], $0x2800  }
0x2a9: {  	[sflag:s21] =	ssyncset.done $0x0  }
0x2aa: {  	s13 =	rddreg [dreg:$0x19];
	[sflag:s21] =	ssyncadd.s32 $0xFFFFD800  }
0x2ab: {  	[tilespmem:s14], [sflag:$0x1] =	stream.indirect.gather [hbm4b:s4+s17], $0x80, s13, s17, $0xb8;
	[tilespmem:$0x1D800] =	vst v63  }
0x2ac: {  	s24 =	rddreg [dreg:$0x1a]  }
0x2ad: {  	[spmem:s2] =	stream.indirect.scatter.add.f32 [tilespmem:s18], [sflag:$0x4], $0x80, s24, s17, $0xb8;
	[tilespmem:$0x1D800] =	vst v63  }
0x2ae: {  	_ =	swait.ge [sflag:s15], $0x2800  }
0x2af: {  	[sflag:s15] =	ssyncset.done $0x0  }
0x2b0: {  	[sflag:s15] =	ssyncadd.s32 $0xFFFFD800  }
0x2b1: {  	_ =	swait.ge [sflag:s22], $0x2800  }
0x2b2: {  	[sflag:s22] =	ssyncset.done $0x0  }
0x2b3: {  	s13 =	rddreg [dreg:$0x1b];
	[sflag:s22] =	ssyncadd.s32 $0xFFFFD800  }
0x2b4: {  	[tilespmem:s18], [sflag:$0x2] =	stream.indirect.gather [hbm4b:s4+s17], $0x80, s13, s17, $0xb8;
	[tilespmem:$0x1D800] =	vst v63  }
0x2b5: {  	s24 =	rddreg [dreg:$0x1c]  }
0x2b6: {  	[spmem:s2] =	stream.indirect.scatter.add.f32 [tilespmem:s20], [sflag:$0x4], $0x80, s24, s17, $0xb8;
	[tilespmem:$0x1D800] =	vst v63  }
0x2b7: {  	_ =	swait.ge [sflag:s15], $0x2800  }
0x2b8: {  	[sflag:s15] =	ssyncset.done $0x0  }
0x2b9: {  	[sflag:s15] =	ssyncadd.s32 $0xFFFFD800  }
0x2ba: {  	_ =	swait.ge [sflag:s19], $0x2800  }
0x2bb: {  	[sflag:s19] =	ssyncset.done $0x0  }
0x2bc: {  	s13 =	rddreg [dreg:$0x1d];
	[sflag:s19] =	ssyncadd.s32 $0xFFFFD800  }
0x2bd: {  	[tilespmem:s20], [sflag:$0x3] =	stream.indirect.gather [hbm4b:s4+s17], $0x80, s13, s17, $0xb8;
	[tilespmem:$0x1D800] =	vst v63  }
0x2be: {  	s24 =	rddreg [dreg:$0x1e]  }
0x2bf: {  	[spmem:s2] =	stream.indirect.scatter.add.f32 [tilespmem:s14], [sflag:$0x4], $0x80, s24, s17, $0xb8;
	[tilespmem:$0x1D800] =	vst v63  }
0x2c0: {  	_ =	swait.ge [sflag:s15], $0x2800  }
0x2c1: {  	[sflag:s15] =	ssyncset.done $0x0  }
0x2c2: {  	[sflag:s15] =	ssyncadd.s32 $0xFFFFD800  }
0x2c3: {  	_ =	swait.ge [sflag:s21], $0x2800  }
0x2c4: {  	s13 =	rddreg [dreg:$0x1f];
	[sflag:s21] =	ssyncset.done $0x0  }
0x2c5: {  	s24 =	sld [smem:$0x7F7];
	[sflag:s21] =	ssyncadd.s32 $0xFFFFD800  }
0x2c6: {  	[tilespmem:s14], [sflag:$0x1] =	stream.indirect.gather [hbm4b:s4+s17], $0x80, s13, s17, $0xb8;
	[tilespmem:$0x1D800] =	vst v63  }
0x2c7: {  	_ = 	snop  }
0x2c8: {  	[spmem:s2] =	stream.indirect.scatter.add.f32 [tilespmem:s18], [sflag:$0x4], $0x80, s24, s17, $0xb8;
	[tilespmem:$0x1D800] =	vst v63  }
0x2c9: {  	_ =	swait.ge [sflag:s15], $0x2800  }
0x2ca: {  	[sflag:s15] =	ssyncset.done $0x0  }
0x2cb: {  	[sflag:s15] =	ssyncadd.s32 $0xFFFFD800  }
0x2cc: {  	_ =	swait.ge [sflag:s22], $0x2800  }
0x2cd: {  	s13 =	sld [smem:$0x7F8]  }
0x2ce: {  	[sflag:s22] =	ssyncset.done $0x0  }
0x2cf: {  	s24 =	sld [smem:$0x7F9];
	[sflag:s22] =	ssyncadd.s32 $0xFFFFD800  }
0x2d0: {  	[tilespmem:s18], [sflag:$0x2] =	stream.indirect.gather [hbm4b:s4+s17], $0x80, s13, s17, $0xb8;
	[tilespmem:$0x1D800] =	vst v63  }
0x2d1: {  	_ = 	snop  }
0x2d2: {  	[spmem:s2] =	stream.indirect.scatter.add.f32 [tilespmem:s20], [sflag:$0x4], $0x80, s24, s17, $0xb8;
	[tilespmem:$0x1D800] =	vst v63  }
0x2d3: {  	_ =	swait.ge [sflag:s15], $0x2800  }
0x2d4: {  	[sflag:s15] =	ssyncset.done $0x0  }
0x2d5: {  	[sflag:s15] =	ssyncadd.s32 $0xFFFFD800  }
0x2d6: {  	_ =	swait.ge [sflag:s19], $0x2800  }
0x2d7: {  	s12 =	sld [smem:$0x7FA]  }
0x2d8: {  	[sflag:s19] =	ssyncset.done $0x0  }
0x2d9: {  	s13 =	sld [smem:$0x7FB];
	[sflag:s19] =	ssyncadd.s32 $0xFFFFD800  }
0x2da: {  	[tilespmem:s20], [sflag:$0x3] =	stream.indirect.gather [hbm4b:s4+s17], $0x80, s12, s17, $0xb8;
	[tilespmem:$0x1D800] =	vst v63  }
0x2db: {  	_ = 	snop  }
0x2dc: {  	[spmem:s2] =	stream.indirect.scatter.add.f32 [tilespmem:s14], [sflag:$0x4], $0x80, s13, s17, $0xb8;
	[tilespmem:$0x1D800] =	vst v63  }
0x2dd: {  	_ =	swait.ge [sflag:s15], $0x2800  }
0x2de: {  	[sflag:s15] =	ssyncset.done $0x0  }
0x2df: {  	[sflag:s15] =	ssyncadd.s32 $0xFFFFD800  }
0x2e0: {  	_ =	swait.ge [sflag:s21], $0x2800  }
0x2e1: {  	s24 =	sld [smem:$0x7FC]  }
0x2e2: {  	[sflag:s21] =	ssyncset.done $0x0  }
0x2e3: {  	[sflag:s21] =	ssyncadd.s32 $0xFFFFD800  }
0x2e4: {  	[tilespmem:s14], [sflag:$0x1] =	stream.indirect.gather [hbm4b:s4+s17], $0x80, s24, s17, $0xb8;
	[tilespmem:$0x1D800] =	vst v63  }
0x2e5: {  	_ = 	snop  }
0x2e6: {  	[spmem:s2] =	stream.indirect.scatter.add.f32 [tilespmem:s18], [sflag:$0x4], $0x80, s23, s17, $0xb8;
	[tilespmem:$0x1D800] =	vst v63  }
0x2e7: {  	_ =	swait.ge [sflag:s15], $0x2800  }
0x2e8: {  	[sflag:s15] =	ssyncset.done $0x0  }
0x2e9: {  	[sflag:s15] =	ssyncadd.s32 $0xFFFFD800  }
0x2ea: {  	_ =	swait.ge [sflag:s22], $0x2800  }
0x2eb: {  	[sflag:s22] =	ssyncset.done $0x0  }
0x2ec: {  	[sflag:s22] =	ssyncadd.s32 $0xFFFFD800  }
0x2ed: {  	[tilespmem:s18], [sflag:$0x2] =	stream.indirect.gather [hbm4b:s4+s17], $0x80, s25, s17, $0xb8;
	[tilespmem:$0x1D800] =	vst v63  }
0x2ee: {  	_ = 	snop  }
0x2ef: {  	[spmem:s2] =	stream.indirect.scatter.add.f32 [tilespmem:s20], [sflag:$0x4], $0x80, s26, s17, $0xb8;
	[tilespmem:$0x1D800] =	vst v63  }
0x2f0: {  	_ =	swait.ge [sflag:s15], $0x2800  }
0x2f1: {  	[sflag:s15] =	ssyncset.done $0x0  }
0x2f2: {  	[sflag:s15] =	ssyncadd.s32 $0xFFFFD800  }
0x2f3: {  	_ =	swait.ge [sflag:s19], $0x2800  }
0x2f4: {  	[sflag:s19] =	ssyncset.done $0x0  }
0x2f5: {  	[sflag:s19] =	ssyncadd.s32 $0xFFFFD800  }
0x2f6: {  	[tilespmem:s20], [sflag:$0x3] =	stream.indirect.gather [hbm4b:s4+s17], $0x80, s28, s17, $0xb8;
	[tilespmem:$0x1D800] =	vst v63  }
0x2f7: {  	_ = 	snop  }
0x2f8: {  	[spmem:s2] =	stream.indirect.scatter.add.f32 [tilespmem:s14], [sflag:$0x4], $0x80, s29, s17, $0xb8;
	[tilespmem:$0x1D800] =	vst v63  }
0x2f9: {  	_ =	swait.ge [sflag:s15], $0x2800  }
0x2fa: {  	[sflag:s15] =	ssyncset.done $0x0  }
0x2fb: {  	[sflag:s15] =	ssyncadd.s32 $0xFFFFD800  }
0x2fc: {  	_ =	swait.ge [sflag:s21], $0x2800  }
0x2fd: {  	[sflag:s21] =	ssyncset.done $0x0  }
0x2fe: {  	[sflag:s21] =	ssyncadd.s32 $0xFFFFD800  }
0x2ff: {  	[tilespmem:s14], [sflag:$0x1] =	stream.indirect.gather [hbm4b:s4+s17], $0x80, s30, s17, $0xb8;
	[tilespmem:$0x1D800] =	vst v63  }
0x300: {  	_ = 	snop  }
0x301: {  	[spmem:s2] =	stream.indirect.scatter.add.f32 [tilespmem:s18], [sflag:$0x4], $0x80, s31, s17, $0xb8;
	[tilespmem:$0x1D800] =	vst v63  }
0x302: {  	_ =	swait.ge [sflag:s15], $0x2800  }
0x303: {  	[sflag:s15] =	ssyncset.done $0x0  }
0x304: {  	[sflag:s15] =	ssyncadd.s32 $0xFFFFD800  }
0x305: {  	_ =	swait.ge [sflag:s22], $0x2800  }
0x306: {  	[sflag:s22] =	ssyncset.done $0x0  }
0x307: {  	[sflag:s22] =	ssyncadd.s32 $0xFFFFD800  }
0x308: {  	[tilespmem:s18], [sflag:$0x2] =	stream.indirect.gather [hbm4b:s4+s17], $0x80, s1, s17, $0xb8;
	[tilespmem:$0x1D800] =	vst v63  }
0x309: {  	_ = 	snop  }
0x30a: {  	[spmem:s2] =	stream.indirect.scatter.add.f32 [tilespmem:s20], [sflag:$0x4], $0x80, s0, s17, $0xb8;
	[tilespmem:$0x1D800] =	vst v63  }
0x30b: {  	_ =	swait.ge [sflag:s15], $0x2800  }
0x30c: {  	[sflag:s15] =	ssyncset.done $0x0  }
0x30d: {  	[sflag:s15] =	ssyncadd.s32 $0xFFFFD800  }
0x30e: {  	_ =	swait.ge [sflag:s19], $0x2800  }
0x30f: {  	[sflag:s19] =	ssyncset.done $0x0  }
0x310: {  	[sflag:s19] =	ssyncadd.s32 $0xFFFFD800  }
0x311: {  	[tilespmem:s20], [sflag:$0x3] =	stream.indirect.gather [hbm4b:s4+s17], $0x80, s6, s17, $0xb8;
	[tilespmem:$0x1D800] =	vst v63  }
0x312: {  	_ = 	snop  }
0x313: {  	[spmem:s2] =	stream.indirect.scatter.add.f32 [tilespmem:s14], [sflag:$0x4], $0x80, s7, s17, $0xb8;
	[tilespmem:$0x1D800] =	vst v63  }
0x314: {  	_ =	swait.ge [sflag:s15], $0x2800  }
0x315: {  	[sflag:s15] =	ssyncset.done $0x0  }
0x316: {  	[sflag:s15] =	ssyncadd.s32 $0xFFFFD800  }
0x317: {  	_ =	swait.ge [sflag:s21], $0x2800  }
0x318: {  	[sflag:s21] =	ssyncset.done $0x0  }
0x319: {  	[sflag:s21] =	ssyncadd.s32 $0xFFFFD800  }
0x31a: {  	[tilespmem:s14], [sflag:$0x1] =	stream.indirect.gather [hbm4b:s4+s17], $0x80, s8, s17, $0xb8;
	[tilespmem:$0x1D800] =	vst v63  }
0x31b: {  	_ = 	snop  }
0x31c: {  	[spmem:s2] =	stream.indirect.scatter.add.f32 [tilespmem:s18], [sflag:$0x4], $0x80, s9, s17, $0xb8;
	[tilespmem:$0x1D800] =	vst v63  }
0x31d: {  	_ =	swait.ge [sflag:s15], $0x2800  }
0x31e: {  	[sflag:s15] =	ssyncset.done $0x0  }
0x31f: {  	[sflag:s15] =	ssyncadd.s32 $0xFFFFD800  }
0x320: {  	_ =	swait.ge [sflag:s22], $0x2800  }
0x321: {  	[sflag:s22] =	ssyncset.done $0x0  }
0x322: {  	[sflag:s22] =	ssyncadd.s32 $0xFFFFD800  }
0x323: {  	[spmem:s2] =	stream.indirect.scatter.add.f32 [tilespmem:s20], [sflag:$0x4], $0x80, s10, s17, $0xb8;
	[tilespmem:$0x1D800] =	vst v63  }
0x324: {  	_ =	swait.ge [sflag:s15], $0x2800  }
0x325: {  	[sflag:s15] =	ssyncset.done $0x0  }
0x326: {  	[sflag:s15] =	ssyncadd.s32 $0xFFFFD800  }
0x327: {  	_ =	swait.ge [sflag:s19], $0x2800  }
0x328: {  	[sflag:s19] =	ssyncset.done $0x0  }
0x329: {  	[sflag:s19] =	ssyncadd.s32 $0xFFFFD800  }
0x32a: {  	[spmem:s2] =	stream.indirect.scatter.add.f32 [tilespmem:s14], [sflag:$0x4], $0x80, s11, s17, $0xb8;
	[tilespmem:$0x1D800] =	vst v63  }
0x32b: {  	_ =	swait.ge [sflag:s15], $0x2800  }
0x32c: {  	[sflag:s15] =	ssyncset.done $0x0  }
0x32d: {  	[sflag:s15] =	ssyncadd.s32 $0xFFFFD800  }
0x32e: {  	[bflag:$0x0] =	sbarrier.arrive $0xFFFF  }
0x32f: {  	s13 =	sld [smem:$0x7F4]  }
0x330: {  	s12 =	stileid.u32;
	s24 =	sld [smem:$0x7FD]  }
0x331: {  	s5 =	sshll.u32 s12, $0x6  }
0x332: {  	s5 =	sor.u32 $0x1C04, s5;
	s12 =	sshrl.u32 s13, $0x3  }
0x333: {  	[hbm:s24], [sflag:s5] =	dma.local [spmem:s12], $0x2800  }
0x334: {  	_ =	swait.ge [sflag:s15], $0x2800  }
0x335: {  	s13 =	sld [smem:$0x7ED]  }
0x336: {  	s24 =	sld [smem:$0x7F6];
	_ =	sdelay $0x1  }
0x337: {  	s12 =	sadd.s32 $0x1, s13  }
0x338: {  	p0 =	sne.s32 s12, s24  }
.Ltmp2:
0x339: {  	_ = 	snop;
	(pc) =	sbr.rel @p0 .LBB2_1-.Ltmp2, $3  }
0x33a: {  	_ =	sdelay $0x1  }
0x33b: {  	[sflag:s15] =	ssyncset.done $0x0  }
0x33c: {  	[sflag:s15] =	ssyncadd.s32 $0xFFFFD800  }
0x33d: {  	_ =	sfence.sel $0x180000  }
0x33e: {  	[bflag:$0x0] =	sbarrier.arrive $0xFFFF  }
0x33f: {  	_ =	strace $0x9000004A  }
0x340: {  	s0 =	stileid.u32;
	[bflag:$0x2] =	sbarrier.arrive $0xFFFF  }
0x341: {  	p0 =	sne.s32 s0, $0x0;
	s0 =	rddreg [dreg:$0x2]  }
0x342: {  	s0 =	sadd.s32 @!p0 $0x100000, s0  }
0x343: {  	[sflag:s0] =	ssyncadd.tile.s32 @!p0 $0x1;
	_ =	shalt  }
.Lfunc_end2:
_tile_overlayer_lowered:
.L_overlay_start_2:
0x344: {  	(tag) =	ssettag $0x2  }
0x345: {  	s0 =	rddreg [dreg:$0x0];
	s2 =	stileid.u32  }
0x346: {  	s1 =	rddreg [dreg:$0x1];
	p0 =	sne.s32 s2, $0x0  }
0x347: {  	s3 =	rddreg [dreg:$0x2];
	[bflag:$0x3] =	sbarrier.arrive $0xFFFF;
	s2 =	simm.s32 @!p0 $0x1C04  }
0x348: {  	[timem:s3], [sflag:s2] =	dma.local @!p0 [hbm:s0], s1  }
0x349: {  	s0 =	simm.s32 @!p0 $0x4  }
0x34a: {  	_ =	swait.ge @!p0 [sflag:s0], s1  }
0x34b: {  	s1 =	ssub.s32 @!p0 $0x0, s1;
	[sflag:s0] =	ssyncset.done @!p0 $0x0  }
0x34c: {  	[sflag:s0] =	ssyncadd.s32 @!p0 s1  }
0x34d: {  	[bflag:$0x3] =	sbarrier.arrive $0xFFFF  }
0x34e: {  	_ =	shalt  }

// kernel: kernel.7.cloned.1.call-start
scs
__scs_entry_jumppad:
0x0: {  	(pc) =	sbr.rel $0x88, $3  }
0x1: {  	(tag) =	ssettag $0x0;
	lr =	simm.s32 $0x1  }
0x2: {  	[smem:$0x3F9A] =	sst lr;
	_ =	strace $0xD0000000  }
0x3: {  	_ = 	snop  }
0x4: {  	_ = 	snop  }
0x5: {  	_ = 	snop  }
0x6: {  	_ = 	snop  }
0x7: {  	_ = 	snop  }
__scs_overlays_trampoline_lowered:
0x8: {  	[smem:$0x3FA9] =	sst s0  }
0x9: {  	[smem:$0x3FAA] =	sst s1  }
0xa: {  	[smem:$0x3FAB] =	sst s2  }
0xb: {  	[smem:$0x3FAC] =	sst s3  }
0xc: {  	[smem:$0x3FAD] =	sst s4  }
0xd: {  	[smem:$0x3FAE] =	sst s5  }
0xe: {  	[smem:$0x3FAF] =	sst s6  }
0xf: {  	[smem:$0x3FB0] =	sst s7  }
0x10: {  	[smem:$0x3FB1] =	sst s8  }
0x11: {  	[smem:$0x3FB2] =	sst s9;
	s0 =	simm.s32 @!p0 $0x0  }
0x12: {  	s1 =	sld [smem:$0x3F98];
	s0 =	simm.s32 @p0 $0x1  }
0x13: {  	[smem:$0x3FB3] =	sst s0;
	s0 =	simm.s32 @!p1 $0x0  }
0x14: {  	s2 =	sld [smem:$0x3F97];
	s0 =	simm.s32 @p1 $0x1  }
0x15: {  	[smem:$0x3FB4] =	sst s0;
	s0 =	simm.s32 @!p2 $0x0  }
0x16: {  	s3 =	sld [smem:$0x3FDB];
	s0 =	simm.s32 @p2 $0x1  }
0x17: {  	s4 =	simm.s32 $0x1BF5;
	[smem:$0x3FB6] =	sst s0  }
0x18: {  	s0 =	sld [smem:$0x3F99];
	_ =	swait.ge [sflag:s4], $0x0  }
0x19: {  	s7 =	sld [smem:$0x3F9A]  }
0x1a: {  	s8 =	sadd.s32 $0xFFFFE003, lr  }
0x1b: {  	s9 =	sadd.s32 $0xFFFFFEF7, lr;
	s5 =	simm.s32 $0xFFFFFFFF;
	p2 =	slt.u32 s8, $0xFFFFF086  }
0x1c: {  	p1 =	slt.u32 s9, $0xF7A;
	s5 =	simm.s32 @!p2 $0x0  }
0x1d: {  	s5 =	simm.s32 @p1 $0x1;
	p0 =	seq.s32 s7, s2  }
0x1e: {  	s7 =	smul.u32 @!p0 $0xF7A, s2;
	p2 =	seq.s32 @!p0 s5, $0x0  }
0x1f: {  	s9 =	smul.u32 $0xF7A, s1;
	s8 =	simm.s32 @!p0 $0x1BF5;
	p2 =	por !p2, p0  }
0x20: {  	[sflag:s8] =	ssyncset.s32 @!p0 $0xFFFFF086;
	s6 =	sadd.s32 @!p0 s3, s7;
	s7 =	simm.s32 @!p0 $0x108  }
0x21: {  	s3 =	sadd.s32 s3, s9;
	s6 =	sadd.s32 @!p0 $0x88, s6;
	s7 =	simm.s32 @p2 $0x1082  }
0x22: {  	[simem:s7], [sflag:s8] =	dma.local @!p0 [hbm:s6], $0xF7A  }
0x23: {  	s9 =	sor.u32 $0xD0000000, s2;
	s6 =	simm.s32 $0x108;
	_ =	swait.ge @!p0 [sflag:s8], $0x0  }
0x24: {  	s3 =	sadd.s32 $0x88, s3;
	s6 =	simm.s32 @!p1 $0x1082;
	[sflag:s4] =	ssyncset.s32 $0xFFFFF086  }
0x25: {  	[simem:s6], [sflag:s4] =	dma.local [hbm:s3], $0xF7A  }
0x26: {  	[smem:$0x3F9A] =	sst s1;
	(tag) =	ssettag s2;
	_ =	strace s9  }
0x27: {  	s1 =	sld [smem:$0x3FAA]  }
0x28: {  	s2 =	sld [smem:$0x3FAB]  }
0x29: {  	s4 =	sld [smem:$0x3FAD]  }
0x2a: {  	p0 =	seq.s32 s5, $0x0;
	s5 =	sld [smem:$0x3FAE]  }
0x2b: {  	s6 =	sld [smem:$0x3FAF]  }
0x2c: {  	s7 =	sld [smem:$0x3FB0]  }
0x2d: {  	s3 =	simm.s32 $0x108;
	s8 =	sld [smem:$0x3FB1]  }
0x2e: {  	s3 =	simm.s32 @!p0 $0x1082;
	s9 =	sld [smem:$0x3FB2]  }
0x2f: {  	lr =	sadd.s32 s0, s3;
	s0 =	sld [smem:$0x3FA9]  }
0x30: {  	s3 =	sld [smem:$0x3FAC]  }
0x31: {  	[smem:$0x3FB5] =	sst s10  }
0x32: {  	s10 =	sld [smem:$0x3FB3];
	_ =	sdelay $0x3  }
0x33: {  	p0 =	seq.s32 s10, $0x1;
	s10 =	sld [smem:$0x3FB5];
	_ =	sdelay $0x3  }
0x34: {  	[smem:$0x3FB5] =	sst s10  }
0x35: {  	s10 =	sld [smem:$0x3FB4];
	_ =	sdelay $0x3  }
0x36: {  	p1 =	seq.s32 s10, $0x1;
	s10 =	sld [smem:$0x3FB5];
	_ =	sdelay $0x3  }
0x37: {  	[smem:$0x3FB5] =	sst s10  }
0x38: {  	s10 =	sld [smem:$0x3FB6]  }
0x39: {  	_ = 	snop;
	(pc) =	sbr.ind lr, $3  }
0x3a: {  	_ = 	snop  }
0x3b: {  	_ = 	snop  }
0x3c: {  	p2 =	seq.s32 s10, $0x1;
	s10 =	sld [smem:$0x3FB5]  }
0x3d: {  	_ =	shalt  }
0x3e: {  	_ =	shalt  }
0x3f: {  	_ =	shalt  }
0x40: {  	_ =	shalt  }
0x41: {  	_ =	shalt  }
0x42: {  	_ =	shalt  }
0x43: {  	_ =	shalt  }
0x44: {  	_ =	shalt  }
0x45: {  	_ =	shalt  }
0x46: {  	_ =	shalt  }
0x47: {  	_ =	shalt  }
0x48: {  	_ =	shalt  }
0x49: {  	_ =	shalt  }
0x4a: {  	_ =	shalt  }
0x4b: {  	_ =	shalt  }
0x4c: {  	_ =	shalt  }
0x4d: {  	_ =	shalt  }
0x4e: {  	_ =	shalt  }
0x4f: {  	_ =	shalt  }
0x50: {  	_ =	shalt  }
0x51: {  	_ =	shalt  }
0x52: {  	_ =	shalt  }
0x53: {  	_ =	shalt  }
0x54: {  	_ =	shalt  }
0x55: {  	_ =	shalt  }
0x56: {  	_ =	shalt  }
0x57: {  	_ =	shalt  }
0x58: {  	_ =	shalt  }
0x59: {  	_ =	shalt  }
0x5a: {  	_ =	shalt  }
0x5b: {  	_ =	shalt  }
0x5c: {  	_ =	shalt  }
0x5d: {  	_ =	shalt  }
0x5e: {  	_ =	shalt  }
0x5f: {  	_ =	shalt  }
0x60: {  	_ =	shalt  }
0x61: {  	_ =	shalt  }
0x62: {  	_ =	shalt  }
0x63: {  	_ =	shalt  }
0x64: {  	_ =	shalt  }
0x65: {  	_ =	shalt  }
0x66: {  	_ =	shalt  }
0x67: {  	_ =	shalt  }
0x68: {  	_ =	shalt  }
0x69: {  	_ =	shalt  }
0x6a: {  	_ =	shalt  }
0x6b: {  	_ =	shalt  }
0x6c: {  	_ =	shalt  }
0x6d: {  	_ =	shalt  }
0x6e: {  	_ =	shalt  }
0x6f: {  	_ =	shalt  }
0x70: {  	_ =	shalt  }
0x71: {  	_ =	shalt  }
0x72: {  	_ =	shalt  }
0x73: {  	_ =	shalt  }
0x74: {  	_ =	shalt  }
0x75: {  	_ =	shalt  }
0x76: {  	_ =	shalt  }
0x77: {  	_ =	shalt  }
0x78: {  	_ =	shalt  }
0x79: {  	_ =	shalt  }
0x7a: {  	_ =	shalt  }
0x7b: {  	_ =	shalt  }
0x7c: {  	_ =	shalt  }
0x7d: {  	_ =	shalt  }
0x7e: {  	_ =	shalt  }
0x7f: {  	_ =	shalt  }
0x80: {  	_ =	shalt  }
0x81: {  	_ =	shalt  }
0x82: {  	_ =	shalt  }
0x83: {  	_ =	shalt  }
0x84: {  	_ =	shalt  }
0x85: {  	_ =	shalt  }
0x86: {  	_ =	shalt  }
0x87: {  	_ =	shalt  }
.Lfunc_end0:
.L_simem_size_0:
called_computation_lowered:
.L_overlay_start_0:
0x88: {  	s2 =	sld [smem:$0x3FD9]  }
0x89: {  	s3 =	sld [smem:$0x3FFE];
	_ =	sdelay $0x1  }
0x8a: {  	s1 =	srdreg.scid  }
0x8b: {  	s0 =	sand.u32 $0x1, s1  }
0x8c: {  	s16 =	sshll.u32 s0, $0xA;
	s2 =	sadd.s32 s3, s2  }
0x8d: {  	s2 =	sadd.s32 s2, s16  }
0x8e: {  	[smem:$0x3FC1] =	sst s2  }
0x8f: {  	_ = 	snop  }
0x90: {  	(tm) =	ssettm $0x1  }
0x91: {  	s17 =	sld [smem:$0x3FFB];
	_ =	sdelay $0x3  }
0x92: {  	_ =	strace s17  }
0x93: {  	s2 =	sld [smem:$0x3FFC];
	_ =	sdelay $0x3  }
0x94: {  	_ =	strace s2  }
0x95: {  	s2 =	sld [smem:$0x3FFD];
	_ =	sdelay $0x3  }
0x96: {  	_ =	strace s2  }
0x97: {  	_ =	strace $0x8FFFFFFF  }
0x98: {  	s18 =	sld [smem:$0x3FDB];
	_ =	sdelay $0x1  }
0x99: {  	s19 =	simm.s32 $_scs_section_size  }
0x9a: {  	s4 =	simm.s32 $_size__tile_overlayer_lowered;
	s5 =	simm.s32 $_tile_overlayer_lowered  }
0x9b: {  	s22 =	simm.s32 $0x1BFF;
	s21 =	sshll.u32 s5, $0x1;
	s2 =	sadd.s32 s19, s18  }
0x9c: {  	s6 =	simm.s32 $0x0;
	s20 =	sshll.u32 s4, $0x1;
	s4 =	sadd.s32 s21, s2  }
0x9d: {  	[timem:s6], [sflag:s22] =	dma.local [hbm:s4], s20  }
0x9e: {  	_ =	swait.ge [sflag:s22], s20  }
0x9f: {  	s3 =	ssub.s32 $0x0, s20;
	[sflag:s22] =	ssyncset.done $0x0  }
0xa0: {  	[sflag:s22] =	ssyncadd.s32 s3;
	_ =	sdelay $0x1  }
0xa1: {  	s23 =	simm.s32 $0x1B8B  }
0xa2: {  	_ =	swait.ge [sflag:s23], $0x1  }
0xa3: {  	[sflag:s23] =	ssyncset.done $0x0  }
0xa4: {  	s25 =	simm.s32 $0x1B8E;
	s24 =	sld [smem:$0x3FFE];
	[sflag:s23] =	ssyncadd.s32 $0xFFFFFFFF  }
0xa5: {  	s26 =	simm.s32 $execute0_lowered;
	[smem:$0x3FD2] =	sst s25  }
0xa6: {  	s4 =	sshll.u32 s26, $0x1;
	_ =	strace $0x80000046;
	[dreg:$0x1] =	wrdreg $0xFFFFFFFF  }
0xa7: {  	s28 =	simm.s32 $_size_execute0_lowered;
	s2 =	sadd.s32 s2, s4;
	[dreg:$0x0] =	wrdreg $0x0  }
0xa8: {  	s4 =	sshll.u32 s28, $0x1;
	[dreg:$0x2] =	wrdreg s2  }
0xa9: {  	[dreg:$0x3] =	wrdreg s4  }
0xaa: {  	[dreg:$0x4] =	wrdreg $0xC0  }
0xab: {  	_ =	task [dreg:s6], $0x5FFFF  }
0xac: {  	[dreg:$0x1] =	wrdreg $0xFFFFFFFF  }
0xad: {  	[dreg:$0x0] =	wrdreg $0x60  }
0xae: {  	[dreg:$0x2] =	wrdreg s24  }
0xaf: {  	[dreg:$0x3] =	wrdreg $0x98000  }
0xb0: {  	[dreg:$0x4] =	wrdreg $0x9  }
0xb1: {  	_ =	task.clear_ibuf [dreg:s6], $0x5FFFF;
	_ =	strace $0x90000046  }
0xb2: {  	s29 =	simm.s32 $0x9;
	_ =	strace $0x80000048  }
0xb3: {  	_ =	swait.ge [sflag:s29], $0x1  }
0xb4: {  	[sflag:s29] =	ssyncadd.s32 $0xFFFFFFFF  }
0xb5: {  	_ =	strace $0x90000048  }
0xb6: {  	_ =	sfence  }
0xb7: {  	s30 =	sld [smem:$0x0];
	_ =	sdelay $0x2  }
0xb8: {  	s31 =	sshll.u32 s1, $0xD;
	s1 =	sshrl.u32 s1, $0x2  }
0xb9: {  	s3 =	sand.u32 $0x4000, s31;
	s1 =	sadd.s32 s1, s30  }
0xba: {  	s0 =	sor.u32 s3, s0;
	s1 =	sshll.u32 s1, $0x11  }
0xbb: {  	s0 =	sor.u32 s1, s0  }
0xbc: {  	s0 =	sadd.s32 $0x8F2B, s0  }
0xbd: {  	[sflag:s0] =	ssyncadd.remote.s32 $0x1  }
0xbe: {  	_ =	sfence.sel $0xFFFF  }
0xbf: {  	[dreg:$0x0] =	wrdreg $0xFFFFFFFF;
	(pc) =	sbr.abs _section_cstart, $3  }
0xc0: {  	[dreg:$0x1] =	wrdreg $0xFFFFFFFF  }
0xc1: {  	_ =	task.clear_ibuf [dreg:s6], $0x2FFFF;
	_ =	strace $0x9FFFFFFF  }
0xc2: {  	(tm) =	ssettm $0x7FFFFFFF  }
0xc3: {  	_ =	shalt  }
tec
execute0_lowered:
.L_overlay_start_1:
0x0: {  	(tag) =	ssettag $0x1  }
0x1: {  	s5 =	rddreg [dreg:$0x0]  }
0x2: {  	s2 =	rddreg [dreg:$0x1];
	s3 =	simm.s32 $0x0  }
0x3: {  	s19 =	simm.s32 $0x80;
	[smem:$0x7FF] =	sst s3  }
0x4: {  	s20 =	simm.s32 $0x100;
	_ =	strace $0x80000047;
	[dreg:$0x5] =	wrdreg s19  }
0x5: {  	s21 =	simm.s32 $0x180;
	[dreg:$0x6] =	wrdreg s20  }
0x6: {  	s22 =	simm.s32 $0x1080;
	[dreg:$0x7] =	wrdreg s21  }
0x7: {  	s23 =	simm.s32 $0x200;
	[dreg:$0x8] =	wrdreg s22  }
0x8: {  	s25 =	simm.s32 $0x1100;
	[dreg:$0x9] =	wrdreg s23  }
0x9: {  	s26 =	simm.s32 $0x280;
	[dreg:$0xa] =	wrdreg s25  }
0xa: {  	s0 =	srdreg.scid;
	s7 =	simm.s32 $0x1180;
	[dreg:$0xb] =	wrdreg s26  }
0xb: {  	s8 =	stileid.u32;
	s9 =	simm.s32 $0x300;
	[dreg:$0xc] =	wrdreg s7  }
0xc: {  	s11 =	simm.s32 $0x1200;
	s12 =	simm.s32 $0x380;
	[dreg:$0xd] =	wrdreg s9  }
0xd: {  	s13 =	simm.s32 $0x1280;
	s15 =	simm.s32 $0x400;
	[dreg:$0xe] =	wrdreg s11  }
0xe: {  	s16 =	simm.s32 $0x1300;
	s18 =	simm.s32 $0x480;
	[dreg:$0xf] =	wrdreg s12  }
0xf: {  	s28 =	simm.s32 $0xA00;
	s29 =	simm.s32 $0x1900;
	[dreg:$0x10] =	wrdreg s13  }
0x10: {  	s30 =	simm.s32 $0xA80;
	s31 =	simm.s32 $0x1980;
	[dreg:$0x11] =	wrdreg s15  }
0x11: {  	s0 =	sand.u32 $0x1, s0;
	s4 =	smul.u32 $0xA00, s8;
	[dreg:$0x12] =	wrdreg s16  }
0x12: {  	s6 =	sadd.s32 $0x15C00, s5;
	[dreg:$0x13] =	wrdreg s18;
	s20 =	simm.s32 $0x1380  }
0x13: {  	s1 =	smul.u32 $0xA000, s0;
	s22 =	simm.s32 $0x500;
	[dreg:$0x14] =	wrdreg s20  }
0x14: {  	s24 =	smul.u32 $0x28000, s0;
	s26 =	simm.s32 $0x580;
	[dreg:$0x15] =	wrdreg s22  }
0x15: {  	s0 =	ssub.s32 $0x2, s0;
	s11 =	simm.s32 $0x600;
	[dreg:$0x17] =	wrdreg s26  }
0x16: {  	s7 =	smul.u32 $0x50000, s8;
	s12 =	simm.s32 $0x1500;
	[dreg:$0x19] =	wrdreg s11  }
0x17: {  	s13 =	smul.u32 $0x2800, s8;
	s15 =	simm.s32 $0x680;
	[dreg:$0x1a] =	wrdreg s12  }
0x18: {  	s16 =	simm.s32 $0x1580;
	s18 =	simm.s32 $0x1600;
	[dreg:$0x1b] =	wrdreg s15  }
0x19: {  	s8 =	simm.s32 $0xC00;
	s10 =	sshrl.u32 s0, $0x1;
	[dreg:$0x1c] =	wrdreg s16  }
0x1a: {  	s15 =	simm.s32 $0x4;
	s16 =	simm.s32 $0x1000;
	[dreg:$0x1e] =	wrdreg s18  }
0x1b: {  	s20 =	simm.s32 $0x1680;
	s18 =	simm.s32 $0x4800;
	s22 =	simm.s32 $0x1700  }
0x1c: {  	s1 =	sadd.s32 s4, s1;
	s0 =	ssub.s32 s0, s10;
	[smem:$0x7F7] =	sst s20  }
0x1d: {  	s14 =	sshrl.u32 s7, $0x2;
	s10 =	simm.s32 $0x1480;
	[smem:$0x7F9] =	sst s22  }
0x1e: {  	s4 =	sadd.s32 s1, s5;
	s1 =	sadd.s32 s6, s1;
	[dreg:$0x18] =	wrdreg s10  }
0x1f: {  	s11 =	simm.s32 $0x1C00;
	s6 =	sadd.s32 s14, s2;
	[dreg:$0x4] =	wrdreg s1  }
0x20: {  	s12 =	simm.s32 $0x0;
	s0 =	smax.u32 s0, $0x1;
	[smem:$0x7F4] =	sst s6  }
0x21: {  	s20 =	simm.s32 $0x7000;
	s4 =	sadd.s32 $0x1C00, s4;
	[smem:$0x7F6] =	sst s0  }
0x22: {  	s22 =	simm.s32 $0x3;
	s17 =	sadd.s32 $0x2800, s6;
	[dreg:$0x3] =	wrdreg s4  }
0x23: {  	s7 =	simm.s32 $0x1A80;
	s19 =	sadd.s32 $0x5000, s6;
	[smem:$0x7EE] =	sst s17  }
0x24: {  	s14 =	simm.s32 $0x2000;
	s21 =	sadd.s32 $0x7800, s6;
	[smem:$0x7EF] =	sst s19  }
0x25: {  	s10 =	simm.s32 $0x1B80;
	s23 =	sadd.s32 $0xA000, s6;
	[smem:$0x7F0] =	sst s21  }
0x26: {  	s25 =	sadd.s32 $0xC800, s6;
	s9 =	sadd.s32 $0xF000, s6;
	[smem:$0x7F1] =	sst s23  }
0x27: {  	s6 =	sadd.s32 $0x11800, s6;
	s1 =	simm.s32 $0xB00;
	[smem:$0x7F2] =	sst s25  }
0x28: {  	s0 =	simm.s32 $0x1A00;
	s4 =	sadd.s32 $0x29C00, s5;
	[smem:$0x7F3] =	sst s9  }
0x29: {  	s5 =	sadd.s32 s24, s5;
	s24 =	simm.s32 $0x1400;
	[smem:$0x7F5] =	sst s6  }
0x2a: {  	s17 =	simm.s32 $0x700;
	s19 =	simm.s32 $0x780;
	[dreg:$0x16] =	wrdreg s24  }
0x2b: {  	s21 =	simm.s32 $0x800;
	s23 =	simm.s32 $0x880;
	[dreg:$0x1d] =	wrdreg s17  }
0x2c: {  	s25 =	simm.s32 $0x900;
	s6 =	simm.s32 $0xB80;
	[dreg:$0x1f] =	wrdreg s19  }
0x2d: {  	s9 =	simm.s32 $0x1B00;
	s5 =	sadd.s32 $0x50E00, s5;
	[smem:$0x7F8] =	sst s21  }
0x2e: {  	s17 =	simm.s32 $0x50;
	s19 =	simm.s32 $0x1;
	[smem:$0x7FA] =	sst s23  }
0x2f: {  	s21 =	simm.s32 $0x2;
	s24 =	simm.s32 $0x1780;
	[smem:$0x7FC] =	sst s25  }
0x30: {  	s23 =	simm.s32 $0x1800;
	[smem:$0x7FB] =	sst s24;
	s26 =	sadd.s32 s13, s5  }
0x31: {  	v0 =	vimm.f32 $0.0e+00;
	s25 =	simm.s32 $0x980;
	[smem:$0x7FD] =	sst s26;
	s26 =	simm.s32 $0x1880  }
.LBB2_1:
0x32: {  	s13 =	simm.s32 $0x0;
	s24 =	simm.s32 $0x200  }
.LBB2_2:
0x33: {  	p0 =	sne.s32 s24, $0x9E00;
	[tilespmem:s13+$0x2070] =	vst v0  }
0x34: {  	[tilespmem:s13+$0x2000] =	vst v0  }
0x35: {  	[tilespmem:s13+$0x2010] =	vst v0  }
.Ltmp0:
0x36: {  	[tilespmem:s13+$0x2020] =	vst v0;
	(pc) =	sbr.rel @p0 .LBB2_2-.Ltmp0, $4  }
0x37: {  	[tilespmem:s13+$0x2030] =	vst v0  }
0x38: {  	[tilespmem:s13+$0x2040] =	vst v0  }
0x39: {  	[tilespmem:s13+$0x2050] =	vst v0  }
0x3a: {  	[tilespmem:s13+$0x2060] =	vst v0;
	s13 =	sshra.s32 s24, $0x2;
	s24 =	sadd.s32 $0x200, s24  }
0x3b: {  	[tilespmem:s13+$0x2070] =	vst v0  }
0x3c: {  	[tilespmem:s13+$0x2000] =	vst v0  }
0x3d: {  	[tilespmem:s13+$0x2010] =	vst v0  }
0x3e: {  	[tilespmem:s13+$0x2020] =	vst v0  }
0x3f: {  	[tilespmem:s13+$0x2030] =	vst v0  }
0x40: {  	[tilespmem:s13+$0x2040] =	vst v0;
	s5 =	sld [smem:$0x7F4]  }
0x41: {  	[tilespmem:s13+$0x2050] =	vst v0  }
0x42: {  	[smem:$0x7ED] =	sst s12;
	[tilespmem:s13+$0x2060] =	vst v0  }
0x43: {  	[spmem:s5] =	stream.linear.scatter [tilespmem:s14], [sflag:$0x4], $0x2800, $0x38;
	[tilespmem:$0x1D800] =	vst v63  }
0x44: {  	_ =	swait.ge [sflag:s15], $0x2800  }
0x45: {  	s12 =	sld [smem:$0x7EE]  }
0x46: {  	[sflag:s15] =	ssyncset.done $0x0  }
0x47: {  	[sflag:s15] =	ssyncadd.s32 $0xFFFFD800  }
0x48: {  	[spmem:s12] =	stream.linear.scatter [tilespmem:s14], [sflag:$0x4], $0x2800, $0x38;
	[tilespmem:$0x1D800] =	vst v63  }
0x49: {  	_ =	swait.ge [sflag:s15], $0x2800  }
0x4a: {  	s13 =	sld [smem:$0x7EF]  }
0x4b: {  	[sflag:s15] =	ssyncset.done $0x0  }
0x4c: {  	[sflag:s15] =	ssyncadd.s32 $0xFFFFD800  }
0x4d: {  	[spmem:s13] =	stream.linear.scatter [tilespmem:s14], [sflag:$0x4], $0x2800, $0x38;
	[tilespmem:$0x1D800] =	vst v63  }
0x4e: {  	_ =	swait.ge [sflag:s15], $0x2800  }
0x4f: {  	s24 =	sld [smem:$0x7F0]  }
0x50: {  	[sflag:s15] =	ssyncset.done $0x0  }
0x51: {  	[sflag:s15] =	ssyncadd.s32 $0xFFFFD800  }
0x52: {  	[spmem:s24] =	stream.linear.scatter [tilespmem:s14], [sflag:$0x4], $0x2800, $0x38;
	[tilespmem:$0x1D800] =	vst v63  }
0x53: {  	_ =	swait.ge [sflag:s15], $0x2800  }
0x54: {  	s12 =	sld [smem:$0x7F1]  }
0x55: {  	[sflag:s15] =	ssyncset.done $0x0  }
0x56: {  	[sflag:s15] =	ssyncadd.s32 $0xFFFFD800  }
0x57: {  	[spmem:s12] =	stream.linear.scatter [tilespmem:s14], [sflag:$0x4], $0x2800, $0x38;
	[tilespmem:$0x1D800] =	vst v63  }
0x58: {  	_ =	swait.ge [sflag:s15], $0x2800  }
0x59: {  	s13 =	sld [smem:$0x7F2]  }
0x5a: {  	[sflag:s15] =	ssyncset.done $0x0  }
0x5b: {  	[sflag:s15] =	ssyncadd.s32 $0xFFFFD800  }
0x5c: {  	[spmem:s13] =	stream.linear.scatter [tilespmem:s14], [sflag:$0x4], $0x2800, $0x38;
	[tilespmem:$0x1D800] =	vst v63  }
0x5d: {  	_ =	swait.ge [sflag:s15], $0x2800  }
0x5e: {  	s24 =	sld [smem:$0x7F3]  }
0x5f: {  	[sflag:s15] =	ssyncset.done $0x0  }
0x60: {  	[sflag:s15] =	ssyncadd.s32 $0xFFFFD800  }
0x61: {  	[spmem:s24] =	stream.linear.scatter [tilespmem:s14], [sflag:$0x4], $0x2800, $0x38;
	[tilespmem:$0x1D800] =	vst v63  }
0x62: {  	_ =	swait.ge [sflag:s15], $0x2800  }
0x63: {  	s12 =	sld [smem:$0x7F5]  }
0x64: {  	[sflag:s15] =	ssyncset.done $0x0  }
0x65: {  	[sflag:s15] =	ssyncadd.s32 $0xFFFFD800  }
0x66: {  	[spmem:s12] =	stream.linear.scatter [tilespmem:s14], [sflag:$0x4], $0x2800, $0x38;
	[tilespmem:$0x1D800] =	vst v63  }
0x67: {  	_ =	swait.ge [sflag:s15], $0x2800  }
0x68: {  	[sflag:s15] =	ssyncset.done $0x0  }
0x69: {  	[sflag:s15] =	ssyncadd.s32 $0xFFFFD800  }
0x6a: {  	[bflag:$0x0] =	sbarrier.arrive $0xFFFF  }
0x6b: {  	s13 =	rddreg [dreg:$0x3]  }
0x6c: {  	s5 =	sadd.s32 $0x0, s13  }
0x6d: {  	[tilespmem:s3], [sflag:$0x4] =	stream.linear.gather [hbm4b:s5+s3], $0xC80, $0x38;
	[tilespmem:$0x1D800] =	vst v63  }
0x6e: {  	_ =	swait.ge [sflag:s15], $0xC80  }
0x6f: {  	s24 =	rddreg [dreg:$0x4];
	[sflag:s15] =	ssyncset.done $0x0  }
0x70: {  	[sflag:s15] =	ssyncadd.s32 $0xFFFFF380;
	s5 =	sadd.s32 $0x0, s24  }
0x71: {  	[tilespmem:s16], [sflag:$0x4] =	stream.linear.gather [hbm4b:s5+s3], $0xC80, $0x38;
	[tilespmem:$0x1D800] =	vst v63  }
0x72: {  	_ =	swait.ge [sflag:s15], $0xC80  }
0x73: {  	[sflag:s15] =	ssyncset.done $0x0  }
0x74: {  	[sflag:s15] =	ssyncadd.s32 $0xFFFFF380  }
0x75: {  	[tilespmem:s14], [sflag:$0x1] =	stream.indirect.gather [hbm4b:s4+s17], $0x80, s3, s17, $0xb8;
	[tilespmem:$0x1D800] =	vst v63  }
0x76: {  	s12 =	rddreg [dreg:$0x5]  }
0x77: {  	[tilespmem:s18], [sflag:$0x2] =	stream.indirect.gather [hbm4b:s4+s17], $0x80, s12, s17, $0xb8;
	[tilespmem:$0x1D800] =	vst v63  }
0x78: {  	_ =	swait.ge [sflag:s19], $0x2800  }
0x79: {  	[sflag:s19] =	ssyncset.done $0x0  }
0x7a: {  	s13 =	rddreg [dreg:$0x6];
	[sflag:s19] =	ssyncadd.s32 $0xFFFFD800  }
0x7b: {  	[tilespmem:s20], [sflag:$0x3] =	stream.indirect.gather [hbm4b:s4+s17], $0x80, s13, s17, $0xb8;
	[tilespmem:$0x1D800] =	vst v63  }
0x7c: {  	_ = 	snop  }
0x7d: {  	[spmem:s2] =	stream.indirect.scatter.add.f32 [tilespmem:s14], [sflag:$0x4], $0x80, s16, s17, $0xb8;
	[tilespmem:$0x1D800] =	vst v63  }
0x7e: {  	_ =	swait.ge [sflag:s15], $0x2800  }
0x7f: {  	[sflag:s15] =	ssyncset.done $0x0  }
0x80: {  	[sflag:s15] =	ssyncadd.s32 $0xFFFFD800  }
0x81: {  	_ =	swait.ge [sflag:s21], $0x2800  }
0x82: {  	[sflag:s21] =	ssyncset.done $0x0  }
0x83: {  	s24 =	rddreg [dreg:$0x7];
	[sflag:s21] =	ssyncadd.s32 $0xFFFFD800  }
0x84: {  	[tilespmem:s14], [sflag:$0x1] =	stream.indirect.gather [hbm4b:s4+s17], $0x80, s24, s17, $0xb8;
	[tilespmem:$0x1D800] =	vst v63  }
0x85: {  	s12 =	rddreg [dreg:$0x8]  }
0x86: {  	[spmem:s2] =	stream.indirect.scatter.add.f32 [tilespmem:s18], [sflag:$0x4], $0x80, s12, s17, $0xb8;
	[tilespmem:$0x1D800] =	vst v63  }
0x87: {  	_ =	swait.ge [sflag:s15], $0x2800  }
0x88: {  	[sflag:s15] =	ssyncset.done $0x0  }
0x89: {  	[sflag:s15] =	ssyncadd.s32 $0xFFFFD800  }
0x8a: {  	_ =	swait.ge [sflag:s22], $0x2800  }
0x8b: {  	[sflag:s22] =	ssyncset.done $0x0  }
0x8c: {  	s24 =	rddreg [dreg:$0x9];
	[sflag:s22] =	ssyncadd.s32 $0xFFFFD800  }
0x8d: {  	[tilespmem:s18], [sflag:$0x2] =	stream.indirect.gather [hbm4b:s4+s17], $0x80, s24, s17, $0xb8;
	[tilespmem:$0x1D800] =	vst v63  }
0x8e: {  	s12 =	rddreg [dreg:$0xa]  }
0x8f: {  	[spmem:s2] =	stream.indirect.scatter.add.f32 [tilespmem:s20], [sflag:$0x4], $0x80, s12, s17, $0xb8;
	[tilespmem:$0x1D800] =	vst v63  }
0x90: {  	_ =	swait.ge [sflag:s15], $0x2800  }
0x91: {  	[sflag:s15] =	ssyncset.done $0x0  }
0x92: {  	[sflag:s15] =	ssyncadd.s32 $0xFFFFD800  }
0x93: {  	_ =	swait.ge [sflag:s19], $0x2800  }
0x94: {  	[sflag:s19] =	ssyncset.done $0x0  }
0x95: {  	s24 =	rddreg [dreg:$0xb];
	[sflag:s19] =	ssyncadd.s32 $0xFFFFD800  }
0x96: {  	[tilespmem:s20], [sflag:$0x3] =	stream.indirect.gather [hbm4b:s4+s17], $0x80, s24, s17, $0xb8;
	[tilespmem:$0x1D800] =	vst v63  }
0x97: {  	s12 =	rddreg [dreg:$0xc]  }
0x98: {  	[spmem:s2] =	stream.indirect.scatter.add.f32 [tilespmem:s14], [sflag:$0x4], $0x80, s12, s17, $0xb8;
	[tilespmem:$0x1D800] =	vst v63  }
0x99: {  	_ =	swait.ge [sflag:s15], $0x2800  }
0x9a: {  	[sflag:s15] =	ssyncset.done $0x0  }
0x9b: {  	[sflag:s15] =	ssyncadd.s32 $0xFFFFD800  }
0x9c: {  	_ =	swait.ge [sflag:s21], $0x2800  }
0x9d: {  	[sflag:s21] =	ssyncset.done $0x0  }
0x9e: {  	s24 =	rddreg [dreg:$0xd];
	[sflag:s21] =	ssyncadd.s32 $0xFFFFD800  }
0x9f: {  	[tilespmem:s14], [sflag:$0x1] =	stream.indirect.gather [hbm4b:s4+s17], $0x80, s24, s17, $0xb8;
	[tilespmem:$0x1D800] =	vst v63  }
0xa0: {  	s12 =	rddreg [dreg:$0xe]  }
0xa1: {  	[spmem:s2] =	stream.indirect.scatter.add.f32 [tilespmem:s18], [sflag:$0x4], $0x80, s12, s17, $0xb8;
	[tilespmem:$0x1D800] =	vst v63  }
0xa2: {  	_ =	swait.ge [sflag:s15], $0x2800  }
0xa3: {  	[sflag:s15] =	ssyncset.done $0x0  }
0xa4: {  	[sflag:s15] =	ssyncadd.s32 $0xFFFFD800  }
0xa5: {  	_ =	swait.ge [sflag:s22], $0x2800  }
0xa6: {  	[sflag:s22] =	ssyncset.done $0x0  }
0xa7: {  	s24 =	rddreg [dreg:$0xf];
	[sflag:s22] =	ssyncadd.s32 $0xFFFFD800  }
0xa8: {  	[tilespmem:s18], [sflag:$0x2] =	stream.indirect.gather [hbm4b:s4+s17], $0x80, s24, s17, $0xb8;
	[tilespmem:$0x1D800] =	vst v63  }
0xa9: {  	s12 =	rddreg [dreg:$0x10]  }
0xaa: {  	[spmem:s2] =	stream.indirect.scatter.add.f32 [tilespmem:s20], [sflag:$0x4], $0x80, s12, s17, $0xb8;
	[tilespmem:$0x1D800] =	vst v63  }
0xab: {  	_ =	swait.ge [sflag:s15], $0x2800  }
0xac: {  	[sflag:s15] =	ssyncset.done $0x0  }
0xad: {  	[sflag:s15] =	ssyncadd.s32 $0xFFFFD800  }
0xae: {  	_ =	swait.ge [sflag:s19], $0x2800  }
0xaf: {  	[sflag:s19] =	ssyncset.done $0x0  }
0xb0: {  	s24 =	rddreg [dreg:$0x11];
	[sflag:s19] =	ssyncadd.s32 $0xFFFFD800  }
0xb1: {  	[tilespmem:s20], [sflag:$0x3] =	stream.indirect.gather [hbm4b:s4+s17], $0x80, s24, s17, $0xb8;
	[tilespmem:$0x1D800] =	vst v63  }
0xb2: {  	s12 =	rddreg [dreg:$0x12]  }
0xb3: {  	[spmem:s2] =	stream.indirect.scatter.add.f32 [tilespmem:s14], [sflag:$0x4], $0x80, s12, s17, $0xb8;
	[tilespmem:$0x1D800] =	vst v63  }
0xb4: {  	_ =	swait.ge [sflag:s15], $0x2800  }
0xb5: {  	[sflag:s15] =	ssyncset.done $0x0  }
0xb6: {  	[sflag:s15] =	ssyncadd.s32 $0xFFFFD800  }
0xb7: {  	_ =	swait.ge [sflag:s21], $0x2800  }
0xb8: {  	[sflag:s21] =	ssyncset.done $0x0  }
0xb9: {  	s24 =	rddreg [dreg:$0x13];
	[sflag:s21] =	ssyncadd.s32 $0xFFFFD800  }
0xba: {  	[tilespmem:s14], [sflag:$0x1] =	stream.indirect.gather [hbm4b:s4+s17], $0x80, s24, s17, $0xb8;
	[tilespmem:$0x1D800] =	vst v63  }
0xbb: {  	s12 =	rddreg [dreg:$0x14]  }
0xbc: {  	[spmem:s2] =	stream.indirect.scatter.add.f32 [tilespmem:s18], [sflag:$0x4], $0x80, s12, s17, $0xb8;
	[tilespmem:$0x1D800] =	vst v63  }
0xbd: {  	_ =	swait.ge [sflag:s15], $0x2800  }
0xbe: {  	[sflag:s15] =	ssyncset.done $0x0  }
0xbf: {  	[sflag:s15] =	ssyncadd.s32 $0xFFFFD800  }
0xc0: {  	_ =	swait.ge [sflag:s22], $0x2800  }
0xc1: {  	[sflag:s22] =	ssyncset.done $0x0  }
0xc2: {  	s24 =	rddreg [dreg:$0x15];
	[sflag:s22] =	ssyncadd.s32 $0xFFFFD800  }
0xc3: {  	[tilespmem:s18], [sflag:$0x2] =	stream.indirect.gather [hbm4b:s4+s17], $0x80, s24, s17, $0xb8;
	[tilespmem:$0x1D800] =	vst v63  }
0xc4: {  	s12 =	rddreg [dreg:$0x16]  }
0xc5: {  	[spmem:s2] =	stream.indirect.scatter.add.f32 [tilespmem:s20], [sflag:$0x4], $0x80, s12, s17, $0xb8;
	[tilespmem:$0x1D800] =	vst v63  }
0xc6: {  	_ =	swait.ge [sflag:s15], $0x2800  }
0xc7: {  	[sflag:s15] =	ssyncset.done $0x0  }
0xc8: {  	[sflag:s15] =	ssyncadd.s32 $0xFFFFD800  }
0xc9: {  	_ =	swait.ge [sflag:s19], $0x2800  }
0xca: {  	[sflag:s19] =	ssyncset.done $0x0  }
0xcb: {  	s24 =	rddreg [dreg:$0x17];
	[sflag:s19] =	ssyncadd.s32 $0xFFFFD800  }
0xcc: {  	[tilespmem:s20], [sflag:$0x3] =	stream.indirect.gather [hbm4b:s4+s17], $0x80, s24, s17, $0xb8;
	[tilespmem:$0x1D800] =	vst v63  }
0xcd: {  	s12 =	rddreg [dreg:$0x18]  }
0xce: {  	[spmem:s2] =	stream.indirect.scatter.add.f32 [tilespmem:s14], [sflag:$0x4], $0x80, s12, s17, $0xb8;
	[tilespmem:$0x1D800] =	vst v63  }
0xcf: {  	_ =	swait.ge [sflag:s15], $0x2800  }
0xd0: {  	[sflag:s15] =	ssyncset.done $0x0  }
0xd1: {  	[sflag:s15] =	ssyncadd.s32 $0xFFFFD800  }
0xd2: {  	_ =	swait.ge [sflag:s21], $0x2800  }
0xd3: {  	[sflag:s21] =	ssyncset.done $0x0  }
0xd4: {  	s24 =	rddreg [dreg:$0x19];
	[sflag:s21] =	ssyncadd.s32 $0xFFFFD800  }
0xd5: {  	[tilespmem:s14], [sflag:$0x1] =	stream.indirect.gather [hbm4b:s4+s17], $0x80, s24, s17, $0xb8;
	[tilespmem:$0x1D800] =	vst v63  }
0xd6: {  	s12 =	rddreg [dreg:$0x1a]  }
0xd7: {  	[spmem:s2] =	stream.indirect.scatter.add.f32 [tilespmem:s18], [sflag:$0x4], $0x80, s12, s17, $0xb8;
	[tilespmem:$0x1D800] =	vst v63  }
0xd8: {  	_ =	swait.ge [sflag:s15], $0x2800  }
0xd9: {  	[sflag:s15] =	ssyncset.done $0x0  }
0xda: {  	[sflag:s15] =	ssyncadd.s32 $0xFFFFD800  }
0xdb: {  	_ =	swait.ge [sflag:s22], $0x2800  }
0xdc: {  	[sflag:s22] =	ssyncset.done $0x0  }
0xdd: {  	s24 =	rddreg [dreg:$0x1b];
	[sflag:s22] =	ssyncadd.s32 $0xFFFFD800  }
0xde: {  	[tilespmem:s18], [sflag:$0x2] =	stream.indirect.gather [hbm4b:s4+s17], $0x80, s24, s17, $0xb8;
	[tilespmem:$0x1D800] =	vst v63  }
0xdf: {  	s12 =	rddreg [dreg:$0x1c]  }
0xe0: {  	[spmem:s2] =	stream.indirect.scatter.add.f32 [tilespmem:s20], [sflag:$0x4], $0x80, s12, s17, $0xb8;
	[tilespmem:$0x1D800] =	vst v63  }
0xe1: {  	_ =	swait.ge [sflag:s15], $0x2800  }
0xe2: {  	[sflag:s15] =	ssyncset.done $0x0  }
0xe3: {  	[sflag:s15] =	ssyncadd.s32 $0xFFFFD800  }
0xe4: {  	_ =	swait.ge [sflag:s19], $0x2800  }
0xe5: {  	[sflag:s19] =	ssyncset.done $0x0  }
0xe6: {  	s24 =	rddreg [dreg:$0x1d];
	[sflag:s19] =	ssyncadd.s32 $0xFFFFD800  }
0xe7: {  	[tilespmem:s20], [sflag:$0x3] =	stream.indirect.gather [hbm4b:s4+s17], $0x80, s24, s17, $0xb8;
	[tilespmem:$0x1D800] =	vst v63  }
0xe8: {  	s12 =	rddreg [dreg:$0x1e]  }
0xe9: {  	[spmem:s2] =	stream.indirect.scatter.add.f32 [tilespmem:s14], [sflag:$0x4], $0x80, s12, s17, $0xb8;
	[tilespmem:$0x1D800] =	vst v63  }
0xea: {  	_ =	swait.ge [sflag:s15], $0x2800  }
0xeb: {  	[sflag:s15] =	ssyncset.done $0x0  }
0xec: {  	[sflag:s15] =	ssyncadd.s32 $0xFFFFD800  }
0xed: {  	_ =	swait.ge [sflag:s21], $0x2800  }
0xee: {  	s24 =	rddreg [dreg:$0x1f];
	[sflag:s21] =	ssyncset.done $0x0  }
0xef: {  	s12 =	sld [smem:$0x7F7];
	[sflag:s21] =	ssyncadd.s32 $0xFFFFD800  }
0xf0: {  	[tilespmem:s14], [sflag:$0x1] =	stream.indirect.gather [hbm4b:s4+s17], $0x80, s24, s17, $0xb8;
	[tilespmem:$0x1D800] =	vst v63  }
0xf1: {  	_ = 	snop  }
0xf2: {  	[spmem:s2] =	stream.indirect.scatter.add.f32 [tilespmem:s18], [sflag:$0x4], $0x80, s12, s17, $0xb8;
	[tilespmem:$0x1D800] =	vst v63  }
0xf3: {  	_ =	swait.ge [sflag:s15], $0x2800  }
0xf4: {  	[sflag:s15] =	ssyncset.done $0x0  }
0xf5: {  	[sflag:s15] =	ssyncadd.s32 $0xFFFFD800  }
0xf6: {  	_ =	swait.ge [sflag:s22], $0x2800  }
0xf7: {  	s24 =	sld [smem:$0x7F8]  }
0xf8: {  	[sflag:s22] =	ssyncset.done $0x0  }
0xf9: {  	s12 =	sld [smem:$0x7F9];
	[sflag:s22] =	ssyncadd.s32 $0xFFFFD800  }
0xfa: {  	[tilespmem:s18], [sflag:$0x2] =	stream.indirect.gather [hbm4b:s4+s17], $0x80, s24, s17, $0xb8;
	[tilespmem:$0x1D800] =	vst v63  }
0xfb: {  	_ = 	snop  }
0xfc: {  	[spmem:s2] =	stream.indirect.scatter.add.f32 [tilespmem:s20], [sflag:$0x4], $0x80, s12, s17, $0xb8;
	[tilespmem:$0x1D800] =	vst v63  }
0xfd: {  	_ =	swait.ge [sflag:s15], $0x2800  }
0xfe: {  	[sflag:s15] =	ssyncset.done $0x0  }
0xff: {  	[sflag:s15] =	ssyncadd.s32 $0xFFFFD800  }
0x100: {  	_ =	swait.ge [sflag:s19], $0x2800  }
0x101: {  	s24 =	sld [smem:$0x7FA]  }
0x102: {  	[sflag:s19] =	ssyncset.done $0x0  }
0x103: {  	s12 =	sld [smem:$0x7FB];
	[sflag:s19] =	ssyncadd.s32 $0xFFFFD800  }
0x104: {  	[tilespmem:s20], [sflag:$0x3] =	stream.indirect.gather [hbm4b:s4+s17], $0x80, s24, s17, $0xb8;
	[tilespmem:$0x1D800] =	vst v63  }
0x105: {  	_ = 	snop  }
0x106: {  	[spmem:s2] =	stream.indirect.scatter.add.f32 [tilespmem:s14], [sflag:$0x4], $0x80, s12, s17, $0xb8;
	[tilespmem:$0x1D800] =	vst v63  }
0x107: {  	_ =	swait.ge [sflag:s15], $0x2800  }
0x108: {  	[sflag:s15] =	ssyncset.done $0x0  }
0x109: {  	[sflag:s15] =	ssyncadd.s32 $0xFFFFD800  }
0x10a: {  	_ =	swait.ge [sflag:s21], $0x2800  }
0x10b: {  	s24 =	sld [smem:$0x7FC]  }
0x10c: {  	[sflag:s21] =	ssyncset.done $0x0  }
0x10d: {  	[sflag:s21] =	ssyncadd.s32 $0xFFFFD800  }
0x10e: {  	[tilespmem:s14], [sflag:$0x1] =	stream.indirect.gather [hbm4b:s4+s17], $0x80, s24, s17, $0xb8;
	[tilespmem:$0x1D800] =	vst v63  }
0x10f: {  	_ = 	snop  }
0x110: {  	[spmem:s2] =	stream.indirect.scatter.add.f32 [tilespmem:s18], [sflag:$0x4], $0x80, s23, s17, $0xb8;
	[tilespmem:$0x1D800] =	vst v63  }
0x111: {  	_ =	swait.ge [sflag:s15], $0x2800  }
0x112: {  	[sflag:s15] =	ssyncset.done $0x0  }
0x113: {  	[sflag:s15] =	ssyncadd.s32 $0xFFFFD800  }
0x114: {  	_ =	swait.ge [sflag:s22], $0x2800  }
0x115: {  	[sflag:s22] =	ssyncset.done $0x0  }
0x116: {  	[sflag:s22] =	ssyncadd.s32 $0xFFFFD800  }
0x117: {  	[tilespmem:s18], [sflag:$0x2] =	stream.indirect.gather [hbm4b:s4+s17], $0x80, s25, s17, $0xb8;
	[tilespmem:$0x1D800] =	vst v63  }
0x118: {  	_ = 	snop  }
0x119: {  	[spmem:s2] =	stream.indirect.scatter.add.f32 [tilespmem:s20], [sflag:$0x4], $0x80, s26, s17, $0xb8;
	[tilespmem:$0x1D800] =	vst v63  }
0x11a: {  	_ =	swait.ge [sflag:s15], $0x2800  }
0x11b: {  	[sflag:s15] =	ssyncset.done $0x0  }
0x11c: {  	[sflag:s15] =	ssyncadd.s32 $0xFFFFD800  }
0x11d: {  	_ =	swait.ge [sflag:s19], $0x2800  }
0x11e: {  	[sflag:s19] =	ssyncset.done $0x0  }
0x11f: {  	[sflag:s19] =	ssyncadd.s32 $0xFFFFD800  }
0x120: {  	[tilespmem:s20], [sflag:$0x3] =	stream.indirect.gather [hbm4b:s4+s17], $0x80, s28, s17, $0xb8;
	[tilespmem:$0x1D800] =	vst v63  }
0x121: {  	_ = 	snop  }
0x122: {  	[spmem:s2] =	stream.indirect.scatter.add.f32 [tilespmem:s14], [sflag:$0x4], $0x80, s29, s17, $0xb8;
	[tilespmem:$0x1D800] =	vst v63  }
0x123: {  	_ =	swait.ge [sflag:s15], $0x2800  }
0x124: {  	[sflag:s15] =	ssyncset.done $0x0  }
0x125: {  	[sflag:s15] =	ssyncadd.s32 $0xFFFFD800  }
0x126: {  	_ =	swait.ge [sflag:s21], $0x2800  }
0x127: {  	[sflag:s21] =	ssyncset.done $0x0  }
0x128: {  	[sflag:s21] =	ssyncadd.s32 $0xFFFFD800  }
0x129: {  	[tilespmem:s14], [sflag:$0x1] =	stream.indirect.gather [hbm4b:s4+s17], $0x80, s30, s17, $0xb8;
	[tilespmem:$0x1D800] =	vst v63  }
0x12a: {  	_ = 	snop  }
0x12b: {  	[spmem:s2] =	stream.indirect.scatter.add.f32 [tilespmem:s18], [sflag:$0x4], $0x80, s31, s17, $0xb8;
	[tilespmem:$0x1D800] =	vst v63  }
0x12c: {  	_ =	swait.ge [sflag:s15], $0x2800  }
0x12d: {  	[sflag:s15] =	ssyncset.done $0x0  }
0x12e: {  	[sflag:s15] =	ssyncadd.s32 $0xFFFFD800  }
0x12f: {  	_ =	swait.ge [sflag:s22], $0x2800  }
0x130: {  	[sflag:s22] =	ssyncset.done $0x0  }
0x131: {  	[sflag:s22] =	ssyncadd.s32 $0xFFFFD800  }
0x132: {  	[tilespmem:s18], [sflag:$0x2] =	stream.indirect.gather [hbm4b:s4+s17], $0x80, s1, s17, $0xb8;
	[tilespmem:$0x1D800] =	vst v63  }
0x133: {  	_ = 	snop  }
0x134: {  	[spmem:s2] =	stream.indirect.scatter.add.f32 [tilespmem:s20], [sflag:$0x4], $0x80, s0, s17, $0xb8;
	[tilespmem:$0x1D800] =	vst v63  }
0x135: {  	_ =	swait.ge [sflag:s15], $0x2800  }
0x136: {  	[sflag:s15] =	ssyncset.done $0x0  }
0x137: {  	[sflag:s15] =	ssyncadd.s32 $0xFFFFD800  }
0x138: {  	_ =	swait.ge [sflag:s19], $0x2800  }
0x139: {  	[sflag:s19] =	ssyncset.done $0x0  }
0x13a: {  	[sflag:s19] =	ssyncadd.s32 $0xFFFFD800  }
0x13b: {  	[tilespmem:s20], [sflag:$0x3] =	stream.indirect.gather [hbm4b:s4+s17], $0x80, s6, s17, $0xb8;
	[tilespmem:$0x1D800] =	vst v63  }
0x13c: {  	_ = 	snop  }
0x13d: {  	[spmem:s2] =	stream.indirect.scatter.add.f32 [tilespmem:s14], [sflag:$0x4], $0x80, s7, s17, $0xb8;
	[tilespmem:$0x1D800] =	vst v63  }
0x13e: {  	_ =	swait.ge [sflag:s15], $0x2800  }
0x13f: {  	[sflag:s15] =	ssyncset.done $0x0  }
0x140: {  	[sflag:s15] =	ssyncadd.s32 $0xFFFFD800  }
0x141: {  	_ =	swait.ge [sflag:s21], $0x2800  }
0x142: {  	[sflag:s21] =	ssyncset.done $0x0  }
0x143: {  	[sflag:s21] =	ssyncadd.s32 $0xFFFFD800  }
0x144: {  	[tilespmem:s14], [sflag:$0x1] =	stream.indirect.gather [hbm4b:s4+s17], $0x80, s8, s17, $0xb8;
	[tilespmem:$0x1D800] =	vst v63  }
0x145: {  	_ = 	snop  }
0x146: {  	[spmem:s2] =	stream.indirect.scatter.add.f32 [tilespmem:s18], [sflag:$0x4], $0x80, s9, s17, $0xb8;
	[tilespmem:$0x1D800] =	vst v63  }
0x147: {  	_ =	swait.ge [sflag:s15], $0x2800  }
0x148: {  	[sflag:s15] =	ssyncset.done $0x0  }
0x149: {  	[sflag:s15] =	ssyncadd.s32 $0xFFFFD800  }
0x14a: {  	_ =	swait.ge [sflag:s22], $0x2800  }
0x14b: {  	[sflag:s22] =	ssyncset.done $0x0  }
0x14c: {  	[sflag:s22] =	ssyncadd.s32 $0xFFFFD800  }
0x14d: {  	[spmem:s2] =	stream.indirect.scatter.add.f32 [tilespmem:s20], [sflag:$0x4], $0x80, s10, s17, $0xb8;
	[tilespmem:$0x1D800] =	vst v63  }
0x14e: {  	_ =	swait.ge [sflag:s15], $0x2800  }
0x14f: {  	[sflag:s15] =	ssyncset.done $0x0  }
0x150: {  	[sflag:s15] =	ssyncadd.s32 $0xFFFFD800  }
0x151: {  	_ =	swait.ge [sflag:s19], $0x2800  }
0x152: {  	[sflag:s19] =	ssyncset.done $0x0  }
0x153: {  	[sflag:s19] =	ssyncadd.s32 $0xFFFFD800  }
0x154: {  	[spmem:s2] =	stream.indirect.scatter.add.f32 [tilespmem:s14], [sflag:$0x4], $0x80, s11, s17, $0xb8;
	[tilespmem:$0x1D800] =	vst v63  }
0x155: {  	s13 =	simm.s32 $0x200;
	_ =	swait.ge [sflag:s15], $0x2800  }
0x156: {  	s24 =	simm.s32 $0x400;
	s5 =	rddreg [dreg:$0x3];
	[sflag:s15] =	ssyncset.done $0x0  }
.LBB2_4:
0x157: {  	[sflag:s15] =	ssyncadd.s32 $0xFFFFD800;
	s5 =	sadd.s32 s13, s5  }
0x158: {  	[tilespmem:s3], [sflag:$0x4] =	stream.linear.gather [hbm4b:s5+s3], $0xC80, $0x38;
	[tilespmem:$0x1D800] =	vst v63  }
0x159: {  	_ =	swait.ge [sflag:s15], $0xC80  }
0x15a: {  	s5 =	rddreg [dreg:$0x4];
	[sflag:s15] =	ssyncset.done $0x0  }
0x15b: {  	[sflag:s15] =	ssyncadd.s32 $0xFFFFF380;
	s5 =	sadd.s32 s13, s5  }
0x15c: {  	[tilespmem:s16], [sflag:$0x4] =	stream.linear.gather [hbm4b:s5+s3], $0xC80, $0x38;
	[tilespmem:$0x1D800] =	vst v63  }
0x15d: {  	_ =	swait.ge [sflag:s15], $0xC80  }
0x15e: {  	[sflag:s15] =	ssyncset.done $0x0  }
0x15f: {  	s12 =	smov.u32 s24;
	[sflag:s15] =	ssyncadd.s32 $0xFFFFF380  }
0x160: {  	[tilespmem:s14], [sflag:$0x1] =	stream.indirect.gather [hbm4b:s4+s17], $0x80, s3, s17, $0xb8;
	[tilespmem:$0x1D800] =	vst v63  }
0x161: {  	s13 =	smov.u32 s12;
	s12 =	rddreg [dreg:$0x5]  }
0x162: {  	[tilespmem:s18], [sflag:$0x2] =	stream.indirect.gather [hbm4b:s4+s17], $0x80, s12, s17, $0xb8;
	[tilespmem:$0x1D800] =	vst v63  }
0x163: {  	_ =	swait.ge [sflag:s19], $0x2800  }
0x164: {  	[sflag:s19] =	ssyncset.done $0x0  }
0x165: {  	s12 =	rddreg [dreg:$0x6];
	[sflag:s19] =	ssyncadd.s32 $0xFFFFD800  }
0x166: {  	[tilespmem:s20], [sflag:$0x3] =	stream.indirect.gather [hbm4b:s4+s17], $0x80, s12, s17, $0xb8;
	[tilespmem:$0x1D800] =	vst v63  }
0x167: {  	_ = 	snop  }
0x168: {  	[spmem:s2] =	stream.indirect.scatter.add.f32 [tilespmem:s14], [sflag:$0x4], $0x80, s16, s17, $0xb8;
	[tilespmem:$0x1D800] =	vst v63  }
0x169: {  	_ =	swait.ge [sflag:s15], $0x2800  }
0x16a: {  	[sflag:s15] =	ssyncset.done $0x0  }
0x16b: {  	[sflag:s15] =	ssyncadd.s32 $0xFFFFD800  }
0x16c: {  	_ =	swait.ge [sflag:s21], $0x2800  }
0x16d: {  	[sflag:s21] =	ssyncset.done $0x0  }
0x16e: {  	s5 =	rddreg [dreg:$0x7];
	[sflag:s21] =	ssyncadd.s32 $0xFFFFD800  }
0x16f: {  	[tilespmem:s14], [sflag:$0x1] =	stream.indirect.gather [hbm4b:s4+s17], $0x80, s5, s17, $0xb8;
	[tilespmem:$0x1D800] =	vst v63  }
0x170: {  	s12 =	rddreg [dreg:$0x8]  }
0x171: {  	[spmem:s2] =	stream.indirect.scatter.add.f32 [tilespmem:s18], [sflag:$0x4], $0x80, s12, s17, $0xb8;
	[tilespmem:$0x1D800] =	vst v63  }
0x172: {  	_ =	swait.ge [sflag:s15], $0x2800  }
0x173: {  	[sflag:s15] =	ssyncset.done $0x0  }
0x174: {  	[sflag:s15] =	ssyncadd.s32 $0xFFFFD800  }
0x175: {  	_ =	swait.ge [sflag:s22], $0x2800  }
0x176: {  	[sflag:s22] =	ssyncset.done $0x0  }
0x177: {  	s5 =	rddreg [dreg:$0x9];
	[sflag:s22] =	ssyncadd.s32 $0xFFFFD800  }
0x178: {  	[tilespmem:s18], [sflag:$0x2] =	stream.indirect.gather [hbm4b:s4+s17], $0x80, s5, s17, $0xb8;
	[tilespmem:$0x1D800] =	vst v63  }
0x179: {  	s12 =	rddreg [dreg:$0xa]  }
0x17a: {  	[spmem:s2] =	stream.indirect.scatter.add.f32 [tilespmem:s20], [sflag:$0x4], $0x80, s12, s17, $0xb8;
	[tilespmem:$0x1D800] =	vst v63  }
0x17b: {  	_ =	swait.ge [sflag:s15], $0x2800  }
0x17c: {  	[sflag:s15] =	ssyncset.done $0x0  }
0x17d: {  	[sflag:s15] =	ssyncadd.s32 $0xFFFFD800  }
0x17e: {  	_ =	swait.ge [sflag:s19], $0x2800  }
0x17f: {  	[sflag:s19] =	ssyncset.done $0x0  }
0x180: {  	s5 =	rddreg [dreg:$0xb];
	[sflag:s19] =	ssyncadd.s32 $0xFFFFD800  }
0x181: {  	[tilespmem:s20], [sflag:$0x3] =	stream.indirect.gather [hbm4b:s4+s17], $0x80, s5, s17, $0xb8;
	[tilespmem:$0x1D800] =	vst v63  }
0x182: {  	s12 =	rddreg [dreg:$0xc]  }
0x183: {  	[spmem:s2] =	stream.indirect.scatter.add.f32 [tilespmem:s14], [sflag:$0x4], $0x80, s12, s17, $0xb8;
	[tilespmem:$0x1D800] =	vst v63  }
0x184: {  	_ =	swait.ge [sflag:s15], $0x2800  }
0x185: {  	[sflag:s15] =	ssyncset.done $0x0  }
0x186: {  	[sflag:s15] =	ssyncadd.s32 $0xFFFFD800  }
0x187: {  	_ =	swait.ge [sflag:s21], $0x2800  }
0x188: {  	[sflag:s21] =	ssyncset.done $0x0  }
0x189: {  	s5 =	rddreg [dreg:$0xd];
	[sflag:s21] =	ssyncadd.s32 $0xFFFFD800  }
0x18a: {  	[tilespmem:s14], [sflag:$0x1] =	stream.indirect.gather [hbm4b:s4+s17], $0x80, s5, s17, $0xb8;
	[tilespmem:$0x1D800] =	vst v63  }
0x18b: {  	s12 =	rddreg [dreg:$0xe]  }
0x18c: {  	[spmem:s2] =	stream.indirect.scatter.add.f32 [tilespmem:s18], [sflag:$0x4], $0x80, s12, s17, $0xb8;
	[tilespmem:$0x1D800] =	vst v63  }
0x18d: {  	_ =	swait.ge [sflag:s15], $0x2800  }
0x18e: {  	[sflag:s15] =	ssyncset.done $0x0  }
0x18f: {  	[sflag:s15] =	ssyncadd.s32 $0xFFFFD800  }
0x190: {  	_ =	swait.ge [sflag:s22], $0x2800  }
0x191: {  	[sflag:s22] =	ssyncset.done $0x0  }
0x192: {  	s5 =	rddreg [dreg:$0xf];
	[sflag:s22] =	ssyncadd.s32 $0xFFFFD800  }
0x193: {  	[tilespmem:s18], [sflag:$0x2] =	stream.indirect.gather [hbm4b:s4+s17], $0x80, s5, s17, $0xb8;
	[tilespmem:$0x1D800] =	vst v63  }
0x194: {  	s12 =	rddreg [dreg:$0x10]  }
0x195: {  	[spmem:s2] =	stream.indirect.scatter.add.f32 [tilespmem:s20], [sflag:$0x4], $0x80, s12, s17, $0xb8;
	[tilespmem:$0x1D800] =	vst v63  }
0x196: {  	_ =	swait.ge [sflag:s15], $0x2800  }
0x197: {  	[sflag:s15] =	ssyncset.done $0x0  }
0x198: {  	[sflag:s15] =	ssyncadd.s32 $0xFFFFD800  }
0x199: {  	_ =	swait.ge [sflag:s19], $0x2800  }
0x19a: {  	[sflag:s19] =	ssyncset.done $0x0  }
0x19b: {  	s5 =	rddreg [dreg:$0x11];
	[sflag:s19] =	ssyncadd.s32 $0xFFFFD800  }
0x19c: {  	[tilespmem:s20], [sflag:$0x3] =	stream.indirect.gather [hbm4b:s4+s17], $0x80, s5, s17, $0xb8;
	[tilespmem:$0x1D800] =	vst v63  }
0x19d: {  	s12 =	rddreg [dreg:$0x12]  }
0x19e: {  	[spmem:s2] =	stream.indirect.scatter.add.f32 [tilespmem:s14], [sflag:$0x4], $0x80, s12, s17, $0xb8;
	[tilespmem:$0x1D800] =	vst v63  }
0x19f: {  	_ =	swait.ge [sflag:s15], $0x2800  }
0x1a0: {  	[sflag:s15] =	ssyncset.done $0x0  }
0x1a1: {  	[sflag:s15] =	ssyncadd.s32 $0xFFFFD800  }
0x1a2: {  	_ =	swait.ge [sflag:s21], $0x2800  }
0x1a3: {  	[sflag:s21] =	ssyncset.done $0x0  }
0x1a4: {  	s5 =	rddreg [dreg:$0x13];
	[sflag:s21] =	ssyncadd.s32 $0xFFFFD800  }
0x1a5: {  	[tilespmem:s14], [sflag:$0x1] =	stream.indirect.gather [hbm4b:s4+s17], $0x80, s5, s17, $0xb8;
	[tilespmem:$0x1D800] =	vst v63  }
0x1a6: {  	s12 =	rddreg [dreg:$0x14]  }
0x1a7: {  	[spmem:s2] =	stream.indirect.scatter.add.f32 [tilespmem:s18], [sflag:$0x4], $0x80, s12, s17, $0xb8;
	[tilespmem:$0x1D800] =	vst v63  }
0x1a8: {  	_ =	swait.ge [sflag:s15], $0x2800  }
0x1a9: {  	[sflag:s15] =	ssyncset.done $0x0  }
0x1aa: {  	[sflag:s15] =	ssyncadd.s32 $0xFFFFD800  }
0x1ab: {  	_ =	swait.ge [sflag:s22], $0x2800  }
0x1ac: {  	[sflag:s22] =	ssyncset.done $0x0  }
0x1ad: {  	s5 =	rddreg [dreg:$0x15];
	[sflag:s22] =	ssyncadd.s32 $0xFFFFD800  }
0x1ae: {  	[tilespmem:s18], [sflag:$0x2] =	stream.indirect.gather [hbm4b:s4+s17], $0x80, s5, s17, $0xb8;
	[tilespmem:$0x1D800] =	vst v63  }
0x1af: {  	s12 =	rddreg [dreg:$0x16]  }
0x1b0: {  	[spmem:s2] =	stream.indirect.scatter.add.f32 [tilespmem:s20], [sflag:$0x4], $0x80, s12, s17, $0xb8;
	[tilespmem:$0x1D800] =	vst v63  }
0x1b1: {  	_ =	swait.ge [sflag:s15], $0x2800  }
0x1b2: {  	[sflag:s15] =	ssyncset.done $0x0  }
0x1b3: {  	[sflag:s15] =	ssyncadd.s32 $0xFFFFD800  }
0x1b4: {  	_ =	swait.ge [sflag:s19], $0x2800  }
0x1b5: {  	[sflag:s19] =	ssyncset.done $0x0  }
0x1b6: {  	s5 =	rddreg [dreg:$0x17];
	[sflag:s19] =	ssyncadd.s32 $0xFFFFD800  }
0x1b7: {  	[tilespmem:s20], [sflag:$0x3] =	stream.indirect.gather [hbm4b:s4+s17], $0x80, s5, s17, $0xb8;
	[tilespmem:$0x1D800] =	vst v63  }
0x1b8: {  	s12 =	rddreg [dreg:$0x18]  }
0x1b9: {  	[spmem:s2] =	stream.indirect.scatter.add.f32 [tilespmem:s14], [sflag:$0x4], $0x80, s12, s17, $0xb8;
	[tilespmem:$0x1D800] =	vst v63  }
0x1ba: {  	_ =	swait.ge [sflag:s15], $0x2800  }
0x1bb: {  	[sflag:s15] =	ssyncset.done $0x0  }
0x1bc: {  	[sflag:s15] =	ssyncadd.s32 $0xFFFFD800  }
0x1bd: {  	_ =	swait.ge [sflag:s21], $0x2800  }
0x1be: {  	[sflag:s21] =	ssyncset.done $0x0  }
0x1bf: {  	s5 =	rddreg [dreg:$0x19];
	[sflag:s21] =	ssyncadd.s32 $0xFFFFD800  }
0x1c0: {  	[tilespmem:s14], [sflag:$0x1] =	stream.indirect.gather [hbm4b:s4+s17], $0x80, s5, s17, $0xb8;
	[tilespmem:$0x1D800] =	vst v63  }
0x1c1: {  	s12 =	rddreg [dreg:$0x1a]  }
0x1c2: {  	[spmem:s2] =	stream.indirect.scatter.add.f32 [tilespmem:s18], [sflag:$0x4], $0x80, s12, s17, $0xb8;
	[tilespmem:$0x1D800] =	vst v63  }
0x1c3: {  	_ =	swait.ge [sflag:s15], $0x2800  }
0x1c4: {  	[sflag:s15] =	ssyncset.done $0x0  }
0x1c5: {  	[sflag:s15] =	ssyncadd.s32 $0xFFFFD800  }
0x1c6: {  	_ =	swait.ge [sflag:s22], $0x2800  }
0x1c7: {  	[sflag:s22] =	ssyncset.done $0x0  }
0x1c8: {  	s5 =	rddreg [dreg:$0x1b];
	[sflag:s22] =	ssyncadd.s32 $0xFFFFD800  }
0x1c9: {  	[tilespmem:s18], [sflag:$0x2] =	stream.indirect.gather [hbm4b:s4+s17], $0x80, s5, s17, $0xb8;
	[tilespmem:$0x1D800] =	vst v63  }
0x1ca: {  	s12 =	rddreg [dreg:$0x1c]  }
0x1cb: {  	[spmem:s2] =	stream.indirect.scatter.add.f32 [tilespmem:s20], [sflag:$0x4], $0x80, s12, s17, $0xb8;
	[tilespmem:$0x1D800] =	vst v63  }
0x1cc: {  	_ =	swait.ge [sflag:s15], $0x2800  }
0x1cd: {  	[sflag:s15] =	ssyncset.done $0x0  }
0x1ce: {  	[sflag:s15] =	ssyncadd.s32 $0xFFFFD800  }
0x1cf: {  	_ =	swait.ge [sflag:s19], $0x2800  }
0x1d0: {  	[sflag:s19] =	ssyncset.done $0x0  }
0x1d1: {  	s5 =	rddreg [dreg:$0x1d];
	[sflag:s19] =	ssyncadd.s32 $0xFFFFD800  }
0x1d2: {  	[tilespmem:s20], [sflag:$0x3] =	stream.indirect.gather [hbm4b:s4+s17], $0x80, s5, s17, $0xb8;
	[tilespmem:$0x1D800] =	vst v63  }
0x1d3: {  	s12 =	rddreg [dreg:$0x1e]  }
0x1d4: {  	[spmem:s2] =	stream.indirect.scatter.add.f32 [tilespmem:s14], [sflag:$0x4], $0x80, s12, s17, $0xb8;
	[tilespmem:$0x1D800] =	vst v63  }
0x1d5: {  	_ =	swait.ge [sflag:s15], $0x2800  }
0x1d6: {  	[sflag:s15] =	ssyncset.done $0x0  }
0x1d7: {  	[sflag:s15] =	ssyncadd.s32 $0xFFFFD800  }
0x1d8: {  	_ =	swait.ge [sflag:s21], $0x2800  }
0x1d9: {  	s5 =	rddreg [dreg:$0x1f];
	[sflag:s21] =	ssyncset.done $0x0  }
0x1da: {  	s12 =	sld [smem:$0x7F7];
	[sflag:s21] =	ssyncadd.s32 $0xFFFFD800  }
0x1db: {  	[tilespmem:s14], [sflag:$0x1] =	stream.indirect.gather [hbm4b:s4+s17], $0x80, s5, s17, $0xb8;
	[tilespmem:$0x1D800] =	vst v63  }
0x1dc: {  	_ = 	snop  }
0x1dd: {  	[spmem:s2] =	stream.indirect.scatter.add.f32 [tilespmem:s18], [sflag:$0x4], $0x80, s12, s17, $0xb8;
	[tilespmem:$0x1D800] =	vst v63  }
0x1de: {  	_ =	swait.ge [sflag:s15], $0x2800  }
0x1df: {  	[sflag:s15] =	ssyncset.done $0x0  }
0x1e0: {  	[sflag:s15] =	ssyncadd.s32 $0xFFFFD800  }
0x1e1: {  	_ =	swait.ge [sflag:s22], $0x2800  }
0x1e2: {  	s5 =	sld [smem:$0x7F8]  }
0x1e3: {  	[sflag:s22] =	ssyncset.done $0x0  }
0x1e4: {  	s12 =	sld [smem:$0x7F9];
	[sflag:s22] =	ssyncadd.s32 $0xFFFFD800  }
0x1e5: {  	[tilespmem:s18], [sflag:$0x2] =	stream.indirect.gather [hbm4b:s4+s17], $0x80, s5, s17, $0xb8;
	[tilespmem:$0x1D800] =	vst v63  }
0x1e6: {  	_ = 	snop  }
0x1e7: {  	[spmem:s2] =	stream.indirect.scatter.add.f32 [tilespmem:s20], [sflag:$0x4], $0x80, s12, s17, $0xb8;
	[tilespmem:$0x1D800] =	vst v63  }
0x1e8: {  	_ =	swait.ge [sflag:s15], $0x2800  }
0x1e9: {  	[sflag:s15] =	ssyncset.done $0x0  }
0x1ea: {  	[sflag:s15] =	ssyncadd.s32 $0xFFFFD800  }
0x1eb: {  	_ =	swait.ge [sflag:s19], $0x2800  }
0x1ec: {  	s5 =	sld [smem:$0x7FA]  }
0x1ed: {  	[sflag:s19] =	ssyncset.done $0x0  }
0x1ee: {  	s12 =	sld [smem:$0x7FB];
	[sflag:s19] =	ssyncadd.s32 $0xFFFFD800  }
0x1ef: {  	[tilespmem:s20], [sflag:$0x3] =	stream.indirect.gather [hbm4b:s4+s17], $0x80, s5, s17, $0xb8;
	[tilespmem:$0x1D800] =	vst v63  }
0x1f0: {  	_ = 	snop  }
0x1f1: {  	[spmem:s2] =	stream.indirect.scatter.add.f32 [tilespmem:s14], [sflag:$0x4], $0x80, s12, s17, $0xb8;
	[tilespmem:$0x1D800] =	vst v63  }
0x1f2: {  	_ =	swait.ge [sflag:s15], $0x2800  }
0x1f3: {  	[sflag:s15] =	ssyncset.done $0x0  }
0x1f4: {  	[sflag:s15] =	ssyncadd.s32 $0xFFFFD800  }
0x1f5: {  	_ =	swait.ge [sflag:s21], $0x2800  }
0x1f6: {  	s12 =	sld [smem:$0x7FC]  }
0x1f7: {  	[sflag:s21] =	ssyncset.done $0x0  }
0x1f8: {  	[sflag:s21] =	ssyncadd.s32 $0xFFFFD800  }
0x1f9: {  	[tilespmem:s14], [sflag:$0x1] =	stream.indirect.gather [hbm4b:s4+s17], $0x80, s12, s17, $0xb8;
	[tilespmem:$0x1D800] =	vst v63  }
0x1fa: {  	_ = 	snop  }
0x1fb: {  	[spmem:s2] =	stream.indirect.scatter.add.f32 [tilespmem:s18], [sflag:$0x4], $0x80, s23, s17, $0xb8;
	[tilespmem:$0x1D800] =	vst v63  }
0x1fc: {  	_ =	swait.ge [sflag:s15], $0x2800  }
0x1fd: {  	[sflag:s15] =	ssyncset.done $0x0  }
0x1fe: {  	[sflag:s15] =	ssyncadd.s32 $0xFFFFD800  }
0x1ff: {  	_ =	swait.ge [sflag:s22], $0x2800  }
0x200: {  	[sflag:s22] =	ssyncset.done $0x0  }
0x201: {  	[sflag:s22] =	ssyncadd.s32 $0xFFFFD800  }
0x202: {  	[tilespmem:s18], [sflag:$0x2] =	stream.indirect.gather [hbm4b:s4+s17], $0x80, s25, s17, $0xb8;
	[tilespmem:$0x1D800] =	vst v63  }
0x203: {  	_ = 	snop  }
0x204: {  	[spmem:s2] =	stream.indirect.scatter.add.f32 [tilespmem:s20], [sflag:$0x4], $0x80, s26, s17, $0xb8;
	[tilespmem:$0x1D800] =	vst v63  }
0x205: {  	_ =	swait.ge [sflag:s15], $0x2800  }
0x206: {  	[sflag:s15] =	ssyncset.done $0x0  }
0x207: {  	[sflag:s15] =	ssyncadd.s32 $0xFFFFD800  }
0x208: {  	_ =	swait.ge [sflag:s19], $0x2800  }
0x209: {  	[sflag:s19] =	ssyncset.done $0x0  }
0x20a: {  	[sflag:s19] =	ssyncadd.s32 $0xFFFFD800  }
0x20b: {  	[tilespmem:s20], [sflag:$0x3] =	stream.indirect.gather [hbm4b:s4+s17], $0x80, s28, s17, $0xb8;
	[tilespmem:$0x1D800] =	vst v63  }
0x20c: {  	_ = 	snop  }
0x20d: {  	[spmem:s2] =	stream.indirect.scatter.add.f32 [tilespmem:s14], [sflag:$0x4], $0x80, s29, s17, $0xb8;
	[tilespmem:$0x1D800] =	vst v63  }
0x20e: {  	_ =	swait.ge [sflag:s15], $0x2800  }
0x20f: {  	[sflag:s15] =	ssyncset.done $0x0  }
0x210: {  	[sflag:s15] =	ssyncadd.s32 $0xFFFFD800  }
0x211: {  	_ =	swait.ge [sflag:s21], $0x2800  }
0x212: {  	[sflag:s21] =	ssyncset.done $0x0  }
0x213: {  	[sflag:s21] =	ssyncadd.s32 $0xFFFFD800  }
0x214: {  	[tilespmem:s14], [sflag:$0x1] =	stream.indirect.gather [hbm4b:s4+s17], $0x80, s30, s17, $0xb8;
	[tilespmem:$0x1D800] =	vst v63  }
0x215: {  	_ = 	snop  }
0x216: {  	[spmem:s2] =	stream.indirect.scatter.add.f32 [tilespmem:s18], [sflag:$0x4], $0x80, s31, s17, $0xb8;
	[tilespmem:$0x1D800] =	vst v63  }
0x217: {  	_ =	swait.ge [sflag:s15], $0x2800  }
0x218: {  	[sflag:s15] =	ssyncset.done $0x0  }
0x219: {  	[sflag:s15] =	ssyncadd.s32 $0xFFFFD800  }
0x21a: {  	_ =	swait.ge [sflag:s22], $0x2800  }
0x21b: {  	[sflag:s22] =	ssyncset.done $0x0  }
0x21c: {  	[sflag:s22] =	ssyncadd.s32 $0xFFFFD800  }
0x21d: {  	[tilespmem:s18], [sflag:$0x2] =	stream.indirect.gather [hbm4b:s4+s17], $0x80, s1, s17, $0xb8;
	[tilespmem:$0x1D800] =	vst v63  }
0x21e: {  	_ = 	snop  }
0x21f: {  	[spmem:s2] =	stream.indirect.scatter.add.f32 [tilespmem:s20], [sflag:$0x4], $0x80, s0, s17, $0xb8;
	[tilespmem:$0x1D800] =	vst v63  }
0x220: {  	_ =	swait.ge [sflag:s15], $0x2800  }
0x221: {  	[sflag:s15] =	ssyncset.done $0x0  }
0x222: {  	[sflag:s15] =	ssyncadd.s32 $0xFFFFD800  }
0x223: {  	_ =	swait.ge [sflag:s19], $0x2800  }
0x224: {  	[sflag:s19] =	ssyncset.done $0x0  }
0x225: {  	[sflag:s19] =	ssyncadd.s32 $0xFFFFD800  }
0x226: {  	[tilespmem:s20], [sflag:$0x3] =	stream.indirect.gather [hbm4b:s4+s17], $0x80, s6, s17, $0xb8;
	[tilespmem:$0x1D800] =	vst v63  }
0x227: {  	_ = 	snop  }
0x228: {  	[spmem:s2] =	stream.indirect.scatter.add.f32 [tilespmem:s14], [sflag:$0x4], $0x80, s7, s17, $0xb8;
	[tilespmem:$0x1D800] =	vst v63  }
0x229: {  	_ =	swait.ge [sflag:s15], $0x2800  }
0x22a: {  	[sflag:s15] =	ssyncset.done $0x0  }
0x22b: {  	[sflag:s15] =	ssyncadd.s32 $0xFFFFD800  }
0x22c: {  	_ =	swait.ge [sflag:s21], $0x2800  }
0x22d: {  	[sflag:s21] =	ssyncset.done $0x0  }
0x22e: {  	[sflag:s21] =	ssyncadd.s32 $0xFFFFD800  }
0x22f: {  	[tilespmem:s14], [sflag:$0x1] =	stream.indirect.gather [hbm4b:s4+s17], $0x80, s8, s17, $0xb8;
	[tilespmem:$0x1D800] =	vst v63  }
0x230: {  	_ = 	snop  }
0x231: {  	[spmem:s2] =	stream.indirect.scatter.add.f32 [tilespmem:s18], [sflag:$0x4], $0x80, s9, s17, $0xb8;
	[tilespmem:$0x1D800] =	vst v63  }
0x232: {  	_ =	swait.ge [sflag:s15], $0x2800  }
0x233: {  	[sflag:s15] =	ssyncset.done $0x0  }
0x234: {  	[sflag:s15] =	ssyncadd.s32 $0xFFFFD800  }
0x235: {  	_ =	swait.ge [sflag:s22], $0x2800  }
0x236: {  	[sflag:s22] =	ssyncset.done $0x0  }
0x237: {  	[sflag:s22] =	ssyncadd.s32 $0xFFFFD800  }
0x238: {  	[spmem:s2] =	stream.indirect.scatter.add.f32 [tilespmem:s20], [sflag:$0x4], $0x80, s10, s17, $0xb8;
	[tilespmem:$0x1D800] =	vst v63  }
0x239: {  	_ =	swait.ge [sflag:s15], $0x2800  }
0x23a: {  	[sflag:s15] =	ssyncset.done $0x0  }
0x23b: {  	[sflag:s15] =	ssyncadd.s32 $0xFFFFD800  }
0x23c: {  	p0 =	sne.s32 s24, $0x800;
	_ =	swait.ge [sflag:s19], $0x2800  }
.Ltmp1:
0x23d: {  	[sflag:s19] =	ssyncset.done $0x0;
	(pc) =	sbr.rel @p0 .LBB2_4-.Ltmp1, $4  }
0x23e: {  	[sflag:s19] =	ssyncadd.s32 $0xFFFFD800  }
0x23f: {  	[spmem:s2] =	stream.indirect.scatter.add.f32 [tilespmem:s14], [sflag:$0x4], $0x80, s11, s17, $0xb8;
	[tilespmem:$0x1D800] =	vst v63  }
0x240: {  	_ =	swait.ge [sflag:s15], $0x2800  }
0x241: {  	s24 =	sadd.s32 $0x200, s24;
	s5 =	rddreg [dreg:$0x3];
	[sflag:s15] =	ssyncset.done $0x0  }
0x242: {  	[sflag:s15] =	ssyncadd.s32 $0xFFFFD800;
	s5 =	sadd.s32 s13, s5  }
0x243: {  	[tilespmem:s3], [sflag:$0x4] =	stream.linear.gather [hbm4b:s5+s3], $0xC80, $0x38;
	[tilespmem:$0x1D800] =	vst v63  }
0x244: {  	_ =	swait.ge [sflag:s15], $0xC80  }
0x245: {  	s24 =	rddreg [dreg:$0x4];
	[sflag:s15] =	ssyncset.done $0x0  }
0x246: {  	[sflag:s15] =	ssyncadd.s32 $0xFFFFF380;
	s5 =	sadd.s32 s13, s24  }
0x247: {  	[tilespmem:s16], [sflag:$0x4] =	stream.linear.gather [hbm4b:s5+s3], $0xC80, $0x38;
	[tilespmem:$0x1D800] =	vst v63  }
0x248: {  	_ =	swait.ge [sflag:s15], $0xC80  }
0x249: {  	[sflag:s15] =	ssyncset.done $0x0  }
0x24a: {  	[sflag:s15] =	ssyncadd.s32 $0xFFFFF380  }
0x24b: {  	[tilespmem:s14], [sflag:$0x1] =	stream.indirect.gather [hbm4b:s4+s17], $0x80, s3, s17, $0xb8;
	[tilespmem:$0x1D800] =	vst v63  }
0x24c: {  	s12 =	rddreg [dreg:$0x5]  }
0x24d: {  	[tilespmem:s18], [sflag:$0x2] =	stream.indirect.gather [hbm4b:s4+s17], $0x80, s12, s17, $0xb8;
	[tilespmem:$0x1D800] =	vst v63  }
0x24e: {  	_ =	swait.ge [sflag:s19], $0x2800  }
0x24f: {  	[sflag:s19] =	ssyncset.done $0x0  }
0x250: {  	s13 =	rddreg [dreg:$0x6];
	[sflag:s19] =	ssyncadd.s32 $0xFFFFD800  }
0x251: {  	[tilespmem:s20], [sflag:$0x3] =	stream.indirect.gather [hbm4b:s4+s17], $0x80, s13, s17, $0xb8;
	[tilespmem:$0x1D800] =	vst v63  }
0x252: {  	_ = 	snop  }
0x253: {  	[spmem:s2] =	stream.indirect.scatter.add.f32 [tilespmem:s14], [sflag:$0x4], $0x80, s16, s17, $0xb8;
	[tilespmem:$0x1D800] =	vst v63  }
0x254: {  	_ =	swait.ge [sflag:s15], $0x2800  }
0x255: {  	[sflag:s15] =	ssyncset.done $0x0  }
0x256: {  	[sflag:s15] =	ssyncadd.s32 $0xFFFFD800  }
0x257: {  	_ =	swait.ge [sflag:s21], $0x2800  }
0x258: {  	[sflag:s21] =	ssyncset.done $0x0  }
0x259: {  	s24 =	rddreg [dreg:$0x7];
	[sflag:s21] =	ssyncadd.s32 $0xFFFFD800  }
0x25a: {  	[tilespmem:s14], [sflag:$0x1] =	stream.indirect.gather [hbm4b:s4+s17], $0x80, s24, s17, $0xb8;
	[tilespmem:$0x1D800] =	vst v63  }
0x25b: {  	s12 =	rddreg [dreg:$0x8]  }
0x25c: {  	[spmem:s2] =	stream.indirect.scatter.add.f32 [tilespmem:s18], [sflag:$0x4], $0x80, s12, s17, $0xb8;
	[tilespmem:$0x1D800] =	vst v63  }
0x25d: {  	_ =	swait.ge [sflag:s15], $0x2800  }
0x25e: {  	[sflag:s15] =	ssyncset.done $0x0  }
0x25f: {  	[sflag:s15] =	ssyncadd.s32 $0xFFFFD800  }
0x260: {  	_ =	swait.ge [sflag:s22], $0x2800  }
0x261: {  	[sflag:s22] =	ssyncset.done $0x0  }
0x262: {  	s13 =	rddreg [dreg:$0x9];
	[sflag:s22] =	ssyncadd.s32 $0xFFFFD800  }
0x263: {  	[tilespmem:s18], [sflag:$0x2] =	stream.indirect.gather [hbm4b:s4+s17], $0x80, s13, s17, $0xb8;
	[tilespmem:$0x1D800] =	vst v63  }
0x264: {  	s24 =	rddreg [dreg:$0xa]  }
0x265: {  	[spmem:s2] =	stream.indirect.scatter.add.f32 [tilespmem:s20], [sflag:$0x4], $0x80, s24, s17, $0xb8;
	[tilespmem:$0x1D800] =	vst v63  }
0x266: {  	_ =	swait.ge [sflag:s15], $0x2800  }
0x267: {  	[sflag:s15] =	ssyncset.done $0x0  }
0x268: {  	[sflag:s15] =	ssyncadd.s32 $0xFFFFD800  }
0x269: {  	_ =	swait.ge [sflag:s19], $0x2800  }
0x26a: {  	[sflag:s19] =	ssyncset.done $0x0  }
0x26b: {  	s13 =	rddreg [dreg:$0xb];
	[sflag:s19] =	ssyncadd.s32 $0xFFFFD800  }
0x26c: {  	[tilespmem:s20], [sflag:$0x3] =	stream.indirect.gather [hbm4b:s4+s17], $0x80, s13, s17, $0xb8;
	[tilespmem:$0x1D800] =	vst v63  }
0x26d: {  	s24 =	rddreg [dreg:$0xc]  }
0x26e: {  	[spmem:s2] =	stream.indirect.scatter.add.f32 [tilespmem:s14], [sflag:$0x4], $0x80, s24, s17, $0xb8;
	[tilespmem:$0x1D800] =	vst v63  }
0x26f: {  	_ =	swait.ge [sflag:s15], $0x2800  }
0x270: {  	[sflag:s15] =	ssyncset.done $0x0  }
0x271: {  	[sflag:s15] =	ssyncadd.s32 $0xFFFFD800  }
0x272: {  	_ =	swait.ge [sflag:s21], $0x2800  }
0x273: {  	[sflag:s21] =	ssyncset.done $0x0  }
0x274: {  	s13 =	rddreg [dreg:$0xd];
	[sflag:s21] =	ssyncadd.s32 $0xFFFFD800  }
0x275: {  	[tilespmem:s14], [sflag:$0x1] =	stream.indirect.gather [hbm4b:s4+s17], $0x80, s13, s17, $0xb8;
	[tilespmem:$0x1D800] =	vst v63  }
0x276: {  	s24 =	rddreg [dreg:$0xe]  }
0x277: {  	[spmem:s2] =	stream.indirect.scatter.add.f32 [tilespmem:s18], [sflag:$0x4], $0x80, s24, s17, $0xb8;
	[tilespmem:$0x1D800] =	vst v63  }
0x278: {  	_ =	swait.ge [sflag:s15], $0x2800  }
0x279: {  	[sflag:s15] =	ssyncset.done $0x0  }
0x27a: {  	[sflag:s15] =	ssyncadd.s32 $0xFFFFD800  }
0x27b: {  	_ =	swait.ge [sflag:s22], $0x2800  }
0x27c: {  	[sflag:s22] =	ssyncset.done $0x0  }
0x27d: {  	s13 =	rddreg [dreg:$0xf];
	[sflag:s22] =	ssyncadd.s32 $0xFFFFD800  }
0x27e: {  	[tilespmem:s18], [sflag:$0x2] =	stream.indirect.gather [hbm4b:s4+s17], $0x80, s13, s17, $0xb8;
	[tilespmem:$0x1D800] =	vst v63  }
0x27f: {  	s24 =	rddreg [dreg:$0x10]  }
0x280: {  	[spmem:s2] =	stream.indirect.scatter.add.f32 [tilespmem:s20], [sflag:$0x4], $0x80, s24, s17, $0xb8;
	[tilespmem:$0x1D800] =	vst v63  }
0x281: {  	_ =	swait.ge [sflag:s15], $0x2800  }
0x282: {  	[sflag:s15] =	ssyncset.done $0x0  }
0x283: {  	[sflag:s15] =	ssyncadd.s32 $0xFFFFD800  }
0x284: {  	_ =	swait.ge [sflag:s19], $0x2800  }
0x285: {  	[sflag:s19] =	ssyncset.done $0x0  }
0x286: {  	s13 =	rddreg [dreg:$0x11];
	[sflag:s19] =	ssyncadd.s32 $0xFFFFD800  }
0x287: {  	[tilespmem:s20], [sflag:$0x3] =	stream.indirect.gather [hbm4b:s4+s17], $0x80, s13, s17, $0xb8;
	[tilespmem:$0x1D800] =	vst v63  }
0x288: {  	s24 =	rddreg [dreg:$0x12]  }
0x289: {  	[spmem:s2] =	stream.indirect.scatter.add.f32 [tilespmem:s14], [sflag:$0x4], $0x80, s24, s17, $0xb8;
	[tilespmem:$0x1D800] =	vst v63  }
0x28a: {  	_ =	swait.ge [sflag:s15], $0x2800  }
0x28b: {  	[sflag:s15] =	ssyncset.done $0x0  }
0x28c: {  	[sflag:s15] =	ssyncadd.s32 $0xFFFFD800  }
0x28d: {  	_ =	swait.ge [sflag:s21], $0x2800  }
0x28e: {  	[sflag:s21] =	ssyncset.done $0x0  }
0x28f: {  	s13 =	rddreg [dreg:$0x13];
	[sflag:s21] =	ssyncadd.s32 $0xFFFFD800  }
0x290: {  	[tilespmem:s14], [sflag:$0x1] =	stream.indirect.gather [hbm4b:s4+s17], $0x80, s13, s17, $0xb8;
	[tilespmem:$0x1D800] =	vst v63  }
0x291: {  	s24 =	rddreg [dreg:$0x14]  }
0x292: {  	[spmem:s2] =	stream.indirect.scatter.add.f32 [tilespmem:s18], [sflag:$0x4], $0x80, s24, s17, $0xb8;
	[tilespmem:$0x1D800] =	vst v63  }
0x293: {  	_ =	swait.ge [sflag:s15], $0x2800  }
0x294: {  	[sflag:s15] =	ssyncset.done $0x0  }
0x295: {  	[sflag:s15] =	ssyncadd.s32 $0xFFFFD800  }
0x296: {  	_ =	swait.ge [sflag:s22], $0x2800  }
0x297: {  	[sflag:s22] =	ssyncset.done $0x0  }
0x298: {  	s13 =	rddreg [dreg:$0x15];
	[sflag:s22] =	ssyncadd.s32 $0xFFFFD800  }
0x299: {  	[tilespmem:s18], [sflag:$0x2] =	stream.indirect.gather [hbm4b:s4+s17], $0x80, s13, s17, $0xb8;
	[tilespmem:$0x1D800] =	vst v63  }
0x29a: {  	s24 =	rddreg [dreg:$0x16]  }
0x29b: {  	[spmem:s2] =	stream.indirect.scatter.add.f32 [tilespmem:s20], [sflag:$0x4], $0x80, s24, s17, $0xb8;
	[tilespmem:$0x1D800] =	vst v63  }
0x29c: {  	_ =	swait.ge [sflag:s15], $0x2800  }
0x29d: {  	[sflag:s15] =	ssyncset.done $0x0  }
0x29e: {  	[sflag:s15] =	ssyncadd.s32 $0xFFFFD800  }
0x29f: {  	_ =	swait.ge [sflag:s19], $0x2800  }
0x2a0: {  	[sflag:s19] =	ssyncset.done $0x0  }
0x2a1: {  	s13 =	rddreg [dreg:$0x17];
	[sflag:s19] =	ssyncadd.s32 $0xFFFFD800  }
0x2a2: {  	[tilespmem:s20], [sflag:$0x3] =	stream.indirect.gather [hbm4b:s4+s17], $0x80, s13, s17, $0xb8;
	[tilespmem:$0x1D800] =	vst v63  }
0x2a3: {  	s24 =	rddreg [dreg:$0x18]  }
0x2a4: {  	[spmem:s2] =	stream.indirect.scatter.add.f32 [tilespmem:s14], [sflag:$0x4], $0x80, s24, s17, $0xb8;
	[tilespmem:$0x1D800] =	vst v63  }
0x2a5: {  	_ =	swait.ge [sflag:s15], $0x2800  }
0x2a6: {  	[sflag:s15] =	ssyncset.done $0x0  }
0x2a7: {  	[sflag:s15] =	ssyncadd.s32 $0xFFFFD800  }
0x2a8: {  	_ =	swait.ge [sflag:s21], $0x2800  }
0x2a9: {  	[sflag:s21] =	ssyncset.done $0x0  }
0x2aa: {  	s13 =	rddreg [dreg:$0x19];
	[sflag:s21] =	ssyncadd.s32 $0xFFFFD800  }
0x2ab: {  	[tilespmem:s14], [sflag:$0x1] =	stream.indirect.gather [hbm4b:s4+s17], $0x80, s13, s17, $0xb8;
	[tilespmem:$0x1D800] =	vst v63  }
0x2ac: {  	s24 =	rddreg [dreg:$0x1a]  }
0x2ad: {  	[spmem:s2] =	stream.indirect.scatter.add.f32 [tilespmem:s18], [sflag:$0x4], $0x80, s24, s17, $0xb8;
	[tilespmem:$0x1D800] =	vst v63  }
0x2ae: {  	_ =	swait.ge [sflag:s15], $0x2800  }
0x2af: {  	[sflag:s15] =	ssyncset.done $0x0  }
0x2b0: {  	[sflag:s15] =	ssyncadd.s32 $0xFFFFD800  }
0x2b1: {  	_ =	swait.ge [sflag:s22], $0x2800  }
0x2b2: {  	[sflag:s22] =	ssyncset.done $0x0  }
0x2b3: {  	s13 =	rddreg [dreg:$0x1b];
	[sflag:s22] =	ssyncadd.s32 $0xFFFFD800  }
0x2b4: {  	[tilespmem:s18], [sflag:$0x2] =	stream.indirect.gather [hbm4b:s4+s17], $0x80, s13, s17, $0xb8;
	[tilespmem:$0x1D800] =	vst v63  }
0x2b5: {  	s24 =	rddreg [dreg:$0x1c]  }
0x2b6: {  	[spmem:s2] =	stream.indirect.scatter.add.f32 [tilespmem:s20], [sflag:$0x4], $0x80, s24, s17, $0xb8;
	[tilespmem:$0x1D800] =	vst v63  }
0x2b7: {  	_ =	swait.ge [sflag:s15], $0x2800  }
0x2b8: {  	[sflag:s15] =	ssyncset.done $0x0  }
0x2b9: {  	[sflag:s15] =	ssyncadd.s32 $0xFFFFD800  }
0x2ba: {  	_ =	swait.ge [sflag:s19], $0x2800  }
0x2bb: {  	[sflag:s19] =	ssyncset.done $0x0  }
0x2bc: {  	s13 =	rddreg [dreg:$0x1d];
	[sflag:s19] =	ssyncadd.s32 $0xFFFFD800  }
0x2bd: {  	[tilespmem:s20], [sflag:$0x3] =	stream.indirect.gather [hbm4b:s4+s17], $0x80, s13, s17, $0xb8;
	[tilespmem:$0x1D800] =	vst v63  }
0x2be: {  	s24 =	rddreg [dreg:$0x1e]  }
0x2bf: {  	[spmem:s2] =	stream.indirect.scatter.add.f32 [tilespmem:s14], [sflag:$0x4], $0x80, s24, s17, $0xb8;
	[tilespmem:$0x1D800] =	vst v63  }
0x2c0: {  	_ =	swait.ge [sflag:s15], $0x2800  }
0x2c1: {  	[sflag:s15] =	ssyncset.done $0x0  }
0x2c2: {  	[sflag:s15] =	ssyncadd.s32 $0xFFFFD800  }
0x2c3: {  	_ =	swait.ge [sflag:s21], $0x2800  }
0x2c4: {  	s13 =	rddreg [dreg:$0x1f];
	[sflag:s21] =	ssyncset.done $0x0  }
0x2c5: {  	s24 =	sld [smem:$0x7F7];
	[sflag:s21] =	ssyncadd.s32 $0xFFFFD800  }
0x2c6: {  	[tilespmem:s14], [sflag:$0x1] =	stream.indirect.gather [hbm4b:s4+s17], $0x80, s13, s17, $0xb8;
	[tilespmem:$0x1D800] =	vst v63  }
0x2c7: {  	_ = 	snop  }
0x2c8: {  	[spmem:s2] =	stream.indirect.scatter.add.f32 [tilespmem:s18], [sflag:$0x4], $0x80, s24, s17, $0xb8;
	[tilespmem:$0x1D800] =	vst v63  }
0x2c9: {  	_ =	swait.ge [sflag:s15], $0x2800  }
0x2ca: {  	[sflag:s15] =	ssyncset.done $0x0  }
0x2cb: {  	[sflag:s15] =	ssyncadd.s32 $0xFFFFD800  }
0x2cc: {  	_ =	swait.ge [sflag:s22], $0x2800  }
0x2cd: {  	s13 =	sld [smem:$0x7F8]  }
0x2ce: {  	[sflag:s22] =	ssyncset.done $0x0  }
0x2cf: {  	s24 =	sld [smem:$0x7F9];
	[sflag:s22] =	ssyncadd.s32 $0xFFFFD800  }
0x2d0: {  	[tilespmem:s18], [sflag:$0x2] =	stream.indirect.gather [hbm4b:s4+s17], $0x80, s13, s17, $0xb8;
	[tilespmem:$0x1D800] =	vst v63  }
0x2d1: {  	_ = 	snop  }
0x2d2: {  	[spmem:s2] =	stream.indirect.scatter.add.f32 [tilespmem:s20], [sflag:$0x4], $0x80, s24, s17, $0xb8;
	[tilespmem:$0x1D800] =	vst v63  }
0x2d3: {  	_ =	swait.ge [sflag:s15], $0x2800  }
0x2d4: {  	[sflag:s15] =	ssyncset.done $0x0  }
0x2d5: {  	[sflag:s15] =	ssyncadd.s32 $0xFFFFD800  }
0x2d6: {  	_ =	swait.ge [sflag:s19], $0x2800  }
0x2d7: {  	s12 =	sld [smem:$0x7FA]  }
0x2d8: {  	[sflag:s19] =	ssyncset.done $0x0  }
0x2d9: {  	s13 =	sld [smem:$0x7FB];
	[sflag:s19] =	ssyncadd.s32 $0xFFFFD800  }
0x2da: {  	[tilespmem:s20], [sflag:$0x3] =	stream.indirect.gather [hbm4b:s4+s17], $0x80, s12, s17, $0xb8;
	[tilespmem:$0x1D800] =	vst v63  }
0x2db: {  	_ = 	snop  }
0x2dc: {  	[spmem:s2] =	stream.indirect.scatter.add.f32 [tilespmem:s14], [sflag:$0x4], $0x80, s13, s17, $0xb8;
	[tilespmem:$0x1D800] =	vst v63  }
0x2dd: {  	_ =	swait.ge [sflag:s15], $0x2800  }
0x2de: {  	[sflag:s15] =	ssyncset.done $0x0  }
0x2df: {  	[sflag:s15] =	ssyncadd.s32 $0xFFFFD800  }
0x2e0: {  	_ =	swait.ge [sflag:s21], $0x2800  }
0x2e1: {  	s24 =	sld [smem:$0x7FC]  }
0x2e2: {  	[sflag:s21] =	ssyncset.done $0x0  }
0x2e3: {  	[sflag:s21] =	ssyncadd.s32 $0xFFFFD800  }
0x2e4: {  	[tilespmem:s14], [sflag:$0x1] =	stream.indirect.gather [hbm4b:s4+s17], $0x80, s24, s17, $0xb8;
	[tilespmem:$0x1D800] =	vst v63  }
0x2e5: {  	_ = 	snop  }
0x2e6: {  	[spmem:s2] =	stream.indirect.scatter.add.f32 [tilespmem:s18], [sflag:$0x4], $0x80, s23, s17, $0xb8;
	[tilespmem:$0x1D800] =	vst v63  }
0x2e7: {  	_ =	swait.ge [sflag:s15], $0x2800  }
0x2e8: {  	[sflag:s15] =	ssyncset.done $0x0  }
0x2e9: {  	[sflag:s15] =	ssyncadd.s32 $0xFFFFD800  }
0x2ea: {  	_ =	swait.ge [sflag:s22], $0x2800  }
0x2eb: {  	[sflag:s22] =	ssyncset.done $0x0  }
0x2ec: {  	[sflag:s22] =	ssyncadd.s32 $0xFFFFD800  }
0x2ed: {  	[tilespmem:s18], [sflag:$0x2] =	stream.indirect.gather [hbm4b:s4+s17], $0x80, s25, s17, $0xb8;
	[tilespmem:$0x1D800] =	vst v63  }
0x2ee: {  	_ = 	snop  }
0x2ef: {  	[spmem:s2] =	stream.indirect.scatter.add.f32 [tilespmem:s20], [sflag:$0x4], $0x80, s26, s17, $0xb8;
	[tilespmem:$0x1D800] =	vst v63  }
0x2f0: {  	_ =	swait.ge [sflag:s15], $0x2800  }
0x2f1: {  	[sflag:s15] =	ssyncset.done $0x0  }
0x2f2: {  	[sflag:s15] =	ssyncadd.s32 $0xFFFFD800  }
0x2f3: {  	_ =	swait.ge [sflag:s19], $0x2800  }
0x2f4: {  	[sflag:s19] =	ssyncset.done $0x0  }
0x2f5: {  	[sflag:s19] =	ssyncadd.s32 $0xFFFFD800  }
0x2f6: {  	[tilespmem:s20], [sflag:$0x3] =	stream.indirect.gather [hbm4b:s4+s17], $0x80, s28, s17, $0xb8;
	[tilespmem:$0x1D800] =	vst v63  }
0x2f7: {  	_ = 	snop  }
0x2f8: {  	[spmem:s2] =	stream.indirect.scatter.add.f32 [tilespmem:s14], [sflag:$0x4], $0x80, s29, s17, $0xb8;
	[tilespmem:$0x1D800] =	vst v63  }
0x2f9: {  	_ =	swait.ge [sflag:s15], $0x2800  }
0x2fa: {  	[sflag:s15] =	ssyncset.done $0x0  }
0x2fb: {  	[sflag:s15] =	ssyncadd.s32 $0xFFFFD800  }
0x2fc: {  	_ =	swait.ge [sflag:s21], $0x2800  }
0x2fd: {  	[sflag:s21] =	ssyncset.done $0x0  }
0x2fe: {  	[sflag:s21] =	ssyncadd.s32 $0xFFFFD800  }
0x2ff: {  	[tilespmem:s14], [sflag:$0x1] =	stream.indirect.gather [hbm4b:s4+s17], $0x80, s30, s17, $0xb8;
	[tilespmem:$0x1D800] =	vst v63  }
0x300: {  	_ = 	snop  }
0x301: {  	[spmem:s2] =	stream.indirect.scatter.add.f32 [tilespmem:s18], [sflag:$0x4], $0x80, s31, s17, $0xb8;
	[tilespmem:$0x1D800] =	vst v63  }
0x302: {  	_ =	swait.ge [sflag:s15], $0x2800  }
0x303: {  	[sflag:s15] =	ssyncset.done $0x0  }
0x304: {  	[sflag:s15] =	ssyncadd.s32 $0xFFFFD800  }
0x305: {  	_ =	swait.ge [sflag:s22], $0x2800  }
0x306: {  	[sflag:s22] =	ssyncset.done $0x0  }
0x307: {  	[sflag:s22] =	ssyncadd.s32 $0xFFFFD800  }
0x308: {  	[tilespmem:s18], [sflag:$0x2] =	stream.indirect.gather [hbm4b:s4+s17], $0x80, s1, s17, $0xb8;
	[tilespmem:$0x1D800] =	vst v63  }
0x309: {  	_ = 	snop  }
0x30a: {  	[spmem:s2] =	stream.indirect.scatter.add.f32 [tilespmem:s20], [sflag:$0x4], $0x80, s0, s17, $0xb8;
	[tilespmem:$0x1D800] =	vst v63  }
0x30b: {  	_ =	swait.ge [sflag:s15], $0x2800  }
0x30c: {  	[sflag:s15] =	ssyncset.done $0x0  }
0x30d: {  	[sflag:s15] =	ssyncadd.s32 $0xFFFFD800  }
0x30e: {  	_ =	swait.ge [sflag:s19], $0x2800  }
0x30f: {  	[sflag:s19] =	ssyncset.done $0x0  }
0x310: {  	[sflag:s19] =	ssyncadd.s32 $0xFFFFD800  }
0x311: {  	[tilespmem:s20], [sflag:$0x3] =	stream.indirect.gather [hbm4b:s4+s17], $0x80, s6, s17, $0xb8;
	[tilespmem:$0x1D800] =	vst v63  }
0x312: {  	_ = 	snop  }
0x313: {  	[spmem:s2] =	stream.indirect.scatter.add.f32 [tilespmem:s14], [sflag:$0x4], $0x80, s7, s17, $0xb8;
	[tilespmem:$0x1D800] =	vst v63  }
0x314: {  	_ =	swait.ge [sflag:s15], $0x2800  }
0x315: {  	[sflag:s15] =	ssyncset.done $0x0  }
0x316: {  	[sflag:s15] =	ssyncadd.s32 $0xFFFFD800  }
0x317: {  	_ =	swait.ge [sflag:s21], $0x2800  }
0x318: {  	[sflag:s21] =	ssyncset.done $0x0  }
0x319: {  	[sflag:s21] =	ssyncadd.s32 $0xFFFFD800  }
0x31a: {  	[tilespmem:s14], [sflag:$0x1] =	stream.indirect.gather [hbm4b:s4+s17], $0x80, s8, s17, $0xb8;
	[tilespmem:$0x1D800] =	vst v63  }
0x31b: {  	_ = 	snop  }
0x31c: {  	[spmem:s2] =	stream.indirect.scatter.add.f32 [tilespmem:s18], [sflag:$0x4], $0x80, s9, s17, $0xb8;
	[tilespmem:$0x1D800] =	vst v63  }
0x31d: {  	_ =	swait.ge [sflag:s15], $0x2800  }
0x31e: {  	[sflag:s15] =	ssyncset.done $0x0  }
0x31f: {  	[sflag:s15] =	ssyncadd.s32 $0xFFFFD800  }
0x320: {  	_ =	swait.ge [sflag:s22], $0x2800  }
0x321: {  	[sflag:s22] =	ssyncset.done $0x0  }
0x322: {  	[sflag:s22] =	ssyncadd.s32 $0xFFFFD800  }
0x323: {  	[spmem:s2] =	stream.indirect.scatter.add.f32 [tilespmem:s20], [sflag:$0x4], $0x80, s10, s17, $0xb8;
	[tilespmem:$0x1D800] =	vst v63  }
0x324: {  	_ =	swait.ge [sflag:s15], $0x2800  }
0x325: {  	[sflag:s15] =	ssyncset.done $0x0  }
0x326: {  	[sflag:s15] =	ssyncadd.s32 $0xFFFFD800  }
0x327: {  	_ =	swait.ge [sflag:s19], $0x2800  }
0x328: {  	[sflag:s19] =	ssyncset.done $0x0  }
0x329: {  	[sflag:s19] =	ssyncadd.s32 $0xFFFFD800  }
0x32a: {  	[spmem:s2] =	stream.indirect.scatter.add.f32 [tilespmem:s14], [sflag:$0x4], $0x80, s11, s17, $0xb8;
	[tilespmem:$0x1D800] =	vst v63  }
0x32b: {  	_ =	swait.ge [sflag:s15], $0x2800  }
0x32c: {  	[sflag:s15] =	ssyncset.done $0x0  }
0x32d: {  	[sflag:s15] =	ssyncadd.s32 $0xFFFFD800  }
0x32e: {  	[bflag:$0x0] =	sbarrier.arrive $0xFFFF  }
0x32f: {  	s13 =	sld [smem:$0x7F4]  }
0x330: {  	s12 =	stileid.u32;
	s24 =	sld [smem:$0x7FD]  }
0x331: {  	s5 =	sshll.u32 s12, $0x6  }
0x332: {  	s5 =	sor.u32 $0x1C04, s5;
	s12 =	sshrl.u32 s13, $0x3  }
0x333: {  	[hbm:s24], [sflag:s5] =	dma.local [spmem:s12], $0x2800  }
0x334: {  	_ =	swait.ge [sflag:s15], $0x2800  }
0x335: {  	s13 =	sld [smem:$0x7ED]  }
0x336: {  	s24 =	sld [smem:$0x7F6];
	_ =	sdelay $0x1  }
0x337: {  	s12 =	sadd.s32 $0x1, s13  }
0x338: {  	p0 =	sne.s32 s12, s24  }
.Ltmp2:
0x339: {  	_ = 	snop;
	(pc) =	sbr.rel @p0 .LBB2_1-.Ltmp2, $3  }
0x33a: {  	_ =	sdelay $0x1  }
0x33b: {  	[sflag:s15] =	ssyncset.done $0x0  }
0x33c: {  	[sflag:s15] =	ssyncadd.s32 $0xFFFFD800  }
0x33d: {  	_ =	sfence.sel $0x180000  }
0x33e: {  	[bflag:$0x0] =	sbarrier.arrive $0xFFFF  }
0x33f: {  	_ =	strace $0x90000047  }
0x340: {  	s0 =	stileid.u32;
	[bflag:$0x2] =	sbarrier.arrive $0xFFFF  }
0x341: {  	p0 =	sne.s32 s0, $0x0;
	s0 =	rddreg [dreg:$0x2]  }
0x342: {  	s0 =	sadd.s32 @!p0 $0x100000, s0  }
0x343: {  	[sflag:s0] =	ssyncadd.tile.s32 @!p0 $0x1;
	_ =	shalt  }
.Lfunc_end2:
_tile_overlayer_lowered:
.L_overlay_start_2:
0x344: {  	(tag) =	ssettag $0x2  }
0x345: {  	s0 =	rddreg [dreg:$0x0];
	s2 =	stileid.u32  }
0x346: {  	s1 =	rddreg [dreg:$0x1];
	p0 =	sne.s32 s2, $0x0  }
0x347: {  	s3 =	rddreg [dreg:$0x2];
	[bflag:$0x3] =	sbarrier.arrive $0xFFFF;
	s2 =	simm.s32 @!p0 $0x1C04  }
0x348: {  	[timem:s3], [sflag:s2] =	dma.local @!p0 [hbm:s0], s1  }
0x349: {  	s0 =	simm.s32 @!p0 $0x4  }
0x34a: {  	_ =	swait.ge @!p0 [sflag:s0], s1  }
0x34b: {  	s1 =	ssub.s32 @!p0 $0x0, s1;
	[sflag:s0] =	ssyncset.done @!p0 $0x0  }
0x34c: {  	[sflag:s0] =	ssyncadd.s32 @!p0 s1  }
0x34d: {  	[bflag:$0x3] =	sbarrier.arrive $0xFFFF  }
0x34e: {  	_ =	shalt  }

</sc_bundles>
